<compile_context>
chip_gen: v7x
topology: tpu7x:2x2x1
jax: 0.10.2.dev20260603
libtpu: 0.0.44.dev20260713+nightly
codegen_flags: <defaults>
</compile_context>

<pallas_src>
import functools

import jax
import jax.numpy as jnp
from jax import lax
from jax.experimental import pallas as pl
from jax.experimental.pallas import tpu as pltpu
from jax.experimental.pallas import tpu_sc as plsc

NUM_FIELDS = 26
VOCAB = 100000
EMB = 16
BATCH = 16384

TOTAL = BATCH * NUM_FIELDS
NUM_WORKERS = 32
LANES = 16

WIN = VOCAB // 128
TAIL = VOCAB - WIN * 128
FSLOTS = (VOCAB // 8 + 7) // 8 * 8
SLOTS = NUM_FIELDS * FSLOTS
FROWS = FSLOTS * 8
NWIN = NUM_FIELDS * WIN
WPW = -(-NWIN // NUM_WORKERS)
NBUF = 12

PER_W = TOTAL // NUM_WORKERS
CHUNK = 128
N_CHUNKS = PER_W // CHUNK
SLICES = PER_W // LANES

_mesh = plsc.VectorSubcoreMesh(core_axis_name="c", subcore_axis_name="s")


@functools.partial(
    pl.kernel,
    mesh=_mesh,
    out_type=jax.ShapeDtypeStruct((SLOTS * 128,), jnp.float32),
    scratch_types=[
        pltpu.VMEM((NBUF, EMB, 128), jnp.float32),
        pltpu.VMEM((NBUF, EMB * 128), jnp.float32),
        pltpu.SemaphoreType.DMA((NBUF,)),
        pltpu.SemaphoreType.DMA((NBUF,)),
    ],
    compiler_params=pltpu.CompilerParams(
        use_tc_tiling_on_sc=True, needs_layout_passes=False
    ),
)
def _transpose_kernel(tab_hbm, tail_hbm, scr_hbm, blk, stg, rsem, wsem):
    wid = lax.axis_index("s") * 2 + lax.axis_index("c")
    lo = wid * WPW
    hi = jnp.minimum(lo + WPW, NWIN)
    iota = lax.iota(jnp.int32, LANES)

    def src_of(win):
        f = win // WIN
        w = win % WIN
        return tab_hbm.at[pl.ds(f * EMB, EMB), pl.ds(w * 128, 128)]

    def dst_of(win):
        f = win // WIN
        w = win % WIN
        return scr_hbm.at[pl.ds((f * FSLOTS + w * EMB) * 128, EMB * 128)]

    def start_read(win, s):
        pltpu.async_copy(src_of(win), blk.at[s], rsem.at[s])

    def wait_read(win, s):
        pltpu.make_async_copy(src_of(win), blk.at[s], rsem.at[s]).wait()

    def start_write(win, s):
        pltpu.async_copy(stg.at[s], dst_of(win), wsem.at[s])

    def wait_write(win, s):
        pltpu.make_async_copy(stg.at[s], dst_of(win), wsem.at[s]).wait()

    def prime(k):
        @pl.when(lo + k < hi)
        def _():
            start_read(lo + k, k)

    for k in range(NBUF - 1):
        prime(k)

    def body(win, _):
        i = win - lo
        s = lax.rem(i, NBUF)
        wait_read(win, s)

        @pl.when(i >= NBUF)
        def _():
            wait_write(win - NBUF, s)

        svec = jnp.zeros((LANES,), jnp.int32) + s

        @plsc.parallel_loop(0, 128, step=1, unroll=16)
        def _(j):
            c0 = (j & 7) * 16
            jj = j >> 3
            rot = (iota + jj) & 15
            vals = plsc.load_gather(blk.at[s], [iota, rot + c0])
            plsc.store_scatter(stg, [svec, rot * EMB + iota + c0 * EMB], vals)

        start_write(win, s)

        @pl.when(win + NBUF - 1 < hi)
        def _():
            start_read(win + NBUF - 1, lax.rem(i + NBUF - 1, NBUF))

        return 0

    lax.fori_loop(lo, hi, body, 0)

    def drain(win, _):
        wait_write(win, lax.rem(win - lo, NBUF))
        return 0

    lax.fori_loop(jnp.maximum(lo, hi - NBUF), hi, drain, 0)

    @pl.when(wid < NUM_FIELDS)
    def _():
        pltpu.sync_copy(tail_hbm.at[pl.ds(wid * 1024, 1024)], stg.at[0, pl.ds(0, 1024)])
        pltpu.sync_copy(
            stg.at[0, pl.ds(0, 1024)],
            scr_hbm.at[pl.ds((wid * FSLOTS + WIN * EMB) * 128, 1024)],
        )


@functools.partial(
    pl.kernel,
    mesh=_mesh,
    out_type=jax.ShapeDtypeStruct((TOTAL, EMB), jnp.float32),
    scratch_types=[
        pltpu.VMEM((PER_W,), jnp.int32),
        pltpu.VMEM((N_CHUNKS, CHUNK), jnp.int32),
        pltpu.VMEM((2, CHUNK, EMB), jnp.float32),
        pltpu.SemaphoreType.DMA((2,)),
        pltpu.SemaphoreType.DMA((2,)),
    ],
    compiler_params=pltpu.CompilerParams(
        use_tc_tiling_on_sc=False, needs_layout_passes=False
    ),
)
def _gather_kernel(idx_hbm, table_hbm, out_hbm, idx_v, gidx_v, rows_v, gsem, osem):
    wid = lax.axis_index("s") * 2 + lax.axis_index("c")
    base = wid * PER_W

    pltpu.sync_copy(idx_hbm.at[pl.ds(base, PER_W)], idx_v)

    def compute_gidx(s, _):
        pos = s * LANES
        fields = lax.rem(lax.iota(jnp.int32, LANES) + pos, NUM_FIELDS)
        g = idx_v[pl.ds(pos, LANES)] + fields * FROWS
        row = s // (CHUNK // LANES)
        col = (s % (CHUNK // LANES)) * LANES
        gidx_v[row, pl.ds(col, LANES)] = g
        return 0

    lax.fori_loop(0, SLICES, compute_gidx, 0)

    def start_gather(g, slot):
        pltpu.async_copy(table_hbm.at[gidx_v.at[g]], rows_v.at[slot], gsem.at[slot])

    def wait_gather(g, slot):
        pltpu.make_async_copy(
            table_hbm.at[gidx_v.at[g]], rows_v.at[slot], gsem.at[slot]
        ).wait()

    def start_out(g, slot):
        pltpu.async_copy(
            rows_v.at[slot], out_hbm.at[pl.ds(base + g * CHUNK, CHUNK)], osem.at[slot]
        )

    def wait_out(g, slot):
        pltpu.make_async_copy(
            rows_v.at[slot], out_hbm.at[pl.ds(base + g * CHUNK, CHUNK)], osem.at[slot]
        ).wait()

    start_gather(0, 0)

    def pipeline(g, _):
        slot = lax.rem(g, 2)
        nslot = 1 - slot

        @pl.when(g + 1 < N_CHUNKS)
        def _():
            @pl.when(g >= 1)
            def _():
                wait_out(g - 1, nslot)

            start_gather(g + 1, nslot)

        wait_gather(g, slot)
        start_out(g, slot)
        return 0

    lax.fori_loop(0, N_CHUNKS, pipeline, 0)
    wait_out(N_CHUNKS - 2, lax.rem(N_CHUNKS - 2, 2))
    wait_out(N_CHUNKS - 1, lax.rem(N_CHUNKS - 1, 2))


def kernel(graph_input, tables):
    tabT = tables.transpose(0, 2, 1).reshape(NUM_FIELDS * EMB, VOCAB)
    flat_idx = graph_input.reshape(TOTAL)
    tail = jnp.pad(
        tables[:, WIN * 128 :, :].reshape(NUM_FIELDS, TAIL * EMB // 128, 128),
        ((0, 0), (0, 8 - TAIL * EMB // 128), (0, 0)),
    ).reshape(NUM_FIELDS * 8 * 128)
    scr = _transpose_kernel(tabT, tail)
    scr2 = scr.reshape(SLOTS * 8, EMB)
    out = _gather_kernel(flat_idx, scr2)
    return out.reshape(BATCH, NUM_FIELDS * EMB)

# --- scband reference (transcript-rebuilt; emitter-appended) ---
"""Pipeline reference for scband-embedding-graph-attrs-54099408060735 (READ-ONLY COPY).

The authoritative reference and input builder live on the scoring server;
editing this copy changes nothing except your own understanding.
"""

import jax, jax.numpy as jnp
import numpy as np

NUM_FIELDS = 26
VOCAB = 100000
EMB = 16
BATCH = 16384


def setup_inputs(seed: int = 0) -> dict:
    key = jax.random.key(seed)
    k_idx, k_tab = jax.random.split(key)
    # graph input type ids: one integer per (sample, field)
    graph_input = jax.random.randint(k_idx, (BATCH, NUM_FIELDS), 0, VOCAB, dtype=jnp.int32)
    # 26 embedding tables, each [VOCAB, EMB], init normal(0, 1/sqrt(EMB)) as in the torch module
    tables = jax.random.normal(k_tab, (NUM_FIELDS, VOCAB, EMB), dtype=jnp.float32) * (1.0 / np.sqrt(EMB))
    return {"graph_input": graph_input, "tables": tables}


def reference(graph_input, tables):
    # data[GRAPH_INPUT_TYPE_KEY].reshape(-1, self.graph_inputs).T
    idx = graph_input.reshape(-1, NUM_FIELDS).T  # [NUM_FIELDS, BATCH]
    graph_attrs = []
    for i in range(NUM_FIELDS):
        # embedding(graph_input) -> gather rows from the i-th table
        graph_attrs.append(jnp.take(tables[i], idx[i], axis=0))  # [BATCH, EMB]
    # torch.cat(graph_attrs, dim=1)
    return jnp.concatenate(graph_attrs, axis=1)  # [BATCH, NUM_FIELDS*EMB]

if __name__ == "__main__":
    import jax
    _d = setup_inputs()
    print(jax.jit(kernel)(*tuple(_d.values())))

</pallas_src>

<mosaic_0001>
#map = affine_map<(d0, d1) -> (0, 0)>
#map1 = affine_map<(d0, d1) -> (0)>
module attributes {stable_mosaic.version = 14 : i64} {
  func.func @_transpose_kernel(%arg0: i32, %arg1: i32, %arg2: memref<416x100000xf32, #tpu.memory_space<hbm>>, %arg3: memref<26624xf32, #tpu.memory_space<hbm>>, %arg4: memref<41613312xf32, #tpu.memory_space<hbm>>, %arg5: memref<12x16x128xf32, #tpu.memory_space<vmem>>, %arg6: memref<12x2048xf32, #tpu.memory_space<vmem>>, %arg7: memref<12x!tpu.dma_semaphore, #tpu.memory_space<semaphore_mem>>, %arg8: memref<12x!tpu.dma_semaphore, #tpu.memory_space<semaphore_mem>>) attributes {dimension_semantics = [#tpu.dimension_semantics<core_parallel>, #tpu.dimension_semantics<subcore_parallel>], iteration_bounds = array<i64: 2, 16>, scalar_prefetch = 0 : i64, scratch_operands = 4 : i64, tpu.core_type = #tpu.core_type<sc_vector_subcore>, window_params = [{transform_indices = #map}, {transform_indices = #map1}, {transform_indices = #map1}]} {
    %mul3A = arith.constant 2 : i32
    %mul3A_0 = arith.muli %arg1, %mul3A : i32
    %add3A = arith.addi %mul3A_0, %arg0 : i32
    %mul3A_1 = arith.constant 635 : i32
    %mul3A_2 = arith.muli %add3A, %mul3A_1 : i32
    %add3A_3 = arith.constant 635 : i32
    %add3A_4 = arith.addi %mul3A_2, %add3A_3 : i32
    %min3A = arith.constant 20306 : i32
    %min3A_5 = arith.minsi %add3A_4, %min3A : i32
    %iota3A = tpu.iota {dimensions = array<i32: 0>} : vector<16xi32>
    %add3A_6 = arith.constant 0 : i32
    %add3A_7 = arith.addi %mul3A_2, %add3A_6 : i32
    %lt3A = arith.cmpi slt, %add3A_7, %min3A_5 : i32
    %convert_element_type3A = arith.extui %lt3A : i1 to i32
    %cond3A = arith.constant 0 : i32
    %cond3A_8 = arith.cmpi ne, %convert_element_type3A, %cond3A : i32
    scf.if %cond3A_8 {
      %add3A_96 = arith.constant 0 : i32
      %add3A_97 = arith.addi %mul3A_2, %add3A_96 : i32
      %jit3A = arith.constant 781 : i32
      %div3A = arith.divsi %add3A_97, %jit3A : i32
      %sign3A = arith.constant 0 : i32
      %sign3A_98 = arith.cmpi sgt, %add3A_97, %sign3A : i32
      %sign3A_99 = arith.extui %sign3A_98 : i1 to i32
      %sign3A_100 = arith.constant 0 : i32
      %sign3A_101 = arith.cmpi slt, %add3A_97, %sign3A_100 : i32
      %sign3A_102 = arith.extui %sign3A_101 : i1 to i32
      %sign3A_103 = arith.subi %sign3A_99, %sign3A_102 : i32
      %sign3A_104 = arith.constant 0 : i32
      %sign3A_105 = arith.cmpi sgt, %jit3A, %sign3A_104 : i32
      %sign3A_106 = arith.extui %sign3A_105 : i1 to i32
      %sign3A_107 = arith.constant 0 : i32
      %sign3A_108 = arith.cmpi slt, %jit3A, %sign3A_107 : i32
      %sign3A_109 = arith.extui %sign3A_108 : i1 to i32
      %sign3A_110 = arith.subi %sign3A_106, %sign3A_109 : i32
      %ne3A = arith.cmpi ne, %sign3A_103, %sign3A_110 : i32
      %rem3A = arith.remsi %add3A_97, %jit3A : i32
      %ne3A_111 = arith.constant 0 : i32
      %ne3A_112 = arith.cmpi ne, %rem3A, %ne3A_111 : i32
      %and3A = arith.andi %ne3A, %ne3A_112 : i1
      %sub3A_113 = arith.constant 1 : i32
      %sub3A_114 = arith.subi %div3A, %sub3A_113 : i32
      %select_n3A = arith.select %and3A, %sub3A_114, %div3A : i32
      %jit3A_115 = arith.constant 781 : i32
      %eq3A = arith.constant 0 : i32
      %eq3A_116 = arith.cmpi eq, %jit3A_115, %eq3A : i32
      %jit3A_117 = arith.constant 1 : i32
      %select_n3A_118 = arith.select %eq3A_116, %jit3A_117, %jit3A_115 : i32
      %rem3A_119 = arith.remsi %add3A_97, %select_n3A_118 : i32
      %ne3A_120 = arith.constant 0 : i32
      %ne3A_121 = arith.cmpi ne, %rem3A_119, %ne3A_120 : i32
      %lt3A_122 = arith.constant 0 : i32
      %lt3A_123 = arith.cmpi slt, %rem3A_119, %lt3A_122 : i32
      %lt3A_124 = arith.constant 0 : i32
      %lt3A_125 = arith.cmpi slt, %select_n3A_118, %lt3A_124 : i32
      %ne3A_126 = arith.xori %lt3A_123, %lt3A_125 : i1
      %and3A_127 = arith.andi %ne3A_126, %ne3A_121 : i1
      %add3A_128 = arith.addi %rem3A_119, %select_n3A_118 : i32
      %select_n3A_129 = arith.select %and3A_127, %add3A_128, %rem3A_119 : i32
      %mul3A_130 = arith.constant 16 : i32
      %mul3A_131 = arith.muli %select_n3A, %mul3A_130 : i32
      %mul3A_132 = arith.constant 128 : i32
      %mul3A_133 = arith.muli %select_n3A_129, %mul3A_132 : i32
      %dma_start3A = arith.constant 0 : i32
      %dma_start3A_134 = arith.constant 0 : i32
      %dma_start3A_135 = arith.constant 0 : i32
      %dma_start3A_136 = arith.constant 0 : i32
      %dma_start3A_137 = tpu.memref_slice %arg5[%dma_start3A, %dma_start3A_135, %dma_start3A_136] : memref<12x16x128xf32, #tpu.memory_space<vmem>> -> memref<1x16x128xf32, #tpu.memory_space<vmem>>
      %dma_start3A_138 = tpu.memref_squeeze %dma_start3A_137 : memref<1x16x128xf32, #tpu.memory_space<vmem>> -> memref<16x128xf32, #tpu.memory_space<vmem>>
      %dma_start3A_139 = tpu.memref_slice %arg2[%mul3A_131, %mul3A_133] : memref<416x100000xf32, #tpu.memory_space<hbm>> -> memref<16x128xf32, #tpu.memory_space<hbm>>
      %dma_start3A_140 = tpu.memref_slice %arg7[%dma_start3A_134] : memref<12x!tpu.dma_semaphore, #tpu.memory_space<semaphore_mem>> -> memref<1x!tpu.dma_semaphore, #tpu.memory_space<semaphore_mem>>
      %dma_start3A_141 = tpu.memref_squeeze %dma_start3A_140 : memref<1x!tpu.dma_semaphore, #tpu.memory_space<semaphore_mem>> -> memref<!tpu.dma_semaphore, #tpu.memory_space<semaphore_mem>>
      %dma_start3A_142 = arith.constant 0 : i32
      %dma_start3A_143 = arith.constant 0 : i32
      %dma_start3A_144 = tpu.memref_slice %arg5[%dma_start3A, %dma_start3A_142, %dma_start3A_143] : memref<12x16x128xf32, #tpu.memory_space<vmem>> -> memref<1x16x128xf32, #tpu.memory_space<vmem>>
      %dma_start3A_145 = tpu.memref_squeeze %dma_start3A_144 : memref<1x16x128xf32, #tpu.memory_space<vmem>> -> memref<16x128xf32, #tpu.memory_space<vmem>>
      %dma_start3A_146 = tpu.memref_slice %arg2[%mul3A_131, %mul3A_133] : memref<416x100000xf32, #tpu.memory_space<hbm>> -> memref<16x128xf32, #tpu.memory_space<hbm>>
      tpu.enqueue_dma source(%dma_start3A_146 : memref<16x128xf32, #tpu.memory_space<hbm>>) target(%dma_start3A_145 : memref<16x128xf32, #tpu.memory_space<vmem>>) target_semaphore(%dma_start3A_141 : memref<!tpu.dma_semaphore, #tpu.memory_space<semaphore_mem>>)
    } else {
    }
    %add3A_9 = arith.constant 1 : i32
    %add3A_10 = arith.addi %mul3A_2, %add3A_9 : i32
    %lt3A_11 = arith.cmpi slt, %add3A_10, %min3A_5 : i32
    %convert_element_type3A_12 = arith.extui %lt3A_11 : i1 to i32
    %cond3A_13 = arith.constant 0 : i32
    %cond3A_14 = arith.cmpi ne, %convert_element_type3A_12, %cond3A_13 : i32
    scf.if %cond3A_14 {
      %add3A_96 = arith.constant 1 : i32
      %add3A_97 = arith.addi %mul3A_2, %add3A_96 : i32
      %jit3A = arith.constant 781 : i32
      %div3A = arith.divsi %add3A_97, %jit3A : i32
      %sign3A = arith.constant 0 : i32
      %sign3A_98 = arith.cmpi sgt, %add3A_97, %sign3A : i32
      %sign3A_99 = arith.extui %sign3A_98 : i1 to i32
      %sign3A_100 = arith.constant 0 : i32
      %sign3A_101 = arith.cmpi slt, %add3A_97, %sign3A_100 : i32
      %sign3A_102 = arith.extui %sign3A_101 : i1 to i32
      %sign3A_103 = arith.subi %sign3A_99, %sign3A_102 : i32
      %sign3A_104 = arith.constant 0 : i32
      %sign3A_105 = arith.cmpi sgt, %jit3A, %sign3A_104 : i32
      %sign3A_106 = arith.extui %sign3A_105 : i1 to i32
      %sign3A_107 = arith.constant 0 : i32
      %sign3A_108 = arith.cmpi slt, %jit3A, %sign3A_107 : i32
      %sign3A_109 = arith.extui %sign3A_108 : i1 to i32
      %sign3A_110 = arith.subi %sign3A_106, %sign3A_109 : i32
      %ne3A = arith.cmpi ne, %sign3A_103, %sign3A_110 : i32
      %rem3A = arith.remsi %add3A_97, %jit3A : i32
      %ne3A_111 = arith.constant 0 : i32
      %ne3A_112 = arith.cmpi ne, %rem3A, %ne3A_111 : i32
      %and3A = arith.andi %ne3A, %ne3A_112 : i1
      %sub3A_113 = arith.constant 1 : i32
      %sub3A_114 = arith.subi %div3A, %sub3A_113 : i32
      %select_n3A = arith.select %and3A, %sub3A_114, %div3A : i32
      %jit3A_115 = arith.constant 781 : i32
      %eq3A = arith.constant 0 : i32
      %eq3A_116 = arith.cmpi eq, %jit3A_115, %eq3A : i32
      %jit3A_117 = arith.constant 1 : i32
      %select_n3A_118 = arith.select %eq3A_116, %jit3A_117, %jit3A_115 : i32
      %rem3A_119 = arith.remsi %add3A_97, %select_n3A_118 : i32
      %ne3A_120 = arith.constant 0 : i32
      %ne3A_121 = arith.cmpi ne, %rem3A_119, %ne3A_120 : i32
      %lt3A_122 = arith.constant 0 : i32
      %lt3A_123 = arith.cmpi slt, %rem3A_119, %lt3A_122 : i32
      %lt3A_124 = arith.constant 0 : i32
      %lt3A_125 = arith.cmpi slt, %select_n3A_118, %lt3A_124 : i32
      %ne3A_126 = arith.xori %lt3A_123, %lt3A_125 : i1
      %and3A_127 = arith.andi %ne3A_126, %ne3A_121 : i1
      %add3A_128 = arith.addi %rem3A_119, %select_n3A_118 : i32
      %select_n3A_129 = arith.select %and3A_127, %add3A_128, %rem3A_119 : i32
      %mul3A_130 = arith.constant 16 : i32
      %mul3A_131 = arith.muli %select_n3A, %mul3A_130 : i32
      %mul3A_132 = arith.constant 128 : i32
      %mul3A_133 = arith.muli %select_n3A_129, %mul3A_132 : i32
      %dma_start3A = arith.constant 1 : i32
      %dma_start3A_134 = arith.constant 1 : i32
      %dma_start3A_135 = arith.constant 0 : i32
      %dma_start3A_136 = arith.constant 0 : i32
      %dma_start3A_137 = tpu.memref_slice %arg5[%dma_start3A, %dma_start3A_135, %dma_start3A_136] : memref<12x16x128xf32, #tpu.memory_space<vmem>> -> memref<1x16x128xf32, #tpu.memory_space<vmem>>
      %dma_start3A_138 = tpu.memref_squeeze %dma_start3A_137 : memref<1x16x128xf32, #tpu.memory_space<vmem>> -> memref<16x128xf32, #tpu.memory_space<vmem>>
      %dma_start3A_139 = tpu.memref_slice %arg2[%mul3A_131, %mul3A_133] : memref<416x100000xf32, #tpu.memory_space<hbm>> -> memref<16x128xf32, #tpu.memory_space<hbm>>
      %dma_start3A_140 = tpu.memref_slice %arg7[%dma_start3A_134] : memref<12x!tpu.dma_semaphore, #tpu.memory_space<semaphore_mem>> -> memref<1x!tpu.dma_semaphore, #tpu.memory_space<semaphore_mem>>
      %dma_start3A_141 = tpu.memref_squeeze %dma_start3A_140 : memref<1x!tpu.dma_semaphore, #tpu.memory_space<semaphore_mem>> -> memref<!tpu.dma_semaphore, #tpu.memory_space<semaphore_mem>>
      %dma_start3A_142 = arith.constant 0 : i32
      %dma_start3A_143 = arith.constant 0 : i32
      %dma_start3A_144 = tpu.memref_slice %arg5[%dma_start3A, %dma_start3A_142, %dma_start3A_143] : memref<12x16x128xf32, #tpu.memory_space<vmem>> -> memref<1x16x128xf32, #tpu.memory_space<vmem>>
      %dma_start3A_145 = tpu.memref_squeeze %dma_start3A_144 : memref<1x16x128xf32, #tpu.memory_space<vmem>> -> memref<16x128xf32, #tpu.memory_space<vmem>>
      %dma_start3A_146 = tpu.memref_slice %arg2[%mul3A_131, %mul3A_133] : memref<416x100000xf32, #tpu.memory_space<hbm>> -> memref<16x128xf32, #tpu.memory_space<hbm>>
      tpu.enqueue_dma source(%dma_start3A_146 : memref<16x128xf32, #tpu.memory_space<hbm>>) target(%dma_start3A_145 : memref<16x128xf32, #tpu.memory_space<vmem>>) target_semaphore(%dma_start3A_141 : memref<!tpu.dma_semaphore, #tpu.memory_space<semaphore_mem>>)
    } else {
    }
    %add3A_15 = arith.constant 2 : i32
    %add3A_16 = arith.addi %mul3A_2, %add3A_15 : i32
    %lt3A_17 = arith.cmpi slt, %add3A_16, %min3A_5 : i32
    %convert_element_type3A_18 = arith.extui %lt3A_17 : i1 to i32
    %cond3A_19 = arith.constant 0 : i32
    %cond3A_20 = arith.cmpi ne, %convert_element_type3A_18, %cond3A_19 : i32
    scf.if %cond3A_20 {
      %add3A_96 = arith.constant 2 : i32
      %add3A_97 = arith.addi %mul3A_2, %add3A_96 : i32
      %jit3A = arith.constant 781 : i32
      %div3A = arith.divsi %add3A_97, %jit3A : i32
      %sign3A = arith.constant 0 : i32
      %sign3A_98 = arith.cmpi sgt, %add3A_97, %sign3A : i32
      %sign3A_99 = arith.extui %sign3A_98 : i1 to i32
      %sign3A_100 = arith.constant 0 : i32
      %sign3A_101 = arith.cmpi slt, %add3A_97, %sign3A_100 : i32
      %sign3A_102 = arith.extui %sign3A_101 : i1 to i32
      %sign3A_103 = arith.subi %sign3A_99, %sign3A_102 : i32
      %sign3A_104 = arith.constant 0 : i32
      %sign3A_105 = arith.cmpi sgt, %jit3A, %sign3A_104 : i32
      %sign3A_106 = arith.extui %sign3A_105 : i1 to i32
      %sign3A_107 = arith.constant 0 : i32
      %sign3A_108 = arith.cmpi slt, %jit3A, %sign3A_107 : i32
      %sign3A_109 = arith.extui %sign3A_108 : i1 to i32
      %sign3A_110 = arith.subi %sign3A_106, %sign3A_109 : i32
      %ne3A = arith.cmpi ne, %sign3A_103, %sign3A_110 : i32
      %rem3A = arith.remsi %add3A_97, %jit3A : i32
      %ne3A_111 = arith.constant 0 : i32
      %ne3A_112 = arith.cmpi ne, %rem3A, %ne3A_111 : i32
      %and3A = arith.andi %ne3A, %ne3A_112 : i1
      %sub3A_113 = arith.constant 1 : i32
      %sub3A_114 = arith.subi %div3A, %sub3A_113 : i32
      %select_n3A = arith.select %and3A, %sub3A_114, %div3A : i32
      %jit3A_115 = arith.constant 781 : i32
      %eq3A = arith.constant 0 : i32
      %eq3A_116 = arith.cmpi eq, %jit3A_115, %eq3A : i32
      %jit3A_117 = arith.constant 1 : i32
      %select_n3A_118 = arith.select %eq3A_116, %jit3A_117, %jit3A_115 : i32
      %rem3A_119 = arith.remsi %add3A_97, %select_n3A_118 : i32
      %ne3A_120 = arith.constant 0 : i32
      %ne3A_121 = arith.cmpi ne, %rem3A_119, %ne3A_120 : i32
      %lt3A_122 = arith.constant 0 : i32
      %lt3A_123 = arith.cmpi slt, %rem3A_119, %lt3A_122 : i32
      %lt3A_124 = arith.constant 0 : i32
      %lt3A_125 = arith.cmpi slt, %select_n3A_118, %lt3A_124 : i32
      %ne3A_126 = arith.xori %lt3A_123, %lt3A_125 : i1
      %and3A_127 = arith.andi %ne3A_126, %ne3A_121 : i1
      %add3A_128 = arith.addi %rem3A_119, %select_n3A_118 : i32
      %select_n3A_129 = arith.select %and3A_127, %add3A_128, %rem3A_119 : i32
      %mul3A_130 = arith.constant 16 : i32
      %mul3A_131 = arith.muli %select_n3A, %mul3A_130 : i32
      %mul3A_132 = arith.constant 128 : i32
      %mul3A_133 = arith.muli %select_n3A_129, %mul3A_132 : i32
      %dma_start3A = arith.constant 2 : i32
      %dma_start3A_134 = arith.constant 2 : i32
      %dma_start3A_135 = arith.constant 0 : i32
      %dma_start3A_136 = arith.constant 0 : i32
      %dma_start3A_137 = tpu.memref_slice %arg5[%dma_start3A, %dma_start3A_135, %dma_start3A_136] : memref<12x16x128xf32, #tpu.memory_space<vmem>> -> memref<1x16x128xf32, #tpu.memory_space<vmem>>
      %dma_start3A_138 = tpu.memref_squeeze %dma_start3A_137 : memref<1x16x128xf32, #tpu.memory_space<vmem>> -> memref<16x128xf32, #tpu.memory_space<vmem>>
      %dma_start3A_139 = tpu.memref_slice %arg2[%mul3A_131, %mul3A_133] : memref<416x100000xf32, #tpu.memory_space<hbm>> -> memref<16x128xf32, #tpu.memory_space<hbm>>
      %dma_start3A_140 = tpu.memref_slice %arg7[%dma_start3A_134] : memref<12x!tpu.dma_semaphore, #tpu.memory_space<semaphore_mem>> -> memref<1x!tpu.dma_semaphore, #tpu.memory_space<semaphore_mem>>
      %dma_start3A_141 = tpu.memref_squeeze %dma_start3A_140 : memref<1x!tpu.dma_semaphore, #tpu.memory_space<semaphore_mem>> -> memref<!tpu.dma_semaphore, #tpu.memory_space<semaphore_mem>>
      %dma_start3A_142 = arith.constant 0 : i32
      %dma_start3A_143 = arith.constant 0 : i32
      %dma_start3A_144 = tpu.memref_slice %arg5[%dma_start3A, %dma_start3A_142, %dma_start3A_143] : memref<12x16x128xf32, #tpu.memory_space<vmem>> -> memref<1x16x128xf32, #tpu.memory_space<vmem>>
      %dma_start3A_145 = tpu.memref_squeeze %dma_start3A_144 : memref<1x16x128xf32, #tpu.memory_space<vmem>> -> memref<16x128xf32, #tpu.memory_space<vmem>>
      %dma_start3A_146 = tpu.memref_slice %arg2[%mul3A_131, %mul3A_133] : memref<416x100000xf32, #tpu.memory_space<hbm>> -> memref<16x128xf32, #tpu.memory_space<hbm>>
      tpu.enqueue_dma source(%dma_start3A_146 : memref<16x128xf32, #tpu.memory_space<hbm>>) target(%dma_start3A_145 : memref<16x128xf32, #tpu.memory_space<vmem>>) target_semaphore(%dma_start3A_141 : memref<!tpu.dma_semaphore, #tpu.memory_space<semaphore_mem>>)
    } else {
    }
    %add3A_21 = arith.constant 3 : i32
    %add3A_22 = arith.addi %mul3A_2, %add3A_21 : i32
    %lt3A_23 = arith.cmpi slt, %add3A_22, %min3A_5 : i32
    %convert_element_type3A_24 = arith.extui %lt3A_23 : i1 to i32
    %cond3A_25 = arith.constant 0 : i32
    %cond3A_26 = arith.cmpi ne, %convert_element_type3A_24, %cond3A_25 : i32
    scf.if %cond3A_26 {
      %add3A_96 = arith.constant 3 : i32
      %add3A_97 = arith.addi %mul3A_2, %add3A_96 : i32
      %jit3A = arith.constant 781 : i32
      %div3A = arith.divsi %add3A_97, %jit3A : i32
      %sign3A = arith.constant 0 : i32
      %sign3A_98 = arith.cmpi sgt, %add3A_97, %sign3A : i32
      %sign3A_99 = arith.extui %sign3A_98 : i1 to i32
      %sign3A_100 = arith.constant 0 : i32
      %sign3A_101 = arith.cmpi slt, %add3A_97, %sign3A_100 : i32
      %sign3A_102 = arith.extui %sign3A_101 : i1 to i32
      %sign3A_103 = arith.subi %sign3A_99, %sign3A_102 : i32
      %sign3A_104 = arith.constant 0 : i32
      %sign3A_105 = arith.cmpi sgt, %jit3A, %sign3A_104 : i32
      %sign3A_106 = arith.extui %sign3A_105 : i1 to i32
      %sign3A_107 = arith.constant 0 : i32
      %sign3A_108 = arith.cmpi slt, %jit3A, %sign3A_107 : i32
      %sign3A_109 = arith.extui %sign3A_108 : i1 to i32
      %sign3A_110 = arith.subi %sign3A_106, %sign3A_109 : i32
      %ne3A = arith.cmpi ne, %sign3A_103, %sign3A_110 : i32
      %rem3A = arith.remsi %add3A_97, %jit3A : i32
      %ne3A_111 = arith.constant 0 : i32
      %ne3A_112 = arith.cmpi ne, %rem3A, %ne3A_111 : i32
      %and3A = arith.andi %ne3A, %ne3A_112 : i1
      %sub3A_113 = arith.constant 1 : i32
      %sub3A_114 = arith.subi %div3A, %sub3A_113 : i32
      %select_n3A = arith.select %and3A, %sub3A_114, %div3A : i32
      %jit3A_115 = arith.constant 781 : i32
      %eq3A = arith.constant 0 : i32
      %eq3A_116 = arith.cmpi eq, %jit3A_115, %eq3A : i32
      %jit3A_117 = arith.constant 1 : i32
      %select_n3A_118 = arith.select %eq3A_116, %jit3A_117, %jit3A_115 : i32
      %rem3A_119 = arith.remsi %add3A_97, %select_n3A_118 : i32
      %ne3A_120 = arith.constant 0 : i32
      %ne3A_121 = arith.cmpi ne, %rem3A_119, %ne3A_120 : i32
      %lt3A_122 = arith.constant 0 : i32
      %lt3A_123 = arith.cmpi slt, %rem3A_119, %lt3A_122 : i32
      %lt3A_124 = arith.constant 0 : i32
      %lt3A_125 = arith.cmpi slt, %select_n3A_118, %lt3A_124 : i32
      %ne3A_126 = arith.xori %lt3A_123, %lt3A_125 : i1
      %and3A_127 = arith.andi %ne3A_126, %ne3A_121 : i1
      %add3A_128 = arith.addi %rem3A_119, %select_n3A_118 : i32
      %select_n3A_129 = arith.select %and3A_127, %add3A_128, %rem3A_119 : i32
      %mul3A_130 = arith.constant 16 : i32
      %mul3A_131 = arith.muli %select_n3A, %mul3A_130 : i32
      %mul3A_132 = arith.constant 128 : i32
      %mul3A_133 = arith.muli %select_n3A_129, %mul3A_132 : i32
      %dma_start3A = arith.constant 3 : i32
      %dma_start3A_134 = arith.constant 3 : i32
      %dma_start3A_135 = arith.constant 0 : i32
      %dma_start3A_136 = arith.constant 0 : i32
      %dma_start3A_137 = tpu.memref_slice %arg5[%dma_start3A, %dma_start3A_135, %dma_start3A_136] : memref<12x16x128xf32, #tpu.memory_space<vmem>> -> memref<1x16x128xf32, #tpu.memory_space<vmem>>
      %dma_start3A_138 = tpu.memref_squeeze %dma_start3A_137 : memref<1x16x128xf32, #tpu.memory_space<vmem>> -> memref<16x128xf32, #tpu.memory_space<vmem>>
      %dma_start3A_139 = tpu.memref_slice %arg2[%mul3A_131, %mul3A_133] : memref<416x100000xf32, #tpu.memory_space<hbm>> -> memref<16x128xf32, #tpu.memory_space<hbm>>
      %dma_start3A_140 = tpu.memref_slice %arg7[%dma_start3A_134] : memref<12x!tpu.dma_semaphore, #tpu.memory_space<semaphore_mem>> -> memref<1x!tpu.dma_semaphore, #tpu.memory_space<semaphore_mem>>
      %dma_start3A_141 = tpu.memref_squeeze %dma_start3A_140 : memref<1x!tpu.dma_semaphore, #tpu.memory_space<semaphore_mem>> -> memref<!tpu.dma_semaphore, #tpu.memory_space<semaphore_mem>>
      %dma_start3A_142 = arith.constant 0 : i32
      %dma_start3A_143 = arith.constant 0 : i32
      %dma_start3A_144 = tpu.memref_slice %arg5[%dma_start3A, %dma_start3A_142, %dma_start3A_143] : memref<12x16x128xf32, #tpu.memory_space<vmem>> -> memref<1x16x128xf32, #tpu.memory_space<vmem>>
      %dma_start3A_145 = tpu.memref_squeeze %dma_start3A_144 : memref<1x16x128xf32, #tpu.memory_space<vmem>> -> memref<16x128xf32, #tpu.memory_space<vmem>>
      %dma_start3A_146 = tpu.memref_slice %arg2[%mul3A_131, %mul3A_133] : memref<416x100000xf32, #tpu.memory_space<hbm>> -> memref<16x128xf32, #tpu.memory_space<hbm>>
      tpu.enqueue_dma source(%dma_start3A_146 : memref<16x128xf32, #tpu.memory_space<hbm>>) target(%dma_start3A_145 : memref<16x128xf32, #tpu.memory_space<vmem>>) target_semaphore(%dma_start3A_141 : memref<!tpu.dma_semaphore, #tpu.memory_space<semaphore_mem>>)
    } else {
    }
    %add3A_27 = arith.constant 4 : i32
    %add3A_28 = arith.addi %mul3A_2, %add3A_27 : i32
    %lt3A_29 = arith.cmpi slt, %add3A_28, %min3A_5 : i32
    %convert_element_type3A_30 = arith.extui %lt3A_29 : i1 to i32
    %cond3A_31 = arith.constant 0 : i32
    %cond3A_32 = arith.cmpi ne, %convert_element_type3A_30, %cond3A_31 : i32
    scf.if %cond3A_32 {
      %add3A_96 = arith.constant 4 : i32
      %add3A_97 = arith.addi %mul3A_2, %add3A_96 : i32
      %jit3A = arith.constant 781 : i32
      %div3A = arith.divsi %add3A_97, %jit3A : i32
      %sign3A = arith.constant 0 : i32
      %sign3A_98 = arith.cmpi sgt, %add3A_97, %sign3A : i32
      %sign3A_99 = arith.extui %sign3A_98 : i1 to i32
      %sign3A_100 = arith.constant 0 : i32
      %sign3A_101 = arith.cmpi slt, %add3A_97, %sign3A_100 : i32
      %sign3A_102 = arith.extui %sign3A_101 : i1 to i32
      %sign3A_103 = arith.subi %sign3A_99, %sign3A_102 : i32
      %sign3A_104 = arith.constant 0 : i32
      %sign3A_105 = arith.cmpi sgt, %jit3A, %sign3A_104 : i32
      %sign3A_106 = arith.extui %sign3A_105 : i1 to i32
      %sign3A_107 = arith.constant 0 : i32
      %sign3A_108 = arith.cmpi slt, %jit3A, %sign3A_107 : i32
      %sign3A_109 = arith.extui %sign3A_108 : i1 to i32
      %sign3A_110 = arith.subi %sign3A_106, %sign3A_109 : i32
      %ne3A = arith.cmpi ne, %sign3A_103, %sign3A_110 : i32
      %rem3A = arith.remsi %add3A_97, %jit3A : i32
      %ne3A_111 = arith.constant 0 : i32
      %ne3A_112 = arith.cmpi ne, %rem3A, %ne3A_111 : i32
      %and3A = arith.andi %ne3A, %ne3A_112 : i1
      %sub3A_113 = arith.constant 1 : i32
      %sub3A_114 = arith.subi %div3A, %sub3A_113 : i32
      %select_n3A = arith.select %and3A, %sub3A_114, %div3A : i32
      %jit3A_115 = arith.constant 781 : i32
      %eq3A = arith.constant 0 : i32
      %eq3A_116 = arith.cmpi eq, %jit3A_115, %eq3A : i32
      %jit3A_117 = arith.constant 1 : i32
      %select_n3A_118 = arith.select %eq3A_116, %jit3A_117, %jit3A_115 : i32
      %rem3A_119 = arith.remsi %add3A_97, %select_n3A_118 : i32
      %ne3A_120 = arith.constant 0 : i32
      %ne3A_121 = arith.cmpi ne, %rem3A_119, %ne3A_120 : i32
      %lt3A_122 = arith.constant 0 : i32
      %lt3A_123 = arith.cmpi slt, %rem3A_119, %lt3A_122 : i32
      %lt3A_124 = arith.constant 0 : i32
      %lt3A_125 = arith.cmpi slt, %select_n3A_118, %lt3A_124 : i32
      %ne3A_126 = arith.xori %lt3A_123, %lt3A_125 : i1
      %and3A_127 = arith.andi %ne3A_126, %ne3A_121 : i1
      %add3A_128 = arith.addi %rem3A_119, %select_n3A_118 : i32
      %select_n3A_129 = arith.select %and3A_127, %add3A_128, %rem3A_119 : i32
      %mul3A_130 = arith.constant 16 : i32
      %mul3A_131 = arith.muli %select_n3A, %mul3A_130 : i32
      %mul3A_132 = arith.constant 128 : i32
      %mul3A_133 = arith.muli %select_n3A_129, %mul3A_132 : i32
      %dma_start3A = arith.constant 4 : i32
      %dma_start3A_134 = arith.constant 4 : i32
      %dma_start3A_135 = arith.constant 0 : i32
      %dma_start3A_136 = arith.constant 0 : i32
      %dma_start3A_137 = tpu.memref_slice %arg5[%dma_start3A, %dma_start3A_135, %dma_start3A_136] : memref<12x16x128xf32, #tpu.memory_space<vmem>> -> memref<1x16x128xf32, #tpu.memory_space<vmem>>
      %dma_start3A_138 = tpu.memref_squeeze %dma_start3A_137 : memref<1x16x128xf32, #tpu.memory_space<vmem>> -> memref<16x128xf32, #tpu.memory_space<vmem>>
      %dma_start3A_139 = tpu.memref_slice %arg2[%mul3A_131, %mul3A_133] : memref<416x100000xf32, #tpu.memory_space<hbm>> -> memref<16x128xf32, #tpu.memory_space<hbm>>
      %dma_start3A_140 = tpu.memref_slice %arg7[%dma_start3A_134] : memref<12x!tpu.dma_semaphore, #tpu.memory_space<semaphore_mem>> -> memref<1x!tpu.dma_semaphore, #tpu.memory_space<semaphore_mem>>
      %dma_start3A_141 = tpu.memref_squeeze %dma_start3A_140 : memref<1x!tpu.dma_semaphore, #tpu.memory_space<semaphore_mem>> -> memref<!tpu.dma_semaphore, #tpu.memory_space<semaphore_mem>>
      %dma_start3A_142 = arith.constant 0 : i32
      %dma_start3A_143 = arith.constant 0 : i32
      %dma_start3A_144 = tpu.memref_slice %arg5[%dma_start3A, %dma_start3A_142, %dma_start3A_143] : memref<12x16x128xf32, #tpu.memory_space<vmem>> -> memref<1x16x128xf32, #tpu.memory_space<vmem>>
      %dma_start3A_145 = tpu.memref_squeeze %dma_start3A_144 : memref<1x16x128xf32, #tpu.memory_space<vmem>> -> memref<16x128xf32, #tpu.memory_space<vmem>>
      %dma_start3A_146 = tpu.memref_slice %arg2[%mul3A_131, %mul3A_133] : memref<416x100000xf32, #tpu.memory_space<hbm>> -> memref<16x128xf32, #tpu.memory_space<hbm>>
      tpu.enqueue_dma source(%dma_start3A_146 : memref<16x128xf32, #tpu.memory_space<hbm>>) target(%dma_start3A_145 : memref<16x128xf32, #tpu.memory_space<vmem>>) target_semaphore(%dma_start3A_141 : memref<!tpu.dma_semaphore, #tpu.memory_space<semaphore_mem>>)
    } else {
    }
    %add3A_33 = arith.constant 5 : i32
    %add3A_34 = arith.addi %mul3A_2, %add3A_33 : i32
    %lt3A_35 = arith.cmpi slt, %add3A_34, %min3A_5 : i32
    %convert_element_type3A_36 = arith.extui %lt3A_35 : i1 to i32
    %cond3A_37 = arith.constant 0 : i32
    %cond3A_38 = arith.cmpi ne, %convert_element_type3A_36, %cond3A_37 : i32
    scf.if %cond3A_38 {
      %add3A_96 = arith.constant 5 : i32
      %add3A_97 = arith.addi %mul3A_2, %add3A_96 : i32
      %jit3A = arith.constant 781 : i32
      %div3A = arith.divsi %add3A_97, %jit3A : i32
      %sign3A = arith.constant 0 : i32
      %sign3A_98 = arith.cmpi sgt, %add3A_97, %sign3A : i32
      %sign3A_99 = arith.extui %sign3A_98 : i1 to i32
      %sign3A_100 = arith.constant 0 : i32
      %sign3A_101 = arith.cmpi slt, %add3A_97, %sign3A_100 : i32
      %sign3A_102 = arith.extui %sign3A_101 : i1 to i32
      %sign3A_103 = arith.subi %sign3A_99, %sign3A_102 : i32
      %sign3A_104 = arith.constant 0 : i32
      %sign3A_105 = arith.cmpi sgt, %jit3A, %sign3A_104 : i32
      %sign3A_106 = arith.extui %sign3A_105 : i1 to i32
      %sign3A_107 = arith.constant 0 : i32
      %sign3A_108 = arith.cmpi slt, %jit3A, %sign3A_107 : i32
      %sign3A_109 = arith.extui %sign3A_108 : i1 to i32
      %sign3A_110 = arith.subi %sign3A_106, %sign3A_109 : i32
      %ne3A = arith.cmpi ne, %sign3A_103, %sign3A_110 : i32
      %rem3A = arith.remsi %add3A_97, %jit3A : i32
      %ne3A_111 = arith.constant 0 : i32
      %ne3A_112 = arith.cmpi ne, %rem3A, %ne3A_111 : i32
      %and3A = arith.andi %ne3A, %ne3A_112 : i1
      %sub3A_113 = arith.constant 1 : i32
      %sub3A_114 = arith.subi %div3A, %sub3A_113 : i32
      %select_n3A = arith.select %and3A, %sub3A_114, %div3A : i32
      %jit3A_115 = arith.constant 781 : i32
      %eq3A = arith.constant 0 : i32
      %eq3A_116 = arith.cmpi eq, %jit3A_115, %eq3A : i32
      %jit3A_117 = arith.constant 1 : i32
      %select_n3A_118 = arith.select %eq3A_116, %jit3A_117, %jit3A_115 : i32
      %rem3A_119 = arith.remsi %add3A_97, %select_n3A_118 : i32
      %ne3A_120 = arith.constant 0 : i32
      %ne3A_121 = arith.cmpi ne, %rem3A_119, %ne3A_120 : i32
      %lt3A_122 = arith.constant 0 : i32
      %lt3A_123 = arith.cmpi slt, %rem3A_119, %lt3A_122 : i32
      %lt3A_124 = arith.constant 0 : i32
      %lt3A_125 = arith.cmpi slt, %select_n3A_118, %lt3A_124 : i32
      %ne3A_126 = arith.xori %lt3A_123, %lt3A_125 : i1
      %and3A_127 = arith.andi %ne3A_126, %ne3A_121 : i1
      %add3A_128 = arith.addi %rem3A_119, %select_n3A_118 : i32
      %select_n3A_129 = arith.select %and3A_127, %add3A_128, %rem3A_119 : i32
      %mul3A_130 = arith.constant 16 : i32
      %mul3A_131 = arith.muli %select_n3A, %mul3A_130 : i32
      %mul3A_132 = arith.constant 128 : i32
      %mul3A_133 = arith.muli %select_n3A_129, %mul3A_132 : i32
      %dma_start3A = arith.constant 5 : i32
      %dma_start3A_134 = arith.constant 5 : i32
      %dma_start3A_135 = arith.constant 0 : i32
      %dma_start3A_136 = arith.constant 0 : i32
      %dma_start3A_137 = tpu.memref_slice %arg5[%dma_start3A, %dma_start3A_135, %dma_start3A_136] : memref<12x16x128xf32, #tpu.memory_space<vmem>> -> memref<1x16x128xf32, #tpu.memory_space<vmem>>
      %dma_start3A_138 = tpu.memref_squeeze %dma_start3A_137 : memref<1x16x128xf32, #tpu.memory_space<vmem>> -> memref<16x128xf32, #tpu.memory_space<vmem>>
      %dma_start3A_139 = tpu.memref_slice %arg2[%mul3A_131, %mul3A_133] : memref<416x100000xf32, #tpu.memory_space<hbm>> -> memref<16x128xf32, #tpu.memory_space<hbm>>
      %dma_start3A_140 = tpu.memref_slice %arg7[%dma_start3A_134] : memref<12x!tpu.dma_semaphore, #tpu.memory_space<semaphore_mem>> -> memref<1x!tpu.dma_semaphore, #tpu.memory_space<semaphore_mem>>
      %dma_start3A_141 = tpu.memref_squeeze %dma_start3A_140 : memref<1x!tpu.dma_semaphore, #tpu.memory_space<semaphore_mem>> -> memref<!tpu.dma_semaphore, #tpu.memory_space<semaphore_mem>>
      %dma_start3A_142 = arith.constant 0 : i32
      %dma_start3A_143 = arith.constant 0 : i32
      %dma_start3A_144 = tpu.memref_slice %arg5[%dma_start3A, %dma_start3A_142, %dma_start3A_143] : memref<12x16x128xf32, #tpu.memory_space<vmem>> -> memref<1x16x128xf32, #tpu.memory_space<vmem>>
      %dma_start3A_145 = tpu.memref_squeeze %dma_start3A_144 : memref<1x16x128xf32, #tpu.memory_space<vmem>> -> memref<16x128xf32, #tpu.memory_space<vmem>>
      %dma_start3A_146 = tpu.memref_slice %arg2[%mul3A_131, %mul3A_133] : memref<416x100000xf32, #tpu.memory_space<hbm>> -> memref<16x128xf32, #tpu.memory_space<hbm>>
      tpu.enqueue_dma source(%dma_start3A_146 : memref<16x128xf32, #tpu.memory_space<hbm>>) target(%dma_start3A_145 : memref<16x128xf32, #tpu.memory_space<vmem>>) target_semaphore(%dma_start3A_141 : memref<!tpu.dma_semaphore, #tpu.memory_space<semaphore_mem>>)
    } else {
    }
    %add3A_39 = arith.constant 6 : i32
    %add3A_40 = arith.addi %mul3A_2, %add3A_39 : i32
    %lt3A_41 = arith.cmpi slt, %add3A_40, %min3A_5 : i32
    %convert_element_type3A_42 = arith.extui %lt3A_41 : i1 to i32
    %cond3A_43 = arith.constant 0 : i32
    %cond3A_44 = arith.cmpi ne, %convert_element_type3A_42, %cond3A_43 : i32
    scf.if %cond3A_44 {
      %add3A_96 = arith.constant 6 : i32
      %add3A_97 = arith.addi %mul3A_2, %add3A_96 : i32
      %jit3A = arith.constant 781 : i32
      %div3A = arith.divsi %add3A_97, %jit3A : i32
      %sign3A = arith.constant 0 : i32
      %sign3A_98 = arith.cmpi sgt, %add3A_97, %sign3A : i32
      %sign3A_99 = arith.extui %sign3A_98 : i1 to i32
      %sign3A_100 = arith.constant 0 : i32
      %sign3A_101 = arith.cmpi slt, %add3A_97, %sign3A_100 : i32
      %sign3A_102 = arith.extui %sign3A_101 : i1 to i32
      %sign3A_103 = arith.subi %sign3A_99, %sign3A_102 : i32
      %sign3A_104 = arith.constant 0 : i32
      %sign3A_105 = arith.cmpi sgt, %jit3A, %sign3A_104 : i32
      %sign3A_106 = arith.extui %sign3A_105 : i1 to i32
      %sign3A_107 = arith.constant 0 : i32
      %sign3A_108 = arith.cmpi slt, %jit3A, %sign3A_107 : i32
      %sign3A_109 = arith.extui %sign3A_108 : i1 to i32
      %sign3A_110 = arith.subi %sign3A_106, %sign3A_109 : i32
      %ne3A = arith.cmpi ne, %sign3A_103, %sign3A_110 : i32
      %rem3A = arith.remsi %add3A_97, %jit3A : i32
      %ne3A_111 = arith.constant 0 : i32
      %ne3A_112 = arith.cmpi ne, %rem3A, %ne3A_111 : i32
      %and3A = arith.andi %ne3A, %ne3A_112 : i1
      %sub3A_113 = arith.constant 1 : i32
      %sub3A_114 = arith.subi %div3A, %sub3A_113 : i32
      %select_n3A = arith.select %and3A, %sub3A_114, %div3A : i32
      %jit3A_115 = arith.constant 781 : i32
      %eq3A = arith.constant 0 : i32
      %eq3A_116 = arith.cmpi eq, %jit3A_115, %eq3A : i32
      %jit3A_117 = arith.constant 1 : i32
      %select_n3A_118 = arith.select %eq3A_116, %jit3A_117, %jit3A_115 : i32
      %rem3A_119 = arith.remsi %add3A_97, %select_n3A_118 : i32
      %ne3A_120 = arith.constant 0 : i32
      %ne3A_121 = arith.cmpi ne, %rem3A_119, %ne3A_120 : i32
      %lt3A_122 = arith.constant 0 : i32
      %lt3A_123 = arith.cmpi slt, %rem3A_119, %lt3A_122 : i32
      %lt3A_124 = arith.constant 0 : i32
      %lt3A_125 = arith.cmpi slt, %select_n3A_118, %lt3A_124 : i32
      %ne3A_126 = arith.xori %lt3A_123, %lt3A_125 : i1
      %and3A_127 = arith.andi %ne3A_126, %ne3A_121 : i1
      %add3A_128 = arith.addi %rem3A_119, %select_n3A_118 : i32
      %select_n3A_129 = arith.select %and3A_127, %add3A_128, %rem3A_119 : i32
      %mul3A_130 = arith.constant 16 : i32
      %mul3A_131 = arith.muli %select_n3A, %mul3A_130 : i32
      %mul3A_132 = arith.constant 128 : i32
      %mul3A_133 = arith.muli %select_n3A_129, %mul3A_132 : i32
      %dma_start3A = arith.constant 6 : i32
      %dma_start3A_134 = arith.constant 6 : i32
      %dma_start3A_135 = arith.constant 0 : i32
      %dma_start3A_136 = arith.constant 0 : i32
      %dma_start3A_137 = tpu.memref_slice %arg5[%dma_start3A, %dma_start3A_135, %dma_start3A_136] : memref<12x16x128xf32, #tpu.memory_space<vmem>> -> memref<1x16x128xf32, #tpu.memory_space<vmem>>
      %dma_start3A_138 = tpu.memref_squeeze %dma_start3A_137 : memref<1x16x128xf32, #tpu.memory_space<vmem>> -> memref<16x128xf32, #tpu.memory_space<vmem>>
      %dma_start3A_139 = tpu.memref_slice %arg2[%mul3A_131, %mul3A_133] : memref<416x100000xf32, #tpu.memory_space<hbm>> -> memref<16x128xf32, #tpu.memory_space<hbm>>
      %dma_start3A_140 = tpu.memref_slice %arg7[%dma_start3A_134] : memref<12x!tpu.dma_semaphore, #tpu.memory_space<semaphore_mem>> -> memref<1x!tpu.dma_semaphore, #tpu.memory_space<semaphore_mem>>
      %dma_start3A_141 = tpu.memref_squeeze %dma_start3A_140 : memref<1x!tpu.dma_semaphore, #tpu.memory_space<semaphore_mem>> -> memref<!tpu.dma_semaphore, #tpu.memory_space<semaphore_mem>>
      %dma_start3A_142 = arith.constant 0 : i32
      %dma_start3A_143 = arith.constant 0 : i32
      %dma_start3A_144 = tpu.memref_slice %arg5[%dma_start3A, %dma_start3A_142, %dma_start3A_143] : memref<12x16x128xf32, #tpu.memory_space<vmem>> -> memref<1x16x128xf32, #tpu.memory_space<vmem>>
      %dma_start3A_145 = tpu.memref_squeeze %dma_start3A_144 : memref<1x16x128xf32, #tpu.memory_space<vmem>> -> memref<16x128xf32, #tpu.memory_space<vmem>>
      %dma_start3A_146 = tpu.memref_slice %arg2[%mul3A_131, %mul3A_133] : memref<416x100000xf32, #tpu.memory_space<hbm>> -> memref<16x128xf32, #tpu.memory_space<hbm>>
      tpu.enqueue_dma source(%dma_start3A_146 : memref<16x128xf32, #tpu.memory_space<hbm>>) target(%dma_start3A_145 : memref<16x128xf32, #tpu.memory_space<vmem>>) target_semaphore(%dma_start3A_141 : memref<!tpu.dma_semaphore, #tpu.memory_space<semaphore_mem>>)
    } else {
    }
    %add3A_45 = arith.constant 7 : i32
    %add3A_46 = arith.addi %mul3A_2, %add3A_45 : i32
    %lt3A_47 = arith.cmpi slt, %add3A_46, %min3A_5 : i32
    %convert_element_type3A_48 = arith.extui %lt3A_47 : i1 to i32
    %cond3A_49 = arith.constant 0 : i32
    %cond3A_50 = arith.cmpi ne, %convert_element_type3A_48, %cond3A_49 : i32
    scf.if %cond3A_50 {
      %add3A_96 = arith.constant 7 : i32
      %add3A_97 = arith.addi %mul3A_2, %add3A_96 : i32
      %jit3A = arith.constant 781 : i32
      %div3A = arith.divsi %add3A_97, %jit3A : i32
      %sign3A = arith.constant 0 : i32
      %sign3A_98 = arith.cmpi sgt, %add3A_97, %sign3A : i32
      %sign3A_99 = arith.extui %sign3A_98 : i1 to i32
      %sign3A_100 = arith.constant 0 : i32
      %sign3A_101 = arith.cmpi slt, %add3A_97, %sign3A_100 : i32
      %sign3A_102 = arith.extui %sign3A_101 : i1 to i32
      %sign3A_103 = arith.subi %sign3A_99, %sign3A_102 : i32
      %sign3A_104 = arith.constant 0 : i32
      %sign3A_105 = arith.cmpi sgt, %jit3A, %sign3A_104 : i32
      %sign3A_106 = arith.extui %sign3A_105 : i1 to i32
      %sign3A_107 = arith.constant 0 : i32
      %sign3A_108 = arith.cmpi slt, %jit3A, %sign3A_107 : i32
      %sign3A_109 = arith.extui %sign3A_108 : i1 to i32
      %sign3A_110 = arith.subi %sign3A_106, %sign3A_109 : i32
      %ne3A = arith.cmpi ne, %sign3A_103, %sign3A_110 : i32
      %rem3A = arith.remsi %add3A_97, %jit3A : i32
      %ne3A_111 = arith.constant 0 : i32
      %ne3A_112 = arith.cmpi ne, %rem3A, %ne3A_111 : i32
      %and3A = arith.andi %ne3A, %ne3A_112 : i1
      %sub3A_113 = arith.constant 1 : i32
      %sub3A_114 = arith.subi %div3A, %sub3A_113 : i32
      %select_n3A = arith.select %and3A, %sub3A_114, %div3A : i32
      %jit3A_115 = arith.constant 781 : i32
      %eq3A = arith.constant 0 : i32
      %eq3A_116 = arith.cmpi eq, %jit3A_115, %eq3A : i32
      %jit3A_117 = arith.constant 1 : i32
      %select_n3A_118 = arith.select %eq3A_116, %jit3A_117, %jit3A_115 : i32
      %rem3A_119 = arith.remsi %add3A_97, %select_n3A_118 : i32
      %ne3A_120 = arith.constant 0 : i32
      %ne3A_121 = arith.cmpi ne, %rem3A_119, %ne3A_120 : i32
      %lt3A_122 = arith.constant 0 : i32
      %lt3A_123 = arith.cmpi slt, %rem3A_119, %lt3A_122 : i32
      %lt3A_124 = arith.constant 0 : i32
      %lt3A_125 = arith.cmpi slt, %select_n3A_118, %lt3A_124 : i32
      %ne3A_126 = arith.xori %lt3A_123, %lt3A_125 : i1
      %and3A_127 = arith.andi %ne3A_126, %ne3A_121 : i1
      %add3A_128 = arith.addi %rem3A_119, %select_n3A_118 : i32
      %select_n3A_129 = arith.select %and3A_127, %add3A_128, %rem3A_119 : i32
      %mul3A_130 = arith.constant 16 : i32
      %mul3A_131 = arith.muli %select_n3A, %mul3A_130 : i32
      %mul3A_132 = arith.constant 128 : i32
      %mul3A_133 = arith.muli %select_n3A_129, %mul3A_132 : i32
      %dma_start3A = arith.constant 7 : i32
      %dma_start3A_134 = arith.constant 7 : i32
      %dma_start3A_135 = arith.constant 0 : i32
      %dma_start3A_136 = arith.constant 0 : i32
      %dma_start3A_137 = tpu.memref_slice %arg5[%dma_start3A, %dma_start3A_135, %dma_start3A_136] : memref<12x16x128xf32, #tpu.memory_space<vmem>> -> memref<1x16x128xf32, #tpu.memory_space<vmem>>
      %dma_start3A_138 = tpu.memref_squeeze %dma_start3A_137 : memref<1x16x128xf32, #tpu.memory_space<vmem>> -> memref<16x128xf32, #tpu.memory_space<vmem>>
      %dma_start3A_139 = tpu.memref_slice %arg2[%mul3A_131, %mul3A_133] : memref<416x100000xf32, #tpu.memory_space<hbm>> -> memref<16x128xf32, #tpu.memory_space<hbm>>
      %dma_start3A_140 = tpu.memref_slice %arg7[%dma_start3A_134] : memref<12x!tpu.dma_semaphore, #tpu.memory_space<semaphore_mem>> -> memref<1x!tpu.dma_semaphore, #tpu.memory_space<semaphore_mem>>
      %dma_start3A_141 = tpu.memref_squeeze %dma_start3A_140 : memref<1x!tpu.dma_semaphore, #tpu.memory_space<semaphore_mem>> -> memref<!tpu.dma_semaphore, #tpu.memory_space<semaphore_mem>>
      %dma_start3A_142 = arith.constant 0 : i32
      %dma_start3A_143 = arith.constant 0 : i32
      %dma_start3A_144 = tpu.memref_slice %arg5[%dma_start3A, %dma_start3A_142, %dma_start3A_143] : memref<12x16x128xf32, #tpu.memory_space<vmem>> -> memref<1x16x128xf32, #tpu.memory_space<vmem>>
      %dma_start3A_145 = tpu.memref_squeeze %dma_start3A_144 : memref<1x16x128xf32, #tpu.memory_space<vmem>> -> memref<16x128xf32, #tpu.memory_space<vmem>>
      %dma_start3A_146 = tpu.memref_slice %arg2[%mul3A_131, %mul3A_133] : memref<416x100000xf32, #tpu.memory_space<hbm>> -> memref<16x128xf32, #tpu.memory_space<hbm>>
      tpu.enqueue_dma source(%dma_start3A_146 : memref<16x128xf32, #tpu.memory_space<hbm>>) target(%dma_start3A_145 : memref<16x128xf32, #tpu.memory_space<vmem>>) target_semaphore(%dma_start3A_141 : memref<!tpu.dma_semaphore, #tpu.memory_space<semaphore_mem>>)
    } else {
    }
    %add3A_51 = arith.constant 8 : i32
    %add3A_52 = arith.addi %mul3A_2, %add3A_51 : i32
    %lt3A_53 = arith.cmpi slt, %add3A_52, %min3A_5 : i32
    %convert_element_type3A_54 = arith.extui %lt3A_53 : i1 to i32
    %cond3A_55 = arith.constant 0 : i32
    %cond3A_56 = arith.cmpi ne, %convert_element_type3A_54, %cond3A_55 : i32
    scf.if %cond3A_56 {
      %add3A_96 = arith.constant 8 : i32
      %add3A_97 = arith.addi %mul3A_2, %add3A_96 : i32
      %jit3A = arith.constant 781 : i32
      %div3A = arith.divsi %add3A_97, %jit3A : i32
      %sign3A = arith.constant 0 : i32
      %sign3A_98 = arith.cmpi sgt, %add3A_97, %sign3A : i32
      %sign3A_99 = arith.extui %sign3A_98 : i1 to i32
      %sign3A_100 = arith.constant 0 : i32
      %sign3A_101 = arith.cmpi slt, %add3A_97, %sign3A_100 : i32
      %sign3A_102 = arith.extui %sign3A_101 : i1 to i32
      %sign3A_103 = arith.subi %sign3A_99, %sign3A_102 : i32
      %sign3A_104 = arith.constant 0 : i32
      %sign3A_105 = arith.cmpi sgt, %jit3A, %sign3A_104 : i32
      %sign3A_106 = arith.extui %sign3A_105 : i1 to i32
      %sign3A_107 = arith.constant 0 : i32
      %sign3A_108 = arith.cmpi slt, %jit3A, %sign3A_107 : i32
      %sign3A_109 = arith.extui %sign3A_108 : i1 to i32
      %sign3A_110 = arith.subi %sign3A_106, %sign3A_109 : i32
      %ne3A = arith.cmpi ne, %sign3A_103, %sign3A_110 : i32
      %rem3A = arith.remsi %add3A_97, %jit3A : i32
      %ne3A_111 = arith.constant 0 : i32
      %ne3A_112 = arith.cmpi ne, %rem3A, %ne3A_111 : i32
      %and3A = arith.andi %ne3A, %ne3A_112 : i1
      %sub3A_113 = arith.constant 1 : i32
      %sub3A_114 = arith.subi %div3A, %sub3A_113 : i32
      %select_n3A = arith.select %and3A, %sub3A_114, %div3A : i32
      %jit3A_115 = arith.constant 781 : i32
      %eq3A = arith.constant 0 : i32
      %eq3A_116 = arith.cmpi eq, %jit3A_115, %eq3A : i32
      %jit3A_117 = arith.constant 1 : i32
      %select_n3A_118 = arith.select %eq3A_116, %jit3A_117, %jit3A_115 : i32
      %rem3A_119 = arith.remsi %add3A_97, %select_n3A_118 : i32
      %ne3A_120 = arith.constant 0 : i32
      %ne3A_121 = arith.cmpi ne, %rem3A_119, %ne3A_120 : i32
      %lt3A_122 = arith.constant 0 : i32
      %lt3A_123 = arith.cmpi slt, %rem3A_119, %lt3A_122 : i32
      %lt3A_124 = arith.constant 0 : i32
      %lt3A_125 = arith.cmpi slt, %select_n3A_118, %lt3A_124 : i32
      %ne3A_126 = arith.xori %lt3A_123, %lt3A_125 : i1
      %and3A_127 = arith.andi %ne3A_126, %ne3A_121 : i1
      %add3A_128 = arith.addi %rem3A_119, %select_n3A_118 : i32
      %select_n3A_129 = arith.select %and3A_127, %add3A_128, %rem3A_119 : i32
      %mul3A_130 = arith.constant 16 : i32
      %mul3A_131 = arith.muli %select_n3A, %mul3A_130 : i32
      %mul3A_132 = arith.constant 128 : i32
      %mul3A_133 = arith.muli %select_n3A_129, %mul3A_132 : i32
      %dma_start3A = arith.constant 8 : i32
      %dma_start3A_134 = arith.constant 8 : i32
      %dma_start3A_135 = arith.constant 0 : i32
      %dma_start3A_136 = arith.constant 0 : i32
      %dma_start3A_137 = tpu.memref_slice %arg5[%dma_start3A, %dma_start3A_135, %dma_start3A_136] : memref<12x16x128xf32, #tpu.memory_space<vmem>> -> memref<1x16x128xf32, #tpu.memory_space<vmem>>
      %dma_start3A_138 = tpu.memref_squeeze %dma_start3A_137 : memref<1x16x128xf32, #tpu.memory_space<vmem>> -> memref<16x128xf32, #tpu.memory_space<vmem>>
      %dma_start3A_139 = tpu.memref_slice %arg2[%mul3A_131, %mul3A_133] : memref<416x100000xf32, #tpu.memory_space<hbm>> -> memref<16x128xf32, #tpu.memory_space<hbm>>
      %dma_start3A_140 = tpu.memref_slice %arg7[%dma_start3A_134] : memref<12x!tpu.dma_semaphore, #tpu.memory_space<semaphore_mem>> -> memref<1x!tpu.dma_semaphore, #tpu.memory_space<semaphore_mem>>
      %dma_start3A_141 = tpu.memref_squeeze %dma_start3A_140 : memref<1x!tpu.dma_semaphore, #tpu.memory_space<semaphore_mem>> -> memref<!tpu.dma_semaphore, #tpu.memory_space<semaphore_mem>>
      %dma_start3A_142 = arith.constant 0 : i32
      %dma_start3A_143 = arith.constant 0 : i32
      %dma_start3A_144 = tpu.memref_slice %arg5[%dma_start3A, %dma_start3A_142, %dma_start3A_143] : memref<12x16x128xf32, #tpu.memory_space<vmem>> -> memref<1x16x128xf32, #tpu.memory_space<vmem>>
      %dma_start3A_145 = tpu.memref_squeeze %dma_start3A_144 : memref<1x16x128xf32, #tpu.memory_space<vmem>> -> memref<16x128xf32, #tpu.memory_space<vmem>>
      %dma_start3A_146 = tpu.memref_slice %arg2[%mul3A_131, %mul3A_133] : memref<416x100000xf32, #tpu.memory_space<hbm>> -> memref<16x128xf32, #tpu.memory_space<hbm>>
      tpu.enqueue_dma source(%dma_start3A_146 : memref<16x128xf32, #tpu.memory_space<hbm>>) target(%dma_start3A_145 : memref<16x128xf32, #tpu.memory_space<vmem>>) target_semaphore(%dma_start3A_141 : memref<!tpu.dma_semaphore, #tpu.memory_space<semaphore_mem>>)
    } else {
    }
    %add3A_57 = arith.constant 9 : i32
    %add3A_58 = arith.addi %mul3A_2, %add3A_57 : i32
    %lt3A_59 = arith.cmpi slt, %add3A_58, %min3A_5 : i32
    %convert_element_type3A_60 = arith.extui %lt3A_59 : i1 to i32
    %cond3A_61 = arith.constant 0 : i32
    %cond3A_62 = arith.cmpi ne, %convert_element_type3A_60, %cond3A_61 : i32
    scf.if %cond3A_62 {
      %add3A_96 = arith.constant 9 : i32
      %add3A_97 = arith.addi %mul3A_2, %add3A_96 : i32
      %jit3A = arith.constant 781 : i32
      %div3A = arith.divsi %add3A_97, %jit3A : i32
      %sign3A = arith.constant 0 : i32
      %sign3A_98 = arith.cmpi sgt, %add3A_97, %sign3A : i32
      %sign3A_99 = arith.extui %sign3A_98 : i1 to i32
      %sign3A_100 = arith.constant 0 : i32
      %sign3A_101 = arith.cmpi slt, %add3A_97, %sign3A_100 : i32
      %sign3A_102 = arith.extui %sign3A_101 : i1 to i32
      %sign3A_103 = arith.subi %sign3A_99, %sign3A_102 : i32
      %sign3A_104 = arith.constant 0 : i32
      %sign3A_105 = arith.cmpi sgt, %jit3A, %sign3A_104 : i32
      %sign3A_106 = arith.extui %sign3A_105 : i1 to i32
      %sign3A_107 = arith.constant 0 : i32
      %sign3A_108 = arith.cmpi slt, %jit3A, %sign3A_107 : i32
      %sign3A_109 = arith.extui %sign3A_108 : i1 to i32
      %sign3A_110 = arith.subi %sign3A_106, %sign3A_109 : i32
      %ne3A = arith.cmpi ne, %sign3A_103, %sign3A_110 : i32
      %rem3A = arith.remsi %add3A_97, %jit3A : i32
      %ne3A_111 = arith.constant 0 : i32
      %ne3A_112 = arith.cmpi ne, %rem3A, %ne3A_111 : i32
      %and3A = arith.andi %ne3A, %ne3A_112 : i1
      %sub3A_113 = arith.constant 1 : i32
      %sub3A_114 = arith.subi %div3A, %sub3A_113 : i32
      %select_n3A = arith.select %and3A, %sub3A_114, %div3A : i32
      %jit3A_115 = arith.constant 781 : i32
      %eq3A = arith.constant 0 : i32
      %eq3A_116 = arith.cmpi eq, %jit3A_115, %eq3A : i32
      %jit3A_117 = arith.constant 1 : i32
      %select_n3A_118 = arith.select %eq3A_116, %jit3A_117, %jit3A_115 : i32
      %rem3A_119 = arith.remsi %add3A_97, %select_n3A_118 : i32
      %ne3A_120 = arith.constant 0 : i32
      %ne3A_121 = arith.cmpi ne, %rem3A_119, %ne3A_120 : i32
      %lt3A_122 = arith.constant 0 : i32
      %lt3A_123 = arith.cmpi slt, %rem3A_119, %lt3A_122 : i32
      %lt3A_124 = arith.constant 0 : i32
      %lt3A_125 = arith.cmpi slt, %select_n3A_118, %lt3A_124 : i32
      %ne3A_126 = arith.xori %lt3A_123, %lt3A_125 : i1
      %and3A_127 = arith.andi %ne3A_126, %ne3A_121 : i1
      %add3A_128 = arith.addi %rem3A_119, %select_n3A_118 : i32
      %select_n3A_129 = arith.select %and3A_127, %add3A_128, %rem3A_119 : i32
      %mul3A_130 = arith.constant 16 : i32
      %mul3A_131 = arith.muli %select_n3A, %mul3A_130 : i32
      %mul3A_132 = arith.constant 128 : i32
      %mul3A_133 = arith.muli %select_n3A_129, %mul3A_132 : i32
      %dma_start3A = arith.constant 9 : i32
      %dma_start3A_134 = arith.constant 9 : i32
      %dma_start3A_135 = arith.constant 0 : i32
      %dma_start3A_136 = arith.constant 0 : i32
      %dma_start3A_137 = tpu.memref_slice %arg5[%dma_start3A, %dma_start3A_135, %dma_start3A_136] : memref<12x16x128xf32, #tpu.memory_space<vmem>> -> memref<1x16x128xf32, #tpu.memory_space<vmem>>
      %dma_start3A_138 = tpu.memref_squeeze %dma_start3A_137 : memref<1x16x128xf32, #tpu.memory_space<vmem>> -> memref<16x128xf32, #tpu.memory_space<vmem>>
      %dma_start3A_139 = tpu.memref_slice %arg2[%mul3A_131, %mul3A_133] : memref<416x100000xf32, #tpu.memory_space<hbm>> -> memref<16x128xf32, #tpu.memory_space<hbm>>
      %dma_start3A_140 = tpu.memref_slice %arg7[%dma_start3A_134] : memref<12x!tpu.dma_semaphore, #tpu.memory_space<semaphore_mem>> -> memref<1x!tpu.dma_semaphore, #tpu.memory_space<semaphore_mem>>
      %dma_start3A_141 = tpu.memref_squeeze %dma_start3A_140 : memref<1x!tpu.dma_semaphore, #tpu.memory_space<semaphore_mem>> -> memref<!tpu.dma_semaphore, #tpu.memory_space<semaphore_mem>>
      %dma_start3A_142 = arith.constant 0 : i32
      %dma_start3A_143 = arith.constant 0 : i32
      %dma_start3A_144 = tpu.memref_slice %arg5[%dma_start3A, %dma_start3A_142, %dma_start3A_143] : memref<12x16x128xf32, #tpu.memory_space<vmem>> -> memref<1x16x128xf32, #tpu.memory_space<vmem>>
      %dma_start3A_145 = tpu.memref_squeeze %dma_start3A_144 : memref<1x16x128xf32, #tpu.memory_space<vmem>> -> memref<16x128xf32, #tpu.memory_space<vmem>>
      %dma_start3A_146 = tpu.memref_slice %arg2[%mul3A_131, %mul3A_133] : memref<416x100000xf32, #tpu.memory_space<hbm>> -> memref<16x128xf32, #tpu.memory_space<hbm>>
      tpu.enqueue_dma source(%dma_start3A_146 : memref<16x128xf32, #tpu.memory_space<hbm>>) target(%dma_start3A_145 : memref<16x128xf32, #tpu.memory_space<vmem>>) target_semaphore(%dma_start3A_141 : memref<!tpu.dma_semaphore, #tpu.memory_space<semaphore_mem>>)
    } else {
    }
    %add3A_63 = arith.constant 10 : i32
    %add3A_64 = arith.addi %mul3A_2, %add3A_63 : i32
    %lt3A_65 = arith.cmpi slt, %add3A_64, %min3A_5 : i32
    %convert_element_type3A_66 = arith.extui %lt3A_65 : i1 to i32
    %cond3A_67 = arith.constant 0 : i32
    %cond3A_68 = arith.cmpi ne, %convert_element_type3A_66, %cond3A_67 : i32
    scf.if %cond3A_68 {
      %add3A_96 = arith.constant 10 : i32
      %add3A_97 = arith.addi %mul3A_2, %add3A_96 : i32
      %jit3A = arith.constant 781 : i32
      %div3A = arith.divsi %add3A_97, %jit3A : i32
      %sign3A = arith.constant 0 : i32
      %sign3A_98 = arith.cmpi sgt, %add3A_97, %sign3A : i32
      %sign3A_99 = arith.extui %sign3A_98 : i1 to i32
      %sign3A_100 = arith.constant 0 : i32
      %sign3A_101 = arith.cmpi slt, %add3A_97, %sign3A_100 : i32
      %sign3A_102 = arith.extui %sign3A_101 : i1 to i32
      %sign3A_103 = arith.subi %sign3A_99, %sign3A_102 : i32
      %sign3A_104 = arith.constant 0 : i32
      %sign3A_105 = arith.cmpi sgt, %jit3A, %sign3A_104 : i32
      %sign3A_106 = arith.extui %sign3A_105 : i1 to i32
      %sign3A_107 = arith.constant 0 : i32
      %sign3A_108 = arith.cmpi slt, %jit3A, %sign3A_107 : i32
      %sign3A_109 = arith.extui %sign3A_108 : i1 to i32
      %sign3A_110 = arith.subi %sign3A_106, %sign3A_109 : i32
      %ne3A = arith.cmpi ne, %sign3A_103, %sign3A_110 : i32
      %rem3A = arith.remsi %add3A_97, %jit3A : i32
      %ne3A_111 = arith.constant 0 : i32
      %ne3A_112 = arith.cmpi ne, %rem3A, %ne3A_111 : i32
      %and3A = arith.andi %ne3A, %ne3A_112 : i1
      %sub3A_113 = arith.constant 1 : i32
      %sub3A_114 = arith.subi %div3A, %sub3A_113 : i32
      %select_n3A = arith.select %and3A, %sub3A_114, %div3A : i32
      %jit3A_115 = arith.constant 781 : i32
      %eq3A = arith.constant 0 : i32
      %eq3A_116 = arith.cmpi eq, %jit3A_115, %eq3A : i32
      %jit3A_117 = arith.constant 1 : i32
      %select_n3A_118 = arith.select %eq3A_116, %jit3A_117, %jit3A_115 : i32
      %rem3A_119 = arith.remsi %add3A_97, %select_n3A_118 : i32
      %ne3A_120 = arith.constant 0 : i32
      %ne3A_121 = arith.cmpi ne, %rem3A_119, %ne3A_120 : i32
      %lt3A_122 = arith.constant 0 : i32
      %lt3A_123 = arith.cmpi slt, %rem3A_119, %lt3A_122 : i32
      %lt3A_124 = arith.constant 0 : i32
      %lt3A_125 = arith.cmpi slt, %select_n3A_118, %lt3A_124 : i32
      %ne3A_126 = arith.xori %lt3A_123, %lt3A_125 : i1
      %and3A_127 = arith.andi %ne3A_126, %ne3A_121 : i1
      %add3A_128 = arith.addi %rem3A_119, %select_n3A_118 : i32
      %select_n3A_129 = arith.select %and3A_127, %add3A_128, %rem3A_119 : i32
      %mul3A_130 = arith.constant 16 : i32
      %mul3A_131 = arith.muli %select_n3A, %mul3A_130 : i32
      %mul3A_132 = arith.constant 128 : i32
      %mul3A_133 = arith.muli %select_n3A_129, %mul3A_132 : i32
      %dma_start3A = arith.constant 10 : i32
      %dma_start3A_134 = arith.constant 10 : i32
      %dma_start3A_135 = arith.constant 0 : i32
      %dma_start3A_136 = arith.constant 0 : i32
      %dma_start3A_137 = tpu.memref_slice %arg5[%dma_start3A, %dma_start3A_135, %dma_start3A_136] : memref<12x16x128xf32, #tpu.memory_space<vmem>> -> memref<1x16x128xf32, #tpu.memory_space<vmem>>
      %dma_start3A_138 = tpu.memref_squeeze %dma_start3A_137 : memref<1x16x128xf32, #tpu.memory_space<vmem>> -> memref<16x128xf32, #tpu.memory_space<vmem>>
      %dma_start3A_139 = tpu.memref_slice %arg2[%mul3A_131, %mul3A_133] : memref<416x100000xf32, #tpu.memory_space<hbm>> -> memref<16x128xf32, #tpu.memory_space<hbm>>
      %dma_start3A_140 = tpu.memref_slice %arg7[%dma_start3A_134] : memref<12x!tpu.dma_semaphore, #tpu.memory_space<semaphore_mem>> -> memref<1x!tpu.dma_semaphore, #tpu.memory_space<semaphore_mem>>
      %dma_start3A_141 = tpu.memref_squeeze %dma_start3A_140 : memref<1x!tpu.dma_semaphore, #tpu.memory_space<semaphore_mem>> -> memref<!tpu.dma_semaphore, #tpu.memory_space<semaphore_mem>>
      %dma_start3A_142 = arith.constant 0 : i32
      %dma_start3A_143 = arith.constant 0 : i32
      %dma_start3A_144 = tpu.memref_slice %arg5[%dma_start3A, %dma_start3A_142, %dma_start3A_143] : memref<12x16x128xf32, #tpu.memory_space<vmem>> -> memref<1x16x128xf32, #tpu.memory_space<vmem>>
      %dma_start3A_145 = tpu.memref_squeeze %dma_start3A_144 : memref<1x16x128xf32, #tpu.memory_space<vmem>> -> memref<16x128xf32, #tpu.memory_space<vmem>>
      %dma_start3A_146 = tpu.memref_slice %arg2[%mul3A_131, %mul3A_133] : memref<416x100000xf32, #tpu.memory_space<hbm>> -> memref<16x128xf32, #tpu.memory_space<hbm>>
      tpu.enqueue_dma source(%dma_start3A_146 : memref<16x128xf32, #tpu.memory_space<hbm>>) target(%dma_start3A_145 : memref<16x128xf32, #tpu.memory_space<vmem>>) target_semaphore(%dma_start3A_141 : memref<!tpu.dma_semaphore, #tpu.memory_space<semaphore_mem>>)
    } else {
    }
    %while3A = arith.constant 0 : i32
    %while3A_69 = arith.subi %min3A_5, %mul3A_2 : i32
    %while3A_70 = arith.addi %mul3A_2, %while3A_69 : i32
    %while3A_71 = arith.constant 1 : i32
    %while3A_72 = arith.divsi %while3A_69, %while3A_71 : i32
    %while3A_73 = arith.muli %while3A_72, %while3A_71 : i32
    %while3A_74 = arith.addi %mul3A_2, %while3A_73 : i32
    %while3A_75 = arith.constant 1 : i32
    %while3A_76 = scf.for %while3A_96 = %mul3A_2 to %while3A_74 step %while3A_75 iter_args(%while3A_97 = %while3A) -> (i32)  : i32 {
      %sub3A_98 = arith.subi %while3A_96, %mul3A_2 : i32
      %rem3A = arith.constant 12 : i32
      %rem3A_99 = arith.remsi %sub3A_98, %rem3A : i32
      %jit3A = arith.constant 781 : i32
      %div3A = arith.divsi %while3A_96, %jit3A : i32
      %sign3A = arith.constant 0 : i32
      %sign3A_100 = arith.cmpi sgt, %while3A_96, %sign3A : i32
      %sign3A_101 = arith.extui %sign3A_100 : i1 to i32
      %sign3A_102 = arith.constant 0 : i32
      %sign3A_103 = arith.cmpi slt, %while3A_96, %sign3A_102 : i32
      %sign3A_104 = arith.extui %sign3A_103 : i1 to i32
      %sign3A_105 = arith.subi %sign3A_101, %sign3A_104 : i32
      %sign3A_106 = arith.constant 0 : i32
      %sign3A_107 = arith.cmpi sgt, %jit3A, %sign3A_106 : i32
      %sign3A_108 = arith.extui %sign3A_107 : i1 to i32
      %sign3A_109 = arith.constant 0 : i32
      %sign3A_110 = arith.cmpi slt, %jit3A, %sign3A_109 : i32
      %sign3A_111 = arith.extui %sign3A_110 : i1 to i32
      %sign3A_112 = arith.subi %sign3A_108, %sign3A_111 : i32
      %ne3A = arith.cmpi ne, %sign3A_105, %sign3A_112 : i32
      %rem3A_113 = arith.remsi %while3A_96, %jit3A : i32
      %ne3A_114 = arith.constant 0 : i32
      %ne3A_115 = arith.cmpi ne, %rem3A_113, %ne3A_114 : i32
      %and3A = arith.andi %ne3A, %ne3A_115 : i1
      %sub3A_116 = arith.constant 1 : i32
      %sub3A_117 = arith.subi %div3A, %sub3A_116 : i32
      %select_n3A = arith.select %and3A, %sub3A_117, %div3A : i32
      %jit3A_118 = arith.constant 781 : i32
      %eq3A = arith.constant 0 : i32
      %eq3A_119 = arith.cmpi eq, %jit3A_118, %eq3A : i32
      %jit3A_120 = arith.constant 1 : i32
      %select_n3A_121 = arith.select %eq3A_119, %jit3A_120, %jit3A_118 : i32
      %rem3A_122 = arith.remsi %while3A_96, %select_n3A_121 : i32
      %ne3A_123 = arith.constant 0 : i32
      %ne3A_124 = arith.cmpi ne, %rem3A_122, %ne3A_123 : i32
      %lt3A_125 = arith.constant 0 : i32
      %lt3A_126 = arith.cmpi slt, %rem3A_122, %lt3A_125 : i32
      %lt3A_127 = arith.constant 0 : i32
      %lt3A_128 = arith.cmpi slt, %select_n3A_121, %lt3A_127 : i32
      %ne3A_129 = arith.xori %lt3A_126, %lt3A_128 : i1
      %and3A_130 = arith.andi %ne3A_129, %ne3A_124 : i1
      %add3A_131 = arith.addi %rem3A_122, %select_n3A_121 : i32
      %select_n3A_132 = arith.select %and3A_130, %add3A_131, %rem3A_122 : i32
      %mul3A_133 = arith.constant 16 : i32
      %mul3A_134 = arith.muli %select_n3A, %mul3A_133 : i32
      %mul3A_135 = arith.constant 128 : i32
      %mul3A_136 = arith.muli %select_n3A_132, %mul3A_135 : i32
      %dma_wait3A = arith.constant 0 : i32
      %dma_wait3A_137 = arith.constant 0 : i32
      %dma_wait3A_138 = tpu.memref_slice %arg5[%rem3A_99, %dma_wait3A, %dma_wait3A_137] : memref<12x16x128xf32, #tpu.memory_space<vmem>> -> memref<1x16x128xf32, #tpu.memory_space<vmem>>
      %dma_wait3A_139 = tpu.memref_squeeze %dma_wait3A_138 : memref<1x16x128xf32, #tpu.memory_space<vmem>> -> memref<16x128xf32, #tpu.memory_space<vmem>>
      %dma_wait3A_140 = tpu.memref_slice %arg2[%mul3A_134, %mul3A_136] : memref<416x100000xf32, #tpu.memory_space<hbm>> -> memref<16x128xf32, #tpu.memory_space<hbm>>
      %dma_wait3A_141 = tpu.memref_slice %arg7[%rem3A_99] : memref<12x!tpu.dma_semaphore, #tpu.memory_space<semaphore_mem>> -> memref<1x!tpu.dma_semaphore, #tpu.memory_space<semaphore_mem>>
      %dma_wait3A_142 = tpu.memref_squeeze %dma_wait3A_141 : memref<1x!tpu.dma_semaphore, #tpu.memory_space<semaphore_mem>> -> memref<!tpu.dma_semaphore, #tpu.memory_space<semaphore_mem>>
      %dma_wait3A_143 = arith.constant 0 : i32
      %dma_wait3A_144 = arith.constant 0 : i32
      %dma_wait3A_145 = tpu.memref_slice %arg5[%rem3A_99, %dma_wait3A_143, %dma_wait3A_144] : memref<12x16x128xf32, #tpu.memory_space<vmem>> -> memref<1x16x128xf32, #tpu.memory_space<vmem>>
      %dma_wait3A_146 = tpu.memref_squeeze %dma_wait3A_145 : memref<1x16x128xf32, #tpu.memory_space<vmem>> -> memref<16x128xf32, #tpu.memory_space<vmem>>
      %dma_wait3A_147 = tpu.memref_slice %arg2[%mul3A_134, %mul3A_136] : memref<416x100000xf32, #tpu.memory_space<hbm>> -> memref<16x128xf32, #tpu.memory_space<hbm>>
      tpu.wait_dma2 semaphore(%dma_wait3A_142 : memref<!tpu.dma_semaphore, #tpu.memory_space<semaphore_mem>>) src(%dma_wait3A_147 : memref<16x128xf32, #tpu.memory_space<hbm>>) dst(%dma_wait3A_146 : memref<16x128xf32, #tpu.memory_space<vmem>>)
      %ge3A = arith.constant 12 : i32
      %ge3A_148 = arith.cmpi sge, %sub3A_98, %ge3A : i32
      %convert_element_type3A_149 = arith.extui %ge3A_148 : i1 to i32
      %cond3A_150 = arith.constant 0 : i32
      %cond3A_151 = arith.cmpi ne, %convert_element_type3A_149, %cond3A_150 : i32
      scf.if %cond3A_151 {
        %sub3A_222 = arith.constant 12 : i32
        %sub3A_223 = arith.subi %while3A_96, %sub3A_222 : i32
        %jit3A_224 = arith.constant 781 : i32
        %div3A_225 = arith.divsi %sub3A_223, %jit3A_224 : i32
        %sign3A_226 = arith.constant 0 : i32
        %sign3A_227 = arith.cmpi sgt, %sub3A_223, %sign3A_226 : i32
        %sign3A_228 = arith.extui %sign3A_227 : i1 to i32
        %sign3A_229 = arith.constant 0 : i32
        %sign3A_230 = arith.cmpi slt, %sub3A_223, %sign3A_229 : i32
        %sign3A_231 = arith.extui %sign3A_230 : i1 to i32
        %sign3A_232 = arith.subi %sign3A_228, %sign3A_231 : i32
        %sign3A_233 = arith.constant 0 : i32
        %sign3A_234 = arith.cmpi sgt, %jit3A_224, %sign3A_233 : i32
        %sign3A_235 = arith.extui %sign3A_234 : i1 to i32
        %sign3A_236 = arith.constant 0 : i32
        %sign3A_237 = arith.cmpi slt, %jit3A_224, %sign3A_236 : i32
        %sign3A_238 = arith.extui %sign3A_237 : i1 to i32
        %sign3A_239 = arith.subi %sign3A_235, %sign3A_238 : i32
        %ne3A_240 = arith.cmpi ne, %sign3A_232, %sign3A_239 : i32
        %rem3A_241 = arith.remsi %sub3A_223, %jit3A_224 : i32
        %ne3A_242 = arith.constant 0 : i32
        %ne3A_243 = arith.cmpi ne, %rem3A_241, %ne3A_242 : i32
        %and3A_244 = arith.andi %ne3A_240, %ne3A_243 : i1
        %sub3A_245 = arith.constant 1 : i32
        %sub3A_246 = arith.subi %div3A_225, %sub3A_245 : i32
        %select_n3A_247 = arith.select %and3A_244, %sub3A_246, %div3A_225 : i32
        %jit3A_248 = arith.constant 781 : i32
        %eq3A_249 = arith.constant 0 : i32
        %eq3A_250 = arith.cmpi eq, %jit3A_248, %eq3A_249 : i32
        %jit3A_251 = arith.constant 1 : i32
        %select_n3A_252 = arith.select %eq3A_250, %jit3A_251, %jit3A_248 : i32
        %rem3A_253 = arith.remsi %sub3A_223, %select_n3A_252 : i32
        %ne3A_254 = arith.constant 0 : i32
        %ne3A_255 = arith.cmpi ne, %rem3A_253, %ne3A_254 : i32
        %lt3A_256 = arith.constant 0 : i32
        %lt3A_257 = arith.cmpi slt, %rem3A_253, %lt3A_256 : i32
        %lt3A_258 = arith.constant 0 : i32
        %lt3A_259 = arith.cmpi slt, %select_n3A_252, %lt3A_258 : i32
        %ne3A_260 = arith.xori %lt3A_257, %lt3A_259 : i1
        %and3A_261 = arith.andi %ne3A_260, %ne3A_255 : i1
        %add3A_262 = arith.addi %rem3A_253, %select_n3A_252 : i32
        %select_n3A_263 = arith.select %and3A_261, %add3A_262, %rem3A_253 : i32
        %mul3A_264 = arith.constant 12504 : i32
        %mul3A_265 = arith.muli %select_n3A_247, %mul3A_264 : i32
        %mul3A_266 = arith.constant 16 : i32
        %mul3A_267 = arith.muli %select_n3A_263, %mul3A_266 : i32
        %add3A_268 = arith.addi %mul3A_265, %mul3A_267 : i32
        %mul3A_269 = arith.constant 128 : i32
        %mul3A_270 = arith.muli %add3A_268, %mul3A_269 : i32
        %dma_wait3A_271 = arith.constant 0 : i32
        %dma_wait3A_272 = tpu.memref_slice %arg6[%rem3A_99, %dma_wait3A_271] : memref<12x2048xf32, #tpu.memory_space<vmem>> -> memref<1x2048xf32, #tpu.memory_space<vmem>>
        %dma_wait3A_273 = tpu.memref_squeeze %dma_wait3A_272 : memref<1x2048xf32, #tpu.memory_space<vmem>> -> memref<2048xf32, #tpu.memory_space<vmem>>
        %dma_wait3A_274 = tpu.memref_slice %arg4[%mul3A_270] : memref<41613312xf32, #tpu.memory_space<hbm>> -> memref<2048xf32, #tpu.memory_space<hbm>>
        %dma_wait3A_275 = tpu.memref_slice %arg8[%rem3A_99] : memref<12x!tpu.dma_semaphore, #tpu.memory_space<semaphore_mem>> -> memref<1x!tpu.dma_semaphore, #tpu.memory_space<semaphore_mem>>
        %dma_wait3A_276 = tpu.memref_squeeze %dma_wait3A_275 : memref<1x!tpu.dma_semaphore, #tpu.memory_space<semaphore_mem>> -> memref<!tpu.dma_semaphore, #tpu.memory_space<semaphore_mem>>
        %dma_wait3A_277 = tpu.memref_slice %arg4[%mul3A_270] : memref<41613312xf32, #tpu.memory_space<hbm>> -> memref<2048xf32, #tpu.memory_space<hbm>>
        %dma_wait3A_278 = arith.constant 0 : i32
        %dma_wait3A_279 = tpu.memref_slice %arg6[%rem3A_99, %dma_wait3A_278] : memref<12x2048xf32, #tpu.memory_space<vmem>> -> memref<1x2048xf32, #tpu.memory_space<vmem>>
        %dma_wait3A_280 = tpu.memref_squeeze %dma_wait3A_279 : memref<1x2048xf32, #tpu.memory_space<vmem>> -> memref<2048xf32, #tpu.memory_space<vmem>>
        tpu.wait_dma2 semaphore(%dma_wait3A_276 : memref<!tpu.dma_semaphore, #tpu.memory_space<semaphore_mem>>) src(%dma_wait3A_280 : memref<2048xf32, #tpu.memory_space<vmem>>) dst(%dma_wait3A_277 : memref<2048xf32, #tpu.memory_space<hbm>>)
      } else {
      }
      %broadcast_in_dim3A = arith.constant 0 : i32
      %broadcast_in_dim3A_152 = vector.broadcast %broadcast_in_dim3A : i32 to vector<16xi32>
      %add3A_153 = vector.broadcast %rem3A_99 : i32 to vector<16xi32>
      %add3A_154 = arith.addi %broadcast_in_dim3A_152, %add3A_153 : vector<16xi32>
      %parallel_loop3A = arith.constant 0 : i32
      %parallel_loop3A_155 = arith.constant 128 : i32
      %parallel_loop3A_156 = arith.constant 1 : i32
      scf.for %parallel_loop3A_222 = %parallel_loop3A to %parallel_loop3A_155 step %parallel_loop3A_156  : i32 {
        %parallel_loop3A_223 = arith.constant 7 : i32
        %parallel_loop3A_224 = arith.andi %parallel_loop3A_222, %parallel_loop3A_223 : i32
        %parallel_loop3A_225 = arith.constant 16 : i32
        %parallel_loop3A_226 = arith.muli %parallel_loop3A_224, %parallel_loop3A_225 : i32
        %parallel_loop3A_227 = arith.constant 3 : i32
        %parallel_loop3A_228 = arith.shrsi %parallel_loop3A_222, %parallel_loop3A_227 : i32
        %parallel_loop3A_229 = vector.broadcast %parallel_loop3A_228 : i32 to vector<16xi32>
        %parallel_loop3A_230 = arith.addi %iota3A, %parallel_loop3A_229 : vector<16xi32>
        %parallel_loop3A_231 = arith.constant 15 : i32
        %parallel_loop3A_232 = vector.broadcast %parallel_loop3A_231 : i32 to vector<16xi32>
        %parallel_loop3A_233 = arith.andi %parallel_loop3A_230, %parallel_loop3A_232 : vector<16xi32>
        %parallel_loop3A_234 = vector.broadcast %parallel_loop3A_226 : i32 to vector<16xi32>
        %parallel_loop3A_235 = arith.addi %parallel_loop3A_233, %parallel_loop3A_234 : vector<16xi32>
        %parallel_loop3A_236 = arith.constant 0 : i32
        %parallel_loop3A_237 = arith.constant 0 : i32
        %parallel_loop3A_238 = tpu.memref_slice %arg5[%rem3A_99, %parallel_loop3A_236, %parallel_loop3A_237] : memref<12x16x128xf32, #tpu.memory_space<vmem>> -> memref<1x16x128xf32, #tpu.memory_space<vmem>>
        %parallel_loop3A_239 = tpu.memref_squeeze %parallel_loop3A_238 : memref<1x16x128xf32, #tpu.memory_space<vmem>> -> memref<16x128xf32, #tpu.memory_space<vmem>>
        %parallel_loop3A_240 = tpu.vector_load_idx %parallel_loop3A_239[%iota3A, %parallel_loop3A_235] : memref<16x128xf32, #tpu.memory_space<vmem>>[vector<16xi32>, vector<16xi32>], vector<16xf32>,
        %parallel_loop3A_241 = arith.constant 16 : i32
        %parallel_loop3A_242 = vector.broadcast %parallel_loop3A_241 : i32 to vector<16xi32>
        %parallel_loop3A_243 = arith.muli %parallel_loop3A_233, %parallel_loop3A_242 : vector<16xi32>
        %parallel_loop3A_244 = arith.addi %parallel_loop3A_243, %iota3A : vector<16xi32>
        %parallel_loop3A_245 = arith.constant 16 : i32
        %parallel_loop3A_246 = arith.muli %parallel_loop3A_226, %parallel_loop3A_245 : i32
        %parallel_loop3A_247 = vector.broadcast %parallel_loop3A_246 : i32 to vector<16xi32>
        %parallel_loop3A_248 = arith.addi %parallel_loop3A_244, %parallel_loop3A_247 : vector<16xi32>
        tpu.vector_store_idx %arg6[%add3A_154, %parallel_loop3A_248], %parallel_loop3A_240 : memref<12x2048xf32, #tpu.memory_space<vmem>>[vector<16xi32>, vector<16xi32>], vector<16xf32>,
      } {sc.loop_unroll_factor = 16 : i64, sc.parallel_access}
      %jit3A_157 = arith.constant 781 : i32
      %div3A_158 = arith.divsi %while3A_96, %jit3A_157 : i32
      %sign3A_159 = arith.constant 0 : i32
      %sign3A_160 = arith.cmpi sgt, %while3A_96, %sign3A_159 : i32
      %sign3A_161 = arith.extui %sign3A_160 : i1 to i32
      %sign3A_162 = arith.constant 0 : i32
      %sign3A_163 = arith.cmpi slt, %while3A_96, %sign3A_162 : i32
      %sign3A_164 = arith.extui %sign3A_163 : i1 to i32
      %sign3A_165 = arith.subi %sign3A_161, %sign3A_164 : i32
      %sign3A_166 = arith.constant 0 : i32
      %sign3A_167 = arith.cmpi sgt, %jit3A_157, %sign3A_166 : i32
      %sign3A_168 = arith.extui %sign3A_167 : i1 to i32
      %sign3A_169 = arith.constant 0 : i32
      %sign3A_170 = arith.cmpi slt, %jit3A_157, %sign3A_169 : i32
      %sign3A_171 = arith.extui %sign3A_170 : i1 to i32
      %sign3A_172 = arith.subi %sign3A_168, %sign3A_171 : i32
      %ne3A_173 = arith.cmpi ne, %sign3A_165, %sign3A_172 : i32
      %rem3A_174 = arith.remsi %while3A_96, %jit3A_157 : i32
      %ne3A_175 = arith.constant 0 : i32
      %ne3A_176 = arith.cmpi ne, %rem3A_174, %ne3A_175 : i32
      %and3A_177 = arith.andi %ne3A_173, %ne3A_176 : i1
      %sub3A_178 = arith.constant 1 : i32
      %sub3A_179 = arith.subi %div3A_158, %sub3A_178 : i32
      %select_n3A_180 = arith.select %and3A_177, %sub3A_179, %div3A_158 : i32
      %jit3A_181 = arith.constant 781 : i32
      %eq3A_182 = arith.constant 0 : i32
      %eq3A_183 = arith.cmpi eq, %jit3A_181, %eq3A_182 : i32
      %jit3A_184 = arith.constant 1 : i32
      %select_n3A_185 = arith.select %eq3A_183, %jit3A_184, %jit3A_181 : i32
      %rem3A_186 = arith.remsi %while3A_96, %select_n3A_185 : i32
      %ne3A_187 = arith.constant 0 : i32
      %ne3A_188 = arith.cmpi ne, %rem3A_186, %ne3A_187 : i32
      %lt3A_189 = arith.constant 0 : i32
      %lt3A_190 = arith.cmpi slt, %rem3A_186, %lt3A_189 : i32
      %lt3A_191 = arith.constant 0 : i32
      %lt3A_192 = arith.cmpi slt, %select_n3A_185, %lt3A_191 : i32
      %ne3A_193 = arith.xori %lt3A_190, %lt3A_192 : i1
      %and3A_194 = arith.andi %ne3A_193, %ne3A_188 : i1
      %add3A_195 = arith.addi %rem3A_186, %select_n3A_185 : i32
      %select_n3A_196 = arith.select %and3A_194, %add3A_195, %rem3A_186 : i32
      %mul3A_197 = arith.constant 12504 : i32
      %mul3A_198 = arith.muli %select_n3A_180, %mul3A_197 : i32
      %mul3A_199 = arith.constant 16 : i32
      %mul3A_200 = arith.muli %select_n3A_196, %mul3A_199 : i32
      %add3A_201 = arith.addi %mul3A_198, %mul3A_200 : i32
      %mul3A_202 = arith.constant 128 : i32
      %mul3A_203 = arith.muli %add3A_201, %mul3A_202 : i32
      %dma_start3A = arith.constant 0 : i32
      %dma_start3A_204 = tpu.memref_slice %arg6[%rem3A_99, %dma_start3A] : memref<12x2048xf32, #tpu.memory_space<vmem>> -> memref<1x2048xf32, #tpu.memory_space<vmem>>
      %dma_start3A_205 = tpu.memref_squeeze %dma_start3A_204 : memref<1x2048xf32, #tpu.memory_space<vmem>> -> memref<2048xf32, #tpu.memory_space<vmem>>
      %dma_start3A_206 = tpu.memref_slice %arg4[%mul3A_203] : memref<41613312xf32, #tpu.memory_space<hbm>> -> memref<2048xf32, #tpu.memory_space<hbm>>
      %dma_start3A_207 = tpu.memref_slice %arg8[%rem3A_99] : memref<12x!tpu.dma_semaphore, #tpu.memory_space<semaphore_mem>> -> memref<1x!tpu.dma_semaphore, #tpu.memory_space<semaphore_mem>>
      %dma_start3A_208 = tpu.memref_squeeze %dma_start3A_207 : memref<1x!tpu.dma_semaphore, #tpu.memory_space<semaphore_mem>> -> memref<!tpu.dma_semaphore, #tpu.memory_space<semaphore_mem>>
      %dma_start3A_209 = tpu.memref_slice %arg4[%mul3A_203] : memref<41613312xf32, #tpu.memory_space<hbm>> -> memref<2048xf32, #tpu.memory_space<hbm>>
      %dma_start3A_210 = arith.constant 0 : i32
      %dma_start3A_211 = tpu.memref_slice %arg6[%rem3A_99, %dma_start3A_210] : memref<12x2048xf32, #tpu.memory_space<vmem>> -> memref<1x2048xf32, #tpu.memory_space<vmem>>
      %dma_start3A_212 = tpu.memref_squeeze %dma_start3A_211 : memref<1x2048xf32, #tpu.memory_space<vmem>> -> memref<2048xf32, #tpu.memory_space<vmem>>
      tpu.enqueue_dma source(%dma_start3A_212 : memref<2048xf32, #tpu.memory_space<vmem>>) target(%dma_start3A_209 : memref<2048xf32, #tpu.memory_space<hbm>>) target_semaphore(%dma_start3A_208 : memref<!tpu.dma_semaphore, #tpu.memory_space<semaphore_mem>>)
      %add3A_213 = arith.constant 12 : i32
      %add3A_214 = arith.addi %while3A_96, %add3A_213 : i32
      %sub3A_215 = arith.constant 1 : i32
      %sub3A_216 = arith.subi %add3A_214, %sub3A_215 : i32
      %lt3A_217 = arith.cmpi slt, %sub3A_216, %min3A_5 : i32
      %convert_element_type3A_218 = arith.extui %lt3A_217 : i1 to i32
      %cond3A_219 = arith.constant 0 : i32
      %cond3A_220 = arith.cmpi ne, %convert_element_type3A_218, %cond3A_219 : i32
      scf.if %cond3A_220 {
        %add3A_222 = arith.constant 12 : i32
        %add3A_223 = arith.addi %while3A_96, %add3A_222 : i32
        %sub3A_224 = arith.constant 1 : i32
        %sub3A_225 = arith.subi %add3A_223, %sub3A_224 : i32
        %add3A_226 = arith.constant 12 : i32
        %add3A_227 = arith.addi %sub3A_98, %add3A_226 : i32
        %sub3A_228 = arith.constant 1 : i32
        %sub3A_229 = arith.subi %add3A_227, %sub3A_228 : i32
        %rem3A_230 = arith.constant 12 : i32
        %rem3A_231 = arith.remsi %sub3A_229, %rem3A_230 : i32
        %jit3A_232 = arith.constant 781 : i32
        %div3A_233 = arith.divsi %sub3A_225, %jit3A_232 : i32
        %sign3A_234 = arith.constant 0 : i32
        %sign3A_235 = arith.cmpi sgt, %sub3A_225, %sign3A_234 : i32
        %sign3A_236 = arith.extui %sign3A_235 : i1 to i32
        %sign3A_237 = arith.constant 0 : i32
        %sign3A_238 = arith.cmpi slt, %sub3A_225, %sign3A_237 : i32
        %sign3A_239 = arith.extui %sign3A_238 : i1 to i32
        %sign3A_240 = arith.subi %sign3A_236, %sign3A_239 : i32
        %sign3A_241 = arith.constant 0 : i32
        %sign3A_242 = arith.cmpi sgt, %jit3A_232, %sign3A_241 : i32
        %sign3A_243 = arith.extui %sign3A_242 : i1 to i32
        %sign3A_244 = arith.constant 0 : i32
        %sign3A_245 = arith.cmpi slt, %jit3A_232, %sign3A_244 : i32
        %sign3A_246 = arith.extui %sign3A_245 : i1 to i32
        %sign3A_247 = arith.subi %sign3A_243, %sign3A_246 : i32
        %ne3A_248 = arith.cmpi ne, %sign3A_240, %sign3A_247 : i32
        %rem3A_249 = arith.remsi %sub3A_225, %jit3A_232 : i32
        %ne3A_250 = arith.constant 0 : i32
        %ne3A_251 = arith.cmpi ne, %rem3A_249, %ne3A_250 : i32
        %and3A_252 = arith.andi %ne3A_248, %ne3A_251 : i1
        %sub3A_253 = arith.constant 1 : i32
        %sub3A_254 = arith.subi %div3A_233, %sub3A_253 : i32
        %select_n3A_255 = arith.select %and3A_252, %sub3A_254, %div3A_233 : i32
        %jit3A_256 = arith.constant 781 : i32
        %eq3A_257 = arith.constant 0 : i32
        %eq3A_258 = arith.cmpi eq, %jit3A_256, %eq3A_257 : i32
        %jit3A_259 = arith.constant 1 : i32
        %select_n3A_260 = arith.select %eq3A_258, %jit3A_259, %jit3A_256 : i32
        %rem3A_261 = arith.remsi %sub3A_225, %select_n3A_260 : i32
        %ne3A_262 = arith.constant 0 : i32
        %ne3A_263 = arith.cmpi ne, %rem3A_261, %ne3A_262 : i32
        %lt3A_264 = arith.constant 0 : i32
        %lt3A_265 = arith.cmpi slt, %rem3A_261, %lt3A_264 : i32
        %lt3A_266 = arith.constant 0 : i32
        %lt3A_267 = arith.cmpi slt, %select_n3A_260, %lt3A_266 : i32
        %ne3A_268 = arith.xori %lt3A_265, %lt3A_267 : i1
        %and3A_269 = arith.andi %ne3A_268, %ne3A_263 : i1
        %add3A_270 = arith.addi %rem3A_261, %select_n3A_260 : i32
        %select_n3A_271 = arith.select %and3A_269, %add3A_270, %rem3A_261 : i32
        %mul3A_272 = arith.constant 16 : i32
        %mul3A_273 = arith.muli %select_n3A_255, %mul3A_272 : i32
        %mul3A_274 = arith.constant 128 : i32
        %mul3A_275 = arith.muli %select_n3A_271, %mul3A_274 : i32
        %dma_start3A_276 = arith.constant 0 : i32
        %dma_start3A_277 = arith.constant 0 : i32
        %dma_start3A_278 = tpu.memref_slice %arg5[%rem3A_231, %dma_start3A_276, %dma_start3A_277] : memref<12x16x128xf32, #tpu.memory_space<vmem>> -> memref<1x16x128xf32, #tpu.memory_space<vmem>>
        %dma_start3A_279 = tpu.memref_squeeze %dma_start3A_278 : memref<1x16x128xf32, #tpu.memory_space<vmem>> -> memref<16x128xf32, #tpu.memory_space<vmem>>
        %dma_start3A_280 = tpu.memref_slice %arg2[%mul3A_273, %mul3A_275] : memref<416x100000xf32, #tpu.memory_space<hbm>> -> memref<16x128xf32, #tpu.memory_space<hbm>>
        %dma_start3A_281 = tpu.memref_slice %arg7[%rem3A_231] : memref<12x!tpu.dma_semaphore, #tpu.memory_space<semaphore_mem>> -> memref<1x!tpu.dma_semaphore, #tpu.memory_space<semaphore_mem>>
        %dma_start3A_282 = tpu.memref_squeeze %dma_start3A_281 : memref<1x!tpu.dma_semaphore, #tpu.memory_space<semaphore_mem>> -> memref<!tpu.dma_semaphore, #tpu.memory_space<semaphore_mem>>
        %dma_start3A_283 = arith.constant 0 : i32
        %dma_start3A_284 = arith.constant 0 : i32
        %dma_start3A_285 = tpu.memref_slice %arg5[%rem3A_231, %dma_start3A_283, %dma_start3A_284] : memref<12x16x128xf32, #tpu.memory_space<vmem>> -> memref<1x16x128xf32, #tpu.memory_space<vmem>>
        %dma_start3A_286 = tpu.memref_squeeze %dma_start3A_285 : memref<1x16x128xf32, #tpu.memory_space<vmem>> -> memref<16x128xf32, #tpu.memory_space<vmem>>
        %dma_start3A_287 = tpu.memref_slice %arg2[%mul3A_273, %mul3A_275] : memref<416x100000xf32, #tpu.memory_space<hbm>> -> memref<16x128xf32, #tpu.memory_space<hbm>>
        tpu.enqueue_dma source(%dma_start3A_287 : memref<16x128xf32, #tpu.memory_space<hbm>>) target(%dma_start3A_286 : memref<16x128xf32, #tpu.memory_space<vmem>>) target_semaphore(%dma_start3A_282 : memref<!tpu.dma_semaphore, #tpu.memory_space<semaphore_mem>>)
      } else {
      }
      %while3A_221 = arith.constant 0 : i32
      scf.yield %while3A_221 : i32
    }
    %while3A_77 = arith.constant 1 : i32
    %while3A_78 = scf.for %while3A_96 = %while3A_74 to %while3A_70 step %while3A_77 iter_args(%while3A_97 = %while3A_76) -> (i32)  : i32 {
      %sub3A_98 = arith.subi %while3A_96, %mul3A_2 : i32
      %rem3A = arith.constant 12 : i32
      %rem3A_99 = arith.remsi %sub3A_98, %rem3A : i32
      %jit3A = arith.constant 781 : i32
      %div3A = arith.divsi %while3A_96, %jit3A : i32
      %sign3A = arith.constant 0 : i32
      %sign3A_100 = arith.cmpi sgt, %while3A_96, %sign3A : i32
      %sign3A_101 = arith.extui %sign3A_100 : i1 to i32
      %sign3A_102 = arith.constant 0 : i32
      %sign3A_103 = arith.cmpi slt, %while3A_96, %sign3A_102 : i32
      %sign3A_104 = arith.extui %sign3A_103 : i1 to i32
      %sign3A_105 = arith.subi %sign3A_101, %sign3A_104 : i32
      %sign3A_106 = arith.constant 0 : i32
      %sign3A_107 = arith.cmpi sgt, %jit3A, %sign3A_106 : i32
      %sign3A_108 = arith.extui %sign3A_107 : i1 to i32
      %sign3A_109 = arith.constant 0 : i32
      %sign3A_110 = arith.cmpi slt, %jit3A, %sign3A_109 : i32
      %sign3A_111 = arith.extui %sign3A_110 : i1 to i32
      %sign3A_112 = arith.subi %sign3A_108, %sign3A_111 : i32
      %ne3A = arith.cmpi ne, %sign3A_105, %sign3A_112 : i32
      %rem3A_113 = arith.remsi %while3A_96, %jit3A : i32
      %ne3A_114 = arith.constant 0 : i32
      %ne3A_115 = arith.cmpi ne, %rem3A_113, %ne3A_114 : i32
      %and3A = arith.andi %ne3A, %ne3A_115 : i1
      %sub3A_116 = arith.constant 1 : i32
      %sub3A_117 = arith.subi %div3A, %sub3A_116 : i32
      %select_n3A = arith.select %and3A, %sub3A_117, %div3A : i32
      %jit3A_118 = arith.constant 781 : i32
      %eq3A = arith.constant 0 : i32
      %eq3A_119 = arith.cmpi eq, %jit3A_118, %eq3A : i32
      %jit3A_120 = arith.constant 1 : i32
      %select_n3A_121 = arith.select %eq3A_119, %jit3A_120, %jit3A_118 : i32
      %rem3A_122 = arith.remsi %while3A_96, %select_n3A_121 : i32
      %ne3A_123 = arith.constant 0 : i32
      %ne3A_124 = arith.cmpi ne, %rem3A_122, %ne3A_123 : i32
      %lt3A_125 = arith.constant 0 : i32
      %lt3A_126 = arith.cmpi slt, %rem3A_122, %lt3A_125 : i32
      %lt3A_127 = arith.constant 0 : i32
      %lt3A_128 = arith.cmpi slt, %select_n3A_121, %lt3A_127 : i32
      %ne3A_129 = arith.xori %lt3A_126, %lt3A_128 : i1
      %and3A_130 = arith.andi %ne3A_129, %ne3A_124 : i1
      %add3A_131 = arith.addi %rem3A_122, %select_n3A_121 : i32
      %select_n3A_132 = arith.select %and3A_130, %add3A_131, %rem3A_122 : i32
      %mul3A_133 = arith.constant 16 : i32
      %mul3A_134 = arith.muli %select_n3A, %mul3A_133 : i32
      %mul3A_135 = arith.constant 128 : i32
      %mul3A_136 = arith.muli %select_n3A_132, %mul3A_135 : i32
      %dma_wait3A = arith.constant 0 : i32
      %dma_wait3A_137 = arith.constant 0 : i32
      %dma_wait3A_138 = tpu.memref_slice %arg5[%rem3A_99, %dma_wait3A, %dma_wait3A_137] : memref<12x16x128xf32, #tpu.memory_space<vmem>> -> memref<1x16x128xf32, #tpu.memory_space<vmem>>
      %dma_wait3A_139 = tpu.memref_squeeze %dma_wait3A_138 : memref<1x16x128xf32, #tpu.memory_space<vmem>> -> memref<16x128xf32, #tpu.memory_space<vmem>>
      %dma_wait3A_140 = tpu.memref_slice %arg2[%mul3A_134, %mul3A_136] : memref<416x100000xf32, #tpu.memory_space<hbm>> -> memref<16x128xf32, #tpu.memory_space<hbm>>
      %dma_wait3A_141 = tpu.memref_slice %arg7[%rem3A_99] : memref<12x!tpu.dma_semaphore, #tpu.memory_space<semaphore_mem>> -> memref<1x!tpu.dma_semaphore, #tpu.memory_space<semaphore_mem>>
      %dma_wait3A_142 = tpu.memref_squeeze %dma_wait3A_141 : memref<1x!tpu.dma_semaphore, #tpu.memory_space<semaphore_mem>> -> memref<!tpu.dma_semaphore, #tpu.memory_space<semaphore_mem>>
      %dma_wait3A_143 = arith.constant 0 : i32
      %dma_wait3A_144 = arith.constant 0 : i32
      %dma_wait3A_145 = tpu.memref_slice %arg5[%rem3A_99, %dma_wait3A_143, %dma_wait3A_144] : memref<12x16x128xf32, #tpu.memory_space<vmem>> -> memref<1x16x128xf32, #tpu.memory_space<vmem>>
      %dma_wait3A_146 = tpu.memref_squeeze %dma_wait3A_145 : memref<1x16x128xf32, #tpu.memory_space<vmem>> -> memref<16x128xf32, #tpu.memory_space<vmem>>
      %dma_wait3A_147 = tpu.memref_slice %arg2[%mul3A_134, %mul3A_136] : memref<416x100000xf32, #tpu.memory_space<hbm>> -> memref<16x128xf32, #tpu.memory_space<hbm>>
      tpu.wait_dma2 semaphore(%dma_wait3A_142 : memref<!tpu.dma_semaphore, #tpu.memory_space<semaphore_mem>>) src(%dma_wait3A_147 : memref<16x128xf32, #tpu.memory_space<hbm>>) dst(%dma_wait3A_146 : memref<16x128xf32, #tpu.memory_space<vmem>>)
      %ge3A = arith.constant 12 : i32
      %ge3A_148 = arith.cmpi sge, %sub3A_98, %ge3A : i32
      %convert_element_type3A_149 = arith.extui %ge3A_148 : i1 to i32
      %cond3A_150 = arith.constant 0 : i32
      %cond3A_151 = arith.cmpi ne, %convert_element_type3A_149, %cond3A_150 : i32
      scf.if %cond3A_151 {
        %sub3A_222 = arith.constant 12 : i32
        %sub3A_223 = arith.subi %while3A_96, %sub3A_222 : i32
        %jit3A_224 = arith.constant 781 : i32
        %div3A_225 = arith.divsi %sub3A_223, %jit3A_224 : i32
        %sign3A_226 = arith.constant 0 : i32
        %sign3A_227 = arith.cmpi sgt, %sub3A_223, %sign3A_226 : i32
        %sign3A_228 = arith.extui %sign3A_227 : i1 to i32
        %sign3A_229 = arith.constant 0 : i32
        %sign3A_230 = arith.cmpi slt, %sub3A_223, %sign3A_229 : i32
        %sign3A_231 = arith.extui %sign3A_230 : i1 to i32
        %sign3A_232 = arith.subi %sign3A_228, %sign3A_231 : i32
        %sign3A_233 = arith.constant 0 : i32
        %sign3A_234 = arith.cmpi sgt, %jit3A_224, %sign3A_233 : i32
        %sign3A_235 = arith.extui %sign3A_234 : i1 to i32
        %sign3A_236 = arith.constant 0 : i32
        %sign3A_237 = arith.cmpi slt, %jit3A_224, %sign3A_236 : i32
        %sign3A_238 = arith.extui %sign3A_237 : i1 to i32
        %sign3A_239 = arith.subi %sign3A_235, %sign3A_238 : i32
        %ne3A_240 = arith.cmpi ne, %sign3A_232, %sign3A_239 : i32
        %rem3A_241 = arith.remsi %sub3A_223, %jit3A_224 : i32
        %ne3A_242 = arith.constant 0 : i32
        %ne3A_243 = arith.cmpi ne, %rem3A_241, %ne3A_242 : i32
        %and3A_244 = arith.andi %ne3A_240, %ne3A_243 : i1
        %sub3A_245 = arith.constant 1 : i32
        %sub3A_246 = arith.subi %div3A_225, %sub3A_245 : i32
        %select_n3A_247 = arith.select %and3A_244, %sub3A_246, %div3A_225 : i32
        %jit3A_248 = arith.constant 781 : i32
        %eq3A_249 = arith.constant 0 : i32
        %eq3A_250 = arith.cmpi eq, %jit3A_248, %eq3A_249 : i32
        %jit3A_251 = arith.constant 1 : i32
        %select_n3A_252 = arith.select %eq3A_250, %jit3A_251, %jit3A_248 : i32
        %rem3A_253 = arith.remsi %sub3A_223, %select_n3A_252 : i32
        %ne3A_254 = arith.constant 0 : i32
        %ne3A_255 = arith.cmpi ne, %rem3A_253, %ne3A_254 : i32
        %lt3A_256 = arith.constant 0 : i32
        %lt3A_257 = arith.cmpi slt, %rem3A_253, %lt3A_256 : i32
        %lt3A_258 = arith.constant 0 : i32
        %lt3A_259 = arith.cmpi slt, %select_n3A_252, %lt3A_258 : i32
        %ne3A_260 = arith.xori %lt3A_257, %lt3A_259 : i1
        %and3A_261 = arith.andi %ne3A_260, %ne3A_255 : i1
        %add3A_262 = arith.addi %rem3A_253, %select_n3A_252 : i32
        %select_n3A_263 = arith.select %and3A_261, %add3A_262, %rem3A_253 : i32
        %mul3A_264 = arith.constant 12504 : i32
        %mul3A_265 = arith.muli %select_n3A_247, %mul3A_264 : i32
        %mul3A_266 = arith.constant 16 : i32
        %mul3A_267 = arith.muli %select_n3A_263, %mul3A_266 : i32
        %add3A_268 = arith.addi %mul3A_265, %mul3A_267 : i32
        %mul3A_269 = arith.constant 128 : i32
        %mul3A_270 = arith.muli %add3A_268, %mul3A_269 : i32
        %dma_wait3A_271 = arith.constant 0 : i32
        %dma_wait3A_272 = tpu.memref_slice %arg6[%rem3A_99, %dma_wait3A_271] : memref<12x2048xf32, #tpu.memory_space<vmem>> -> memref<1x2048xf32, #tpu.memory_space<vmem>>
        %dma_wait3A_273 = tpu.memref_squeeze %dma_wait3A_272 : memref<1x2048xf32, #tpu.memory_space<vmem>> -> memref<2048xf32, #tpu.memory_space<vmem>>
        %dma_wait3A_274 = tpu.memref_slice %arg4[%mul3A_270] : memref<41613312xf32, #tpu.memory_space<hbm>> -> memref<2048xf32, #tpu.memory_space<hbm>>
        %dma_wait3A_275 = tpu.memref_slice %arg8[%rem3A_99] : memref<12x!tpu.dma_semaphore, #tpu.memory_space<semaphore_mem>> -> memref<1x!tpu.dma_semaphore, #tpu.memory_space<semaphore_mem>>
        %dma_wait3A_276 = tpu.memref_squeeze %dma_wait3A_275 : memref<1x!tpu.dma_semaphore, #tpu.memory_space<semaphore_mem>> -> memref<!tpu.dma_semaphore, #tpu.memory_space<semaphore_mem>>
        %dma_wait3A_277 = tpu.memref_slice %arg4[%mul3A_270] : memref<41613312xf32, #tpu.memory_space<hbm>> -> memref<2048xf32, #tpu.memory_space<hbm>>
        %dma_wait3A_278 = arith.constant 0 : i32
        %dma_wait3A_279 = tpu.memref_slice %arg6[%rem3A_99, %dma_wait3A_278] : memref<12x2048xf32, #tpu.memory_space<vmem>> -> memref<1x2048xf32, #tpu.memory_space<vmem>>
        %dma_wait3A_280 = tpu.memref_squeeze %dma_wait3A_279 : memref<1x2048xf32, #tpu.memory_space<vmem>> -> memref<2048xf32, #tpu.memory_space<vmem>>
        tpu.wait_dma2 semaphore(%dma_wait3A_276 : memref<!tpu.dma_semaphore, #tpu.memory_space<semaphore_mem>>) src(%dma_wait3A_280 : memref<2048xf32, #tpu.memory_space<vmem>>) dst(%dma_wait3A_277 : memref<2048xf32, #tpu.memory_space<hbm>>)
      } else {
      }
      %broadcast_in_dim3A = arith.constant 0 : i32
      %broadcast_in_dim3A_152 = vector.broadcast %broadcast_in_dim3A : i32 to vector<16xi32>
      %add3A_153 = vector.broadcast %rem3A_99 : i32 to vector<16xi32>
      %add3A_154 = arith.addi %broadcast_in_dim3A_152, %add3A_153 : vector<16xi32>
      %parallel_loop3A = arith.constant 0 : i32
      %parallel_loop3A_155 = arith.constant 128 : i32
      %parallel_loop3A_156 = arith.constant 1 : i32
      scf.for %parallel_loop3A_222 = %parallel_loop3A to %parallel_loop3A_155 step %parallel_loop3A_156  : i32 {
        %parallel_loop3A_223 = arith.constant 7 : i32
        %parallel_loop3A_224 = arith.andi %parallel_loop3A_222, %parallel_loop3A_223 : i32
        %parallel_loop3A_225 = arith.constant 16 : i32
        %parallel_loop3A_226 = arith.muli %parallel_loop3A_224, %parallel_loop3A_225 : i32
        %parallel_loop3A_227 = arith.constant 3 : i32
        %parallel_loop3A_228 = arith.shrsi %parallel_loop3A_222, %parallel_loop3A_227 : i32
        %parallel_loop3A_229 = vector.broadcast %parallel_loop3A_228 : i32 to vector<16xi32>
        %parallel_loop3A_230 = arith.addi %iota3A, %parallel_loop3A_229 : vector<16xi32>
        %parallel_loop3A_231 = arith.constant 15 : i32
        %parallel_loop3A_232 = vector.broadcast %parallel_loop3A_231 : i32 to vector<16xi32>
        %parallel_loop3A_233 = arith.andi %parallel_loop3A_230, %parallel_loop3A_232 : vector<16xi32>
        %parallel_loop3A_234 = vector.broadcast %parallel_loop3A_226 : i32 to vector<16xi32>
        %parallel_loop3A_235 = arith.addi %parallel_loop3A_233, %parallel_loop3A_234 : vector<16xi32>
        %parallel_loop3A_236 = arith.constant 0 : i32
        %parallel_loop3A_237 = arith.constant 0 : i32
        %parallel_loop3A_238 = tpu.memref_slice %arg5[%rem3A_99, %parallel_loop3A_236, %parallel_loop3A_237] : memref<12x16x128xf32, #tpu.memory_space<vmem>> -> memref<1x16x128xf32, #tpu.memory_space<vmem>>
        %parallel_loop3A_239 = tpu.memref_squeeze %parallel_loop3A_238 : memref<1x16x128xf32, #tpu.memory_space<vmem>> -> memref<16x128xf32, #tpu.memory_space<vmem>>
        %parallel_loop3A_240 = tpu.vector_load_idx %parallel_loop3A_239[%iota3A, %parallel_loop3A_235] : memref<16x128xf32, #tpu.memory_space<vmem>>[vector<16xi32>, vector<16xi32>], vector<16xf32>,
        %parallel_loop3A_241 = arith.constant 16 : i32
        %parallel_loop3A_242 = vector.broadcast %parallel_loop3A_241 : i32 to vector<16xi32>
        %parallel_loop3A_243 = arith.muli %parallel_loop3A_233, %parallel_loop3A_242 : vector<16xi32>
        %parallel_loop3A_244 = arith.addi %parallel_loop3A_243, %iota3A : vector<16xi32>
        %parallel_loop3A_245 = arith.constant 16 : i32
        %parallel_loop3A_246 = arith.muli %parallel_loop3A_226, %parallel_loop3A_245 : i32
        %parallel_loop3A_247 = vector.broadcast %parallel_loop3A_246 : i32 to vector<16xi32>
        %parallel_loop3A_248 = arith.addi %parallel_loop3A_244, %parallel_loop3A_247 : vector<16xi32>
        tpu.vector_store_idx %arg6[%add3A_154, %parallel_loop3A_248], %parallel_loop3A_240 : memref<12x2048xf32, #tpu.memory_space<vmem>>[vector<16xi32>, vector<16xi32>], vector<16xf32>,
      } {sc.loop_unroll_factor = 16 : i64, sc.parallel_access}
      %jit3A_157 = arith.constant 781 : i32
      %div3A_158 = arith.divsi %while3A_96, %jit3A_157 : i32
      %sign3A_159 = arith.constant 0 : i32
      %sign3A_160 = arith.cmpi sgt, %while3A_96, %sign3A_159 : i32
      %sign3A_161 = arith.extui %sign3A_160 : i1 to i32
      %sign3A_162 = arith.constant 0 : i32
      %sign3A_163 = arith.cmpi slt, %while3A_96, %sign3A_162 : i32
      %sign3A_164 = arith.extui %sign3A_163 : i1 to i32
      %sign3A_165 = arith.subi %sign3A_161, %sign3A_164 : i32
      %sign3A_166 = arith.constant 0 : i32
      %sign3A_167 = arith.cmpi sgt, %jit3A_157, %sign3A_166 : i32
      %sign3A_168 = arith.extui %sign3A_167 : i1 to i32
      %sign3A_169 = arith.constant 0 : i32
      %sign3A_170 = arith.cmpi slt, %jit3A_157, %sign3A_169 : i32
      %sign3A_171 = arith.extui %sign3A_170 : i1 to i32
      %sign3A_172 = arith.subi %sign3A_168, %sign3A_171 : i32
      %ne3A_173 = arith.cmpi ne, %sign3A_165, %sign3A_172 : i32
      %rem3A_174 = arith.remsi %while3A_96, %jit3A_157 : i32
      %ne3A_175 = arith.constant 0 : i32
      %ne3A_176 = arith.cmpi ne, %rem3A_174, %ne3A_175 : i32
      %and3A_177 = arith.andi %ne3A_173, %ne3A_176 : i1
      %sub3A_178 = arith.constant 1 : i32
      %sub3A_179 = arith.subi %div3A_158, %sub3A_178 : i32
      %select_n3A_180 = arith.select %and3A_177, %sub3A_179, %div3A_158 : i32
      %jit3A_181 = arith.constant 781 : i32
      %eq3A_182 = arith.constant 0 : i32
      %eq3A_183 = arith.cmpi eq, %jit3A_181, %eq3A_182 : i32
      %jit3A_184 = arith.constant 1 : i32
      %select_n3A_185 = arith.select %eq3A_183, %jit3A_184, %jit3A_181 : i32
      %rem3A_186 = arith.remsi %while3A_96, %select_n3A_185 : i32
      %ne3A_187 = arith.constant 0 : i32
      %ne3A_188 = arith.cmpi ne, %rem3A_186, %ne3A_187 : i32
      %lt3A_189 = arith.constant 0 : i32
      %lt3A_190 = arith.cmpi slt, %rem3A_186, %lt3A_189 : i32
      %lt3A_191 = arith.constant 0 : i32
      %lt3A_192 = arith.cmpi slt, %select_n3A_185, %lt3A_191 : i32
      %ne3A_193 = arith.xori %lt3A_190, %lt3A_192 : i1
      %and3A_194 = arith.andi %ne3A_193, %ne3A_188 : i1
      %add3A_195 = arith.addi %rem3A_186, %select_n3A_185 : i32
      %select_n3A_196 = arith.select %and3A_194, %add3A_195, %rem3A_186 : i32
      %mul3A_197 = arith.constant 12504 : i32
      %mul3A_198 = arith.muli %select_n3A_180, %mul3A_197 : i32
      %mul3A_199 = arith.constant 16 : i32
      %mul3A_200 = arith.muli %select_n3A_196, %mul3A_199 : i32
      %add3A_201 = arith.addi %mul3A_198, %mul3A_200 : i32
      %mul3A_202 = arith.constant 128 : i32
      %mul3A_203 = arith.muli %add3A_201, %mul3A_202 : i32
      %dma_start3A = arith.constant 0 : i32
      %dma_start3A_204 = tpu.memref_slice %arg6[%rem3A_99, %dma_start3A] : memref<12x2048xf32, #tpu.memory_space<vmem>> -> memref<1x2048xf32, #tpu.memory_space<vmem>>
      %dma_start3A_205 = tpu.memref_squeeze %dma_start3A_204 : memref<1x2048xf32, #tpu.memory_space<vmem>> -> memref<2048xf32, #tpu.memory_space<vmem>>
      %dma_start3A_206 = tpu.memref_slice %arg4[%mul3A_203] : memref<41613312xf32, #tpu.memory_space<hbm>> -> memref<2048xf32, #tpu.memory_space<hbm>>
      %dma_start3A_207 = tpu.memref_slice %arg8[%rem3A_99] : memref<12x!tpu.dma_semaphore, #tpu.memory_space<semaphore_mem>> -> memref<1x!tpu.dma_semaphore, #tpu.memory_space<semaphore_mem>>
      %dma_start3A_208 = tpu.memref_squeeze %dma_start3A_207 : memref<1x!tpu.dma_semaphore, #tpu.memory_space<semaphore_mem>> -> memref<!tpu.dma_semaphore, #tpu.memory_space<semaphore_mem>>
      %dma_start3A_209 = tpu.memref_slice %arg4[%mul3A_203] : memref<41613312xf32, #tpu.memory_space<hbm>> -> memref<2048xf32, #tpu.memory_space<hbm>>
      %dma_start3A_210 = arith.constant 0 : i32
      %dma_start3A_211 = tpu.memref_slice %arg6[%rem3A_99, %dma_start3A_210] : memref<12x2048xf32, #tpu.memory_space<vmem>> -> memref<1x2048xf32, #tpu.memory_space<vmem>>
      %dma_start3A_212 = tpu.memref_squeeze %dma_start3A_211 : memref<1x2048xf32, #tpu.memory_space<vmem>> -> memref<2048xf32, #tpu.memory_space<vmem>>
      tpu.enqueue_dma source(%dma_start3A_212 : memref<2048xf32, #tpu.memory_space<vmem>>) target(%dma_start3A_209 : memref<2048xf32, #tpu.memory_space<hbm>>) target_semaphore(%dma_start3A_208 : memref<!tpu.dma_semaphore, #tpu.memory_space<semaphore_mem>>)
      %add3A_213 = arith.constant 12 : i32
      %add3A_214 = arith.addi %while3A_96, %add3A_213 : i32
      %sub3A_215 = arith.constant 1 : i32
      %sub3A_216 = arith.subi %add3A_214, %sub3A_215 : i32
      %lt3A_217 = arith.cmpi slt, %sub3A_216, %min3A_5 : i32
      %convert_element_type3A_218 = arith.extui %lt3A_217 : i1 to i32
      %cond3A_219 = arith.constant 0 : i32
      %cond3A_220 = arith.cmpi ne, %convert_element_type3A_218, %cond3A_219 : i32
      scf.if %cond3A_220 {
        %add3A_222 = arith.constant 12 : i32
        %add3A_223 = arith.addi %while3A_96, %add3A_222 : i32
        %sub3A_224 = arith.constant 1 : i32
        %sub3A_225 = arith.subi %add3A_223, %sub3A_224 : i32
        %add3A_226 = arith.constant 12 : i32
        %add3A_227 = arith.addi %sub3A_98, %add3A_226 : i32
        %sub3A_228 = arith.constant 1 : i32
        %sub3A_229 = arith.subi %add3A_227, %sub3A_228 : i32
        %rem3A_230 = arith.constant 12 : i32
        %rem3A_231 = arith.remsi %sub3A_229, %rem3A_230 : i32
        %jit3A_232 = arith.constant 781 : i32
        %div3A_233 = arith.divsi %sub3A_225, %jit3A_232 : i32
        %sign3A_234 = arith.constant 0 : i32
        %sign3A_235 = arith.cmpi sgt, %sub3A_225, %sign3A_234 : i32
        %sign3A_236 = arith.extui %sign3A_235 : i1 to i32
        %sign3A_237 = arith.constant 0 : i32
        %sign3A_238 = arith.cmpi slt, %sub3A_225, %sign3A_237 : i32
        %sign3A_239 = arith.extui %sign3A_238 : i1 to i32
        %sign3A_240 = arith.subi %sign3A_236, %sign3A_239 : i32
        %sign3A_241 = arith.constant 0 : i32
        %sign3A_242 = arith.cmpi sgt, %jit3A_232, %sign3A_241 : i32
        %sign3A_243 = arith.extui %sign3A_242 : i1 to i32
        %sign3A_244 = arith.constant 0 : i32
        %sign3A_245 = arith.cmpi slt, %jit3A_232, %sign3A_244 : i32
        %sign3A_246 = arith.extui %sign3A_245 : i1 to i32
        %sign3A_247 = arith.subi %sign3A_243, %sign3A_246 : i32
        %ne3A_248 = arith.cmpi ne, %sign3A_240, %sign3A_247 : i32
        %rem3A_249 = arith.remsi %sub3A_225, %jit3A_232 : i32
        %ne3A_250 = arith.constant 0 : i32
        %ne3A_251 = arith.cmpi ne, %rem3A_249, %ne3A_250 : i32
        %and3A_252 = arith.andi %ne3A_248, %ne3A_251 : i1
        %sub3A_253 = arith.constant 1 : i32
        %sub3A_254 = arith.subi %div3A_233, %sub3A_253 : i32
        %select_n3A_255 = arith.select %and3A_252, %sub3A_254, %div3A_233 : i32
        %jit3A_256 = arith.constant 781 : i32
        %eq3A_257 = arith.constant 0 : i32
        %eq3A_258 = arith.cmpi eq, %jit3A_256, %eq3A_257 : i32
        %jit3A_259 = arith.constant 1 : i32
        %select_n3A_260 = arith.select %eq3A_258, %jit3A_259, %jit3A_256 : i32
        %rem3A_261 = arith.remsi %sub3A_225, %select_n3A_260 : i32
        %ne3A_262 = arith.constant 0 : i32
        %ne3A_263 = arith.cmpi ne, %rem3A_261, %ne3A_262 : i32
        %lt3A_264 = arith.constant 0 : i32
        %lt3A_265 = arith.cmpi slt, %rem3A_261, %lt3A_264 : i32
        %lt3A_266 = arith.constant 0 : i32
        %lt3A_267 = arith.cmpi slt, %select_n3A_260, %lt3A_266 : i32
        %ne3A_268 = arith.xori %lt3A_265, %lt3A_267 : i1
        %and3A_269 = arith.andi %ne3A_268, %ne3A_263 : i1
        %add3A_270 = arith.addi %rem3A_261, %select_n3A_260 : i32
        %select_n3A_271 = arith.select %and3A_269, %add3A_270, %rem3A_261 : i32
        %mul3A_272 = arith.constant 16 : i32
        %mul3A_273 = arith.muli %select_n3A_255, %mul3A_272 : i32
        %mul3A_274 = arith.constant 128 : i32
        %mul3A_275 = arith.muli %select_n3A_271, %mul3A_274 : i32
        %dma_start3A_276 = arith.constant 0 : i32
        %dma_start3A_277 = arith.constant 0 : i32
        %dma_start3A_278 = tpu.memref_slice %arg5[%rem3A_231, %dma_start3A_276, %dma_start3A_277] : memref<12x16x128xf32, #tpu.memory_space<vmem>> -> memref<1x16x128xf32, #tpu.memory_space<vmem>>
        %dma_start3A_279 = tpu.memref_squeeze %dma_start3A_278 : memref<1x16x128xf32, #tpu.memory_space<vmem>> -> memref<16x128xf32, #tpu.memory_space<vmem>>
        %dma_start3A_280 = tpu.memref_slice %arg2[%mul3A_273, %mul3A_275] : memref<416x100000xf32, #tpu.memory_space<hbm>> -> memref<16x128xf32, #tpu.memory_space<hbm>>
        %dma_start3A_281 = tpu.memref_slice %arg7[%rem3A_231] : memref<12x!tpu.dma_semaphore, #tpu.memory_space<semaphore_mem>> -> memref<1x!tpu.dma_semaphore, #tpu.memory_space<semaphore_mem>>
        %dma_start3A_282 = tpu.memref_squeeze %dma_start3A_281 : memref<1x!tpu.dma_semaphore, #tpu.memory_space<semaphore_mem>> -> memref<!tpu.dma_semaphore, #tpu.memory_space<semaphore_mem>>
        %dma_start3A_283 = arith.constant 0 : i32
        %dma_start3A_284 = arith.constant 0 : i32
        %dma_start3A_285 = tpu.memref_slice %arg5[%rem3A_231, %dma_start3A_283, %dma_start3A_284] : memref<12x16x128xf32, #tpu.memory_space<vmem>> -> memref<1x16x128xf32, #tpu.memory_space<vmem>>
        %dma_start3A_286 = tpu.memref_squeeze %dma_start3A_285 : memref<1x16x128xf32, #tpu.memory_space<vmem>> -> memref<16x128xf32, #tpu.memory_space<vmem>>
        %dma_start3A_287 = tpu.memref_slice %arg2[%mul3A_273, %mul3A_275] : memref<416x100000xf32, #tpu.memory_space<hbm>> -> memref<16x128xf32, #tpu.memory_space<hbm>>
        tpu.enqueue_dma source(%dma_start3A_287 : memref<16x128xf32, #tpu.memory_space<hbm>>) target(%dma_start3A_286 : memref<16x128xf32, #tpu.memory_space<vmem>>) target_semaphore(%dma_start3A_282 : memref<!tpu.dma_semaphore, #tpu.memory_space<semaphore_mem>>)
      } else {
      }
      %while3A_221 = arith.constant 0 : i32
      scf.yield %while3A_221 : i32
    }
    %sub3A = arith.constant 12 : i32
    %sub3A_79 = arith.subi %min3A_5, %sub3A : i32
    %max3A = arith.maxsi %mul3A_2, %sub3A_79 : i32
    %while3A_80 = arith.constant 0 : i32
    %while3A_81 = arith.subi %min3A_5, %max3A : i32
    %while3A_82 = arith.addi %max3A, %while3A_81 : i32
    %while3A_83 = arith.constant 1 : i32
    %while3A_84 = arith.divsi %while3A_81, %while3A_83 : i32
    %while3A_85 = arith.muli %while3A_84, %while3A_83 : i32
    %while3A_86 = arith.addi %max3A, %while3A_85 : i32
    %while3A_87 = arith.constant 1 : i32
    %while3A_88 = scf.for %while3A_96 = %max3A to %while3A_86 step %while3A_87 iter_args(%while3A_97 = %while3A_80) -> (i32)  : i32 {
      %sub3A_98 = arith.subi %while3A_96, %mul3A_2 : i32
      %rem3A = arith.constant 12 : i32
      %rem3A_99 = arith.remsi %sub3A_98, %rem3A : i32
      %jit3A = arith.constant 781 : i32
      %div3A = arith.divsi %while3A_96, %jit3A : i32
      %sign3A = arith.constant 0 : i32
      %sign3A_100 = arith.cmpi sgt, %while3A_96, %sign3A : i32
      %sign3A_101 = arith.extui %sign3A_100 : i1 to i32
      %sign3A_102 = arith.constant 0 : i32
      %sign3A_103 = arith.cmpi slt, %while3A_96, %sign3A_102 : i32
      %sign3A_104 = arith.extui %sign3A_103 : i1 to i32
      %sign3A_105 = arith.subi %sign3A_101, %sign3A_104 : i32
      %sign3A_106 = arith.constant 0 : i32
      %sign3A_107 = arith.cmpi sgt, %jit3A, %sign3A_106 : i32
      %sign3A_108 = arith.extui %sign3A_107 : i1 to i32
      %sign3A_109 = arith.constant 0 : i32
      %sign3A_110 = arith.cmpi slt, %jit3A, %sign3A_109 : i32
      %sign3A_111 = arith.extui %sign3A_110 : i1 to i32
      %sign3A_112 = arith.subi %sign3A_108, %sign3A_111 : i32
      %ne3A = arith.cmpi ne, %sign3A_105, %sign3A_112 : i32
      %rem3A_113 = arith.remsi %while3A_96, %jit3A : i32
      %ne3A_114 = arith.constant 0 : i32
      %ne3A_115 = arith.cmpi ne, %rem3A_113, %ne3A_114 : i32
      %and3A = arith.andi %ne3A, %ne3A_115 : i1
      %sub3A_116 = arith.constant 1 : i32
      %sub3A_117 = arith.subi %div3A, %sub3A_116 : i32
      %select_n3A = arith.select %and3A, %sub3A_117, %div3A : i32
      %jit3A_118 = arith.constant 781 : i32
      %eq3A = arith.constant 0 : i32
      %eq3A_119 = arith.cmpi eq, %jit3A_118, %eq3A : i32
      %jit3A_120 = arith.constant 1 : i32
      %select_n3A_121 = arith.select %eq3A_119, %jit3A_120, %jit3A_118 : i32
      %rem3A_122 = arith.remsi %while3A_96, %select_n3A_121 : i32
      %ne3A_123 = arith.constant 0 : i32
      %ne3A_124 = arith.cmpi ne, %rem3A_122, %ne3A_123 : i32
      %lt3A_125 = arith.constant 0 : i32
      %lt3A_126 = arith.cmpi slt, %rem3A_122, %lt3A_125 : i32
      %lt3A_127 = arith.constant 0 : i32
      %lt3A_128 = arith.cmpi slt, %select_n3A_121, %lt3A_127 : i32
      %ne3A_129 = arith.xori %lt3A_126, %lt3A_128 : i1
      %and3A_130 = arith.andi %ne3A_129, %ne3A_124 : i1
      %add3A_131 = arith.addi %rem3A_122, %select_n3A_121 : i32
      %select_n3A_132 = arith.select %and3A_130, %add3A_131, %rem3A_122 : i32
      %mul3A_133 = arith.constant 12504 : i32
      %mul3A_134 = arith.muli %select_n3A, %mul3A_133 : i32
      %mul3A_135 = arith.constant 16 : i32
      %mul3A_136 = arith.muli %select_n3A_132, %mul3A_135 : i32
      %add3A_137 = arith.addi %mul3A_134, %mul3A_136 : i32
      %mul3A_138 = arith.constant 128 : i32
      %mul3A_139 = arith.muli %add3A_137, %mul3A_138 : i32
      %dma_wait3A = arith.constant 0 : i32
      %dma_wait3A_140 = tpu.memref_slice %arg6[%rem3A_99, %dma_wait3A] : memref<12x2048xf32, #tpu.memory_space<vmem>> -> memref<1x2048xf32, #tpu.memory_space<vmem>>
      %dma_wait3A_141 = tpu.memref_squeeze %dma_wait3A_140 : memref<1x2048xf32, #tpu.memory_space<vmem>> -> memref<2048xf32, #tpu.memory_space<vmem>>
      %dma_wait3A_142 = tpu.memref_slice %arg4[%mul3A_139] : memref<41613312xf32, #tpu.memory_space<hbm>> -> memref<2048xf32, #tpu.memory_space<hbm>>
      %dma_wait3A_143 = tpu.memref_slice %arg8[%rem3A_99] : memref<12x!tpu.dma_semaphore, #tpu.memory_space<semaphore_mem>> -> memref<1x!tpu.dma_semaphore, #tpu.memory_space<semaphore_mem>>
      %dma_wait3A_144 = tpu.memref_squeeze %dma_wait3A_143 : memref<1x!tpu.dma_semaphore, #tpu.memory_space<semaphore_mem>> -> memref<!tpu.dma_semaphore, #tpu.memory_space<semaphore_mem>>
      %dma_wait3A_145 = tpu.memref_slice %arg4[%mul3A_139] : memref<41613312xf32, #tpu.memory_space<hbm>> -> memref<2048xf32, #tpu.memory_space<hbm>>
      %dma_wait3A_146 = arith.constant 0 : i32
      %dma_wait3A_147 = tpu.memref_slice %arg6[%rem3A_99, %dma_wait3A_146] : memref<12x2048xf32, #tpu.memory_space<vmem>> -> memref<1x2048xf32, #tpu.memory_space<vmem>>
      %dma_wait3A_148 = tpu.memref_squeeze %dma_wait3A_147 : memref<1x2048xf32, #tpu.memory_space<vmem>> -> memref<2048xf32, #tpu.memory_space<vmem>>
      tpu.wait_dma2 semaphore(%dma_wait3A_144 : memref<!tpu.dma_semaphore, #tpu.memory_space<semaphore_mem>>) src(%dma_wait3A_148 : memref<2048xf32, #tpu.memory_space<vmem>>) dst(%dma_wait3A_145 : memref<2048xf32, #tpu.memory_space<hbm>>)
      %while3A_149 = arith.constant 0 : i32
      scf.yield %while3A_149 : i32
    }
    %while3A_89 = arith.constant 1 : i32
    %while3A_90 = scf.for %while3A_96 = %while3A_86 to %while3A_82 step %while3A_89 iter_args(%while3A_97 = %while3A_88) -> (i32)  : i32 {
      %sub3A_98 = arith.subi %while3A_96, %mul3A_2 : i32
      %rem3A = arith.constant 12 : i32
      %rem3A_99 = arith.remsi %sub3A_98, %rem3A : i32
      %jit3A = arith.constant 781 : i32
      %div3A = arith.divsi %while3A_96, %jit3A : i32
      %sign3A = arith.constant 0 : i32
      %sign3A_100 = arith.cmpi sgt, %while3A_96, %sign3A : i32
      %sign3A_101 = arith.extui %sign3A_100 : i1 to i32
      %sign3A_102 = arith.constant 0 : i32
      %sign3A_103 = arith.cmpi slt, %while3A_96, %sign3A_102 : i32
      %sign3A_104 = arith.extui %sign3A_103 : i1 to i32
      %sign3A_105 = arith.subi %sign3A_101, %sign3A_104 : i32
      %sign3A_106 = arith.constant 0 : i32
      %sign3A_107 = arith.cmpi sgt, %jit3A, %sign3A_106 : i32
      %sign3A_108 = arith.extui %sign3A_107 : i1 to i32
      %sign3A_109 = arith.constant 0 : i32
      %sign3A_110 = arith.cmpi slt, %jit3A, %sign3A_109 : i32
      %sign3A_111 = arith.extui %sign3A_110 : i1 to i32
      %sign3A_112 = arith.subi %sign3A_108, %sign3A_111 : i32
      %ne3A = arith.cmpi ne, %sign3A_105, %sign3A_112 : i32
      %rem3A_113 = arith.remsi %while3A_96, %jit3A : i32
      %ne3A_114 = arith.constant 0 : i32
      %ne3A_115 = arith.cmpi ne, %rem3A_113, %ne3A_114 : i32
      %and3A = arith.andi %ne3A, %ne3A_115 : i1
      %sub3A_116 = arith.constant 1 : i32
      %sub3A_117 = arith.subi %div3A, %sub3A_116 : i32
      %select_n3A = arith.select %and3A, %sub3A_117, %div3A : i32
      %jit3A_118 = arith.constant 781 : i32
      %eq3A = arith.constant 0 : i32
      %eq3A_119 = arith.cmpi eq, %jit3A_118, %eq3A : i32
      %jit3A_120 = arith.constant 1 : i32
      %select_n3A_121 = arith.select %eq3A_119, %jit3A_120, %jit3A_118 : i32
      %rem3A_122 = arith.remsi %while3A_96, %select_n3A_121 : i32
      %ne3A_123 = arith.constant 0 : i32
      %ne3A_124 = arith.cmpi ne, %rem3A_122, %ne3A_123 : i32
      %lt3A_125 = arith.constant 0 : i32
      %lt3A_126 = arith.cmpi slt, %rem3A_122, %lt3A_125 : i32
      %lt3A_127 = arith.constant 0 : i32
      %lt3A_128 = arith.cmpi slt, %select_n3A_121, %lt3A_127 : i32
      %ne3A_129 = arith.xori %lt3A_126, %lt3A_128 : i1
      %and3A_130 = arith.andi %ne3A_129, %ne3A_124 : i1
      %add3A_131 = arith.addi %rem3A_122, %select_n3A_121 : i32
      %select_n3A_132 = arith.select %and3A_130, %add3A_131, %rem3A_122 : i32
      %mul3A_133 = arith.constant 12504 : i32
      %mul3A_134 = arith.muli %select_n3A, %mul3A_133 : i32
      %mul3A_135 = arith.constant 16 : i32
      %mul3A_136 = arith.muli %select_n3A_132, %mul3A_135 : i32
      %add3A_137 = arith.addi %mul3A_134, %mul3A_136 : i32
      %mul3A_138 = arith.constant 128 : i32
      %mul3A_139 = arith.muli %add3A_137, %mul3A_138 : i32
      %dma_wait3A = arith.constant 0 : i32
      %dma_wait3A_140 = tpu.memref_slice %arg6[%rem3A_99, %dma_wait3A] : memref<12x2048xf32, #tpu.memory_space<vmem>> -> memref<1x2048xf32, #tpu.memory_space<vmem>>
      %dma_wait3A_141 = tpu.memref_squeeze %dma_wait3A_140 : memref<1x2048xf32, #tpu.memory_space<vmem>> -> memref<2048xf32, #tpu.memory_space<vmem>>
      %dma_wait3A_142 = tpu.memref_slice %arg4[%mul3A_139] : memref<41613312xf32, #tpu.memory_space<hbm>> -> memref<2048xf32, #tpu.memory_space<hbm>>
      %dma_wait3A_143 = tpu.memref_slice %arg8[%rem3A_99] : memref<12x!tpu.dma_semaphore, #tpu.memory_space<semaphore_mem>> -> memref<1x!tpu.dma_semaphore, #tpu.memory_space<semaphore_mem>>
      %dma_wait3A_144 = tpu.memref_squeeze %dma_wait3A_143 : memref<1x!tpu.dma_semaphore, #tpu.memory_space<semaphore_mem>> -> memref<!tpu.dma_semaphore, #tpu.memory_space<semaphore_mem>>
      %dma_wait3A_145 = tpu.memref_slice %arg4[%mul3A_139] : memref<41613312xf32, #tpu.memory_space<hbm>> -> memref<2048xf32, #tpu.memory_space<hbm>>
      %dma_wait3A_146 = arith.constant 0 : i32
      %dma_wait3A_147 = tpu.memref_slice %arg6[%rem3A_99, %dma_wait3A_146] : memref<12x2048xf32, #tpu.memory_space<vmem>> -> memref<1x2048xf32, #tpu.memory_space<vmem>>
      %dma_wait3A_148 = tpu.memref_squeeze %dma_wait3A_147 : memref<1x2048xf32, #tpu.memory_space<vmem>> -> memref<2048xf32, #tpu.memory_space<vmem>>
      tpu.wait_dma2 semaphore(%dma_wait3A_144 : memref<!tpu.dma_semaphore, #tpu.memory_space<semaphore_mem>>) src(%dma_wait3A_148 : memref<2048xf32, #tpu.memory_space<vmem>>) dst(%dma_wait3A_145 : memref<2048xf32, #tpu.memory_space<hbm>>)
      %while3A_149 = arith.constant 0 : i32
      scf.yield %while3A_149 : i32
    }
    %lt3A_91 = arith.constant 26 : i32
    %lt3A_92 = arith.cmpi slt, %add3A, %lt3A_91 : i32
    %convert_element_type3A_93 = arith.extui %lt3A_92 : i1 to i32
    %cond3A_94 = arith.constant 0 : i32
    %cond3A_95 = arith.cmpi ne, %convert_element_type3A_93, %cond3A_94 : i32
    scf.if %cond3A_95 {
      %mul3A_96 = arith.constant 1024 : i32
      %mul3A_97 = arith.muli %add3A, %mul3A_96 : i32
      %run_scoped3A = arith.constant 0 : i32
      "tpu.region"() ({
        %run_scoped3A_105 = tpu.sem_alloc : memref<!tpu.dma_semaphore, #tpu.memory_space<semaphore_mem>>
        %dma_start3A = arith.constant 0 : i32
        %dma_start3A_106 = tpu.memref_slice %arg6[%run_scoped3A, %dma_start3A] : memref<12x2048xf32, #tpu.memory_space<vmem>> -> memref<1x1024xf32, #tpu.memory_space<vmem>>
        %dma_start3A_107 = tpu.memref_squeeze %dma_start3A_106 : memref<1x1024xf32, #tpu.memory_space<vmem>> -> memref<1024xf32, #tpu.memory_space<vmem>>
        %dma_start3A_108 = tpu.memref_slice %arg3[%mul3A_97] : memref<26624xf32, #tpu.memory_space<hbm>> -> memref<1024xf32, #tpu.memory_space<hbm>>
        %dma_start3A_109 = arith.constant 0 : i32
        %dma_start3A_110 = tpu.memref_slice %arg6[%run_scoped3A, %dma_start3A_109] : memref<12x2048xf32, #tpu.memory_space<vmem>> -> memref<1x1024xf32, #tpu.memory_space<vmem>>
        %dma_start3A_111 = tpu.memref_squeeze %dma_start3A_110 : memref<1x1024xf32, #tpu.memory_space<vmem>> -> memref<1024xf32, #tpu.memory_space<vmem>>
        %dma_start3A_112 = tpu.memref_slice %arg3[%mul3A_97] : memref<26624xf32, #tpu.memory_space<hbm>> -> memref<1024xf32, #tpu.memory_space<hbm>>
        tpu.enqueue_dma source(%dma_start3A_112 : memref<1024xf32, #tpu.memory_space<hbm>>) target(%dma_start3A_111 : memref<1024xf32, #tpu.memory_space<vmem>>) target_semaphore(%run_scoped3A_105 : memref<!tpu.dma_semaphore, #tpu.memory_space<semaphore_mem>>)
        %dma_wait3A = arith.constant 0 : i32
        %dma_wait3A_113 = tpu.memref_slice %arg6[%run_scoped3A, %dma_wait3A] : memref<12x2048xf32, #tpu.memory_space<vmem>> -> memref<1x1024xf32, #tpu.memory_space<vmem>>
        %dma_wait3A_114 = tpu.memref_squeeze %dma_wait3A_113 : memref<1x1024xf32, #tpu.memory_space<vmem>> -> memref<1024xf32, #tpu.memory_space<vmem>>
        %dma_wait3A_115 = tpu.memref_slice %arg3[%mul3A_97] : memref<26624xf32, #tpu.memory_space<hbm>> -> memref<1024xf32, #tpu.memory_space<hbm>>
        %dma_wait3A_116 = arith.constant 0 : i32
        %dma_wait3A_117 = tpu.memref_slice %arg6[%run_scoped3A, %dma_wait3A_116] : memref<12x2048xf32, #tpu.memory_space<vmem>> -> memref<1x1024xf32, #tpu.memory_space<vmem>>
        %dma_wait3A_118 = tpu.memref_squeeze %dma_wait3A_117 : memref<1x1024xf32, #tpu.memory_space<vmem>> -> memref<1024xf32, #tpu.memory_space<vmem>>
        %dma_wait3A_119 = tpu.memref_slice %arg3[%mul3A_97] : memref<26624xf32, #tpu.memory_space<hbm>> -> memref<1024xf32, #tpu.memory_space<hbm>>
        tpu.wait_dma2 semaphore(%run_scoped3A_105 : memref<!tpu.dma_semaphore, #tpu.memory_space<semaphore_mem>>) src(%dma_wait3A_119 : memref<1024xf32, #tpu.memory_space<hbm>>) dst(%dma_wait3A_118 : memref<1024xf32, #tpu.memory_space<vmem>>)
        tpu.yield
      }) : () -> ()
      %mul3A_98 = arith.constant 12504 : i32
      %mul3A_99 = arith.muli %add3A, %mul3A_98 : i32
      %add3A_100 = arith.constant 12496 : i32
      %add3A_101 = arith.addi %mul3A_99, %add3A_100 : i32
      %mul3A_102 = arith.constant 128 : i32
      %mul3A_103 = arith.muli %add3A_101, %mul3A_102 : i32
      %run_scoped3A_104 = arith.constant 0 : i32
      "tpu.region"() ({
        %run_scoped3A_105 = tpu.sem_alloc : memref<!tpu.dma_semaphore, #tpu.memory_space<semaphore_mem>>
        %dma_start3A = arith.constant 0 : i32
        %dma_start3A_106 = tpu.memref_slice %arg6[%run_scoped3A_104, %dma_start3A] : memref<12x2048xf32, #tpu.memory_space<vmem>> -> memref<1x1024xf32, #tpu.memory_space<vmem>>
        %dma_start3A_107 = tpu.memref_squeeze %dma_start3A_106 : memref<1x1024xf32, #tpu.memory_space<vmem>> -> memref<1024xf32, #tpu.memory_space<vmem>>
        %dma_start3A_108 = tpu.memref_slice %arg4[%mul3A_103] : memref<41613312xf32, #tpu.memory_space<hbm>> -> memref<1024xf32, #tpu.memory_space<hbm>>
        %dma_start3A_109 = tpu.memref_slice %arg4[%mul3A_103] : memref<41613312xf32, #tpu.memory_space<hbm>> -> memref<1024xf32, #tpu.memory_space<hbm>>
        %dma_start3A_110 = arith.constant 0 : i32
        %dma_start3A_111 = tpu.memref_slice %arg6[%run_scoped3A_104, %dma_start3A_110] : memref<12x2048xf32, #tpu.memory_space<vmem>> -> memref<1x1024xf32, #tpu.memory_space<vmem>>
        %dma_start3A_112 = tpu.memref_squeeze %dma_start3A_111 : memref<1x1024xf32, #tpu.memory_space<vmem>> -> memref<1024xf32, #tpu.memory_space<vmem>>
        tpu.enqueue_dma source(%dma_start3A_112 : memref<1024xf32, #tpu.memory_space<vmem>>) target(%dma_start3A_109 : memref<1024xf32, #tpu.memory_space<hbm>>) target_semaphore(%run_scoped3A_105 : memref<!tpu.dma_semaphore, #tpu.memory_space<semaphore_mem>>)
        %dma_wait3A = arith.constant 0 : i32
        %dma_wait3A_113 = tpu.memref_slice %arg6[%run_scoped3A_104, %dma_wait3A] : memref<12x2048xf32, #tpu.memory_space<vmem>> -> memref<1x1024xf32, #tpu.memory_space<vmem>>
        %dma_wait3A_114 = tpu.memref_squeeze %dma_wait3A_113 : memref<1x1024xf32, #tpu.memory_space<vmem>> -> memref<1024xf32, #tpu.memory_space<vmem>>
        %dma_wait3A_115 = tpu.memref_slice %arg4[%mul3A_103] : memref<41613312xf32, #tpu.memory_space<hbm>> -> memref<1024xf32, #tpu.memory_space<hbm>>
        %dma_wait3A_116 = tpu.memref_slice %arg4[%mul3A_103] : memref<41613312xf32, #tpu.memory_space<hbm>> -> memref<1024xf32, #tpu.memory_space<hbm>>
        %dma_wait3A_117 = arith.constant 0 : i32
        %dma_wait3A_118 = tpu.memref_slice %arg6[%run_scoped3A_104, %dma_wait3A_117] : memref<12x2048xf32, #tpu.memory_space<vmem>> -> memref<1x1024xf32, #tpu.memory_space<vmem>>
        %dma_wait3A_119 = tpu.memref_squeeze %dma_wait3A_118 : memref<1x1024xf32, #tpu.memory_space<vmem>> -> memref<1024xf32, #tpu.memory_space<vmem>>
        tpu.wait_dma2 semaphore(%run_scoped3A_105 : memref<!tpu.dma_semaphore, #tpu.memory_space<semaphore_mem>>) src(%dma_wait3A_119 : memref<1024xf32, #tpu.memory_space<vmem>>) dst(%dma_wait3A_116 : memref<1024xf32, #tpu.memory_space<hbm>>)
        tpu.yield
      }) : () -> ()
    } else {
    }
    return
  }
}

#map = affine_map<(d0, d1) -> (0)>
#map1 = affine_map<(d0, d1) -> (0, 0)>
module attributes {stable_mosaic.version = 14 : i64} {
  func.func @_gather_kernel(%arg0: i32, %arg1: i32, %arg2: memref<425984xi32, #tpu.memory_space<hbm>>, %arg3: memref<2600832x16xf32, #tpu.memory_space<hbm>>, %arg4: memref<425984x16xf32, #tpu.memory_space<hbm>>, %arg5: memref<13312xi32, #tpu.memory_space<vmem>>, %arg6: memref<104x128xi32, #tpu.memory_space<vmem>>, %arg7: memref<2x128x16xf32, #tpu.memory_space<vmem>>, %arg8: memref<2x!tpu.dma_semaphore, #tpu.memory_space<semaphore_mem>>, %arg9: memref<2x!tpu.dma_semaphore, #tpu.memory_space<semaphore_mem>>) attributes {dimension_semantics = [#tpu.dimension_semantics<core_parallel>, #tpu.dimension_semantics<subcore_parallel>], iteration_bounds = array<i64: 2, 16>, scalar_prefetch = 0 : i64, scratch_operands = 5 : i64, tpu.core_type = #tpu.core_type<sc_vector_subcore>, window_params = [{transform_indices = #map}, {transform_indices = #map1}, {transform_indices = #map1}]} {
    %mul3A = arith.constant 2 : i32
    %mul3A_0 = arith.muli %arg1, %mul3A : i32
    %add3A = arith.addi %mul3A_0, %arg0 : i32
    %mul3A_1 = arith.constant 13312 : i32
    %mul3A_2 = arith.muli %add3A, %mul3A_1 : i32
    "tpu.region"() ({
      %run_scoped3A = tpu.sem_alloc : memref<!tpu.dma_semaphore, #tpu.memory_space<semaphore_mem>>
      %dma_start3A_66 = tpu.memref_slice %arg2[%mul3A_2] : memref<425984xi32, #tpu.memory_space<hbm>> -> memref<13312xi32, #tpu.memory_space<hbm>>
      %dma_start3A_67 = tpu.memref_slice %arg2[%mul3A_2] : memref<425984xi32, #tpu.memory_space<hbm>> -> memref<13312xi32, #tpu.memory_space<hbm>>
      tpu.enqueue_dma source(%dma_start3A_67 : memref<13312xi32, #tpu.memory_space<hbm>>) target(%arg5 : memref<13312xi32, #tpu.memory_space<vmem>>) target_semaphore(%run_scoped3A : memref<!tpu.dma_semaphore, #tpu.memory_space<semaphore_mem>>)
      %dma_wait3A_68 = tpu.memref_slice %arg2[%mul3A_2] : memref<425984xi32, #tpu.memory_space<hbm>> -> memref<13312xi32, #tpu.memory_space<hbm>>
      %dma_wait3A_69 = tpu.memref_slice %arg2[%mul3A_2] : memref<425984xi32, #tpu.memory_space<hbm>> -> memref<13312xi32, #tpu.memory_space<hbm>>
      tpu.wait_dma2 semaphore(%run_scoped3A : memref<!tpu.dma_semaphore, #tpu.memory_space<semaphore_mem>>) src(%dma_wait3A_69 : memref<13312xi32, #tpu.memory_space<hbm>>) dst(%arg5 : memref<13312xi32, #tpu.memory_space<vmem>>)
      tpu.yield
    }) : () -> ()
    %scan3A = arith.constant 0 : i32
    %scan3A_3 = arith.constant 0 : i32
    %scan3A_4 = arith.constant 832 : i32
    %scan3A_5 = arith.addi %scan3A_3, %scan3A_4 : i32
    %scan3A_6 = arith.constant 1 : i32
    %scan3A_7 = scf.for %scan3A_66 = %scan3A_3 to %scan3A_5 step %scan3A_6 iter_args(%scan3A_67 = %scan3A) -> (i32)  : i32 {
      %mul3A_68 = arith.constant 16 : i32
      %mul3A_69 = arith.muli %scan3A_66, %mul3A_68 : i32
      %iota3A = tpu.iota {dimensions = array<i32: 0>} : vector<16xi32>
      %add3A_70 = vector.broadcast %mul3A_69 : i32 to vector<16xi32>
      %add3A_71 = arith.addi %iota3A, %add3A_70 : vector<16xi32>
      %rem3A_72 = arith.constant 26 : i32
      %rem3A_73 = vector.broadcast %rem3A_72 : i32 to vector<16xi32>
      %rem3A_74 = arith.remsi %add3A_71, %rem3A_73 : vector<16xi32>
      %get3A = arith.index_cast %mul3A_69 : i32 to index
      %get3A_75 = tpu.vector_load %arg5[%get3A] {strides = array<i32>} : memref<13312xi32, #tpu.memory_space<vmem>>, vector<16xi32>,
      %mul3A_76 = arith.constant 100032 : i32
      %mul3A_77 = vector.broadcast %mul3A_76 : i32 to vector<16xi32>
      %mul3A_78 = arith.muli %rem3A_74, %mul3A_77 : vector<16xi32>
      %add3A_79 = arith.addi %get3A_75, %mul3A_78 : vector<16xi32>
      %jit3A = arith.constant 8 : i32
      %div3A = arith.divsi %scan3A_66, %jit3A : i32
      %sign3A = arith.constant 0 : i32
      %sign3A_80 = arith.cmpi sgt, %scan3A_66, %sign3A : i32
      %sign3A_81 = arith.extui %sign3A_80 : i1 to i32
      %sign3A_82 = arith.constant 0 : i32
      %sign3A_83 = arith.cmpi slt, %scan3A_66, %sign3A_82 : i32
      %sign3A_84 = arith.extui %sign3A_83 : i1 to i32
      %sign3A_85 = arith.subi %sign3A_81, %sign3A_84 : i32
      %sign3A_86 = arith.constant 0 : i32
      %sign3A_87 = arith.cmpi sgt, %jit3A, %sign3A_86 : i32
      %sign3A_88 = arith.extui %sign3A_87 : i1 to i32
      %sign3A_89 = arith.constant 0 : i32
      %sign3A_90 = arith.cmpi slt, %jit3A, %sign3A_89 : i32
      %sign3A_91 = arith.extui %sign3A_90 : i1 to i32
      %sign3A_92 = arith.subi %sign3A_88, %sign3A_91 : i32
      %ne3A = arith.cmpi ne, %sign3A_85, %sign3A_92 : i32
      %rem3A_93 = arith.remsi %scan3A_66, %jit3A : i32
      %ne3A_94 = arith.constant 0 : i32
      %ne3A_95 = arith.cmpi ne, %rem3A_93, %ne3A_94 : i32
      %and3A = arith.andi %ne3A, %ne3A_95 : i1
      %sub3A = arith.constant 1 : i32
      %sub3A_96 = arith.subi %div3A, %sub3A : i32
      %select_n3A = arith.select %and3A, %sub3A_96, %div3A : i32
      %jit3A_97 = arith.constant 8 : i32
      %eq3A = arith.constant 0 : i32
      %eq3A_98 = arith.cmpi eq, %jit3A_97, %eq3A : i32
      %jit3A_99 = arith.constant 1 : i32
      %select_n3A_100 = arith.select %eq3A_98, %jit3A_99, %jit3A_97 : i32
      %rem3A_101 = arith.remsi %scan3A_66, %select_n3A_100 : i32
      %ne3A_102 = arith.constant 0 : i32
      %ne3A_103 = arith.cmpi ne, %rem3A_101, %ne3A_102 : i32
      %lt3A = arith.constant 0 : i32
      %lt3A_104 = arith.cmpi slt, %rem3A_101, %lt3A : i32
      %lt3A_105 = arith.constant 0 : i32
      %lt3A_106 = arith.cmpi slt, %select_n3A_100, %lt3A_105 : i32
      %ne3A_107 = arith.xori %lt3A_104, %lt3A_106 : i1
      %and3A_108 = arith.andi %ne3A_107, %ne3A_103 : i1
      %add3A_109 = arith.addi %rem3A_101, %select_n3A_100 : i32
      %select_n3A_110 = arith.select %and3A_108, %add3A_109, %rem3A_101 : i32
      %mul3A_111 = arith.constant 16 : i32
      %mul3A_112 = arith.muli %select_n3A_110, %mul3A_111 : i32
      %swap3A = arith.index_cast %select_n3A : i32 to index
      %swap3A_113 = arith.index_cast %mul3A_112 : i32 to index
      %swap3A_114 = tpu.vector_load %arg6[%swap3A, %swap3A_113] {strides = array<i32>} : memref<104x128xi32, #tpu.memory_space<vmem>>, vector<16xi32>,
      tpu.vector_store %arg6[%swap3A, %swap3A_113], %add3A_79 {strides = array<i32>} : memref<104x128xi32, #tpu.memory_space<vmem>>, vector<16xi32>,
      %scan3A_115 = arith.constant 0 : i32
      scf.yield %scan3A_115 : i32
    }
    %scan3A_8 = arith.constant 832 : i32
    %dma_start3A = arith.constant 0 : i32
    %dma_start3A_9 = arith.constant 0 : i32
    %dma_start3A_10 = arith.constant 0 : i32
    %dma_start3A_11 = arith.constant 0 : i32
    %dma_start3A_12 = arith.constant 0 : i32
    %dma_start3A_13 = tpu.memref_slice %arg7[%dma_start3A_9, %dma_start3A_11, %dma_start3A_12] : memref<2x128x16xf32, #tpu.memory_space<vmem>> -> memref<1x128x16xf32, #tpu.memory_space<vmem>>
    %dma_start3A_14 = tpu.memref_squeeze %dma_start3A_13 : memref<1x128x16xf32, #tpu.memory_space<vmem>> -> memref<128x16xf32, #tpu.memory_space<vmem>>
    %dma_start3A_15 = arith.constant 0 : i32
    %dma_start3A_16 = tpu.memref_slice %arg6[%dma_start3A, %dma_start3A_15] : memref<104x128xi32, #tpu.memory_space<vmem>> -> memref<1x128xi32, #tpu.memory_space<vmem>>
    %dma_start3A_17 = tpu.memref_squeeze %dma_start3A_16 : memref<1x128xi32, #tpu.memory_space<vmem>> -> memref<128xi32, #tpu.memory_space<vmem>>
    %dma_start3A_18 = arith.constant 0 : i32
    %dma_start3A_19 = arith.constant 0 : i32
    %dma_start3A_20 = tpu.memref_slice %arg3[%dma_start3A_18, %dma_start3A_19] : memref<2600832x16xf32, #tpu.memory_space<hbm>> -> memref<2600832x16xf32, #tpu.memory_space<hbm>>
    %dma_start3A_21 = tpu.memref_slice %arg8[%dma_start3A_10] : memref<2x!tpu.dma_semaphore, #tpu.memory_space<semaphore_mem>> -> memref<1x!tpu.dma_semaphore, #tpu.memory_space<semaphore_mem>>
    %dma_start3A_22 = tpu.memref_squeeze %dma_start3A_21 : memref<1x!tpu.dma_semaphore, #tpu.memory_space<semaphore_mem>> -> memref<!tpu.dma_semaphore, #tpu.memory_space<semaphore_mem>>
    tpu.enqueue_indirect_dma source(%dma_start3A_20 : memref<2600832x16xf32, #tpu.memory_space<hbm>>) target(%dma_start3A_14 : memref<128x16xf32, #tpu.memory_space<vmem>>) offsets(%dma_start3A_17 : memref<128xi32, #tpu.memory_space<vmem>>) semaphore(%dma_start3A_22 : memref<!tpu.dma_semaphore, #tpu.memory_space<semaphore_mem>>)
    %scan3A_23 = arith.constant 0 : i32
    %scan3A_24 = arith.constant 0 : i32
    %scan3A_25 = arith.constant 104 : i32
    %scan3A_26 = arith.addi %scan3A_24, %scan3A_25 : i32
    %scan3A_27 = arith.constant 1 : i32
    %scan3A_28 = scf.for %scan3A_66 = %scan3A_24 to %scan3A_26 step %scan3A_27 iter_args(%scan3A_67 = %scan3A_23) -> (i32)  : i32 {
      %rem3A_68 = arith.constant 2 : i32
      %rem3A_69 = arith.remsi %scan3A_66, %rem3A_68 : i32
      %sub3A = arith.constant 1 : i32
      %sub3A_70 = arith.subi %sub3A, %rem3A_69 : i32
      %add3A_71 = arith.constant 1 : i32
      %add3A_72 = arith.addi %scan3A_66, %add3A_71 : i32
      %lt3A = arith.constant 104 : i32
      %lt3A_73 = arith.cmpi slt, %add3A_72, %lt3A : i32
      %convert_element_type3A = arith.extui %lt3A_73 : i1 to i32
      %cond3A = arith.constant 0 : i32
      %cond3A_74 = arith.cmpi ne, %convert_element_type3A, %cond3A : i32
      scf.if %cond3A_74 {
        %ge3A = arith.constant 1 : i32
        %ge3A_105 = arith.cmpi sge, %scan3A_66, %ge3A : i32
        %convert_element_type3A_106 = arith.extui %ge3A_105 : i1 to i32
        %cond3A_107 = arith.constant 0 : i32
        %cond3A_108 = arith.cmpi ne, %convert_element_type3A_106, %cond3A_107 : i32
        scf.if %cond3A_108 {
          %sub3A_123 = arith.constant 1 : i32
          %sub3A_124 = arith.subi %scan3A_66, %sub3A_123 : i32
          %mul3A_125 = arith.constant 128 : i32
          %mul3A_126 = arith.muli %sub3A_124, %mul3A_125 : i32
          %add3A_127 = arith.addi %mul3A_2, %mul3A_126 : i32
          %dma_wait3A_128 = arith.constant 0 : i32
          %dma_wait3A_129 = arith.constant 0 : i32
          %dma_wait3A_130 = tpu.memref_slice %arg7[%sub3A_70, %dma_wait3A_128, %dma_wait3A_129] : memref<2x128x16xf32, #tpu.memory_space<vmem>> -> memref<1x128x16xf32, #tpu.memory_space<vmem>>
          %dma_wait3A_131 = tpu.memref_squeeze %dma_wait3A_130 : memref<1x128x16xf32, #tpu.memory_space<vmem>> -> memref<128x16xf32, #tpu.memory_space<vmem>>
          %dma_wait3A_132 = arith.constant 0 : i32
          %dma_wait3A_133 = tpu.memref_slice %arg4[%add3A_127, %dma_wait3A_132] : memref<425984x16xf32, #tpu.memory_space<hbm>> -> memref<128x16xf32, #tpu.memory_space<hbm>>
          %dma_wait3A_134 = tpu.memref_slice %arg9[%sub3A_70] : memref<2x!tpu.dma_semaphore, #tpu.memory_space<semaphore_mem>> -> memref<1x!tpu.dma_semaphore, #tpu.memory_space<semaphore_mem>>
          %dma_wait3A_135 = tpu.memref_squeeze %dma_wait3A_134 : memref<1x!tpu.dma_semaphore, #tpu.memory_space<semaphore_mem>> -> memref<!tpu.dma_semaphore, #tpu.memory_space<semaphore_mem>>
          %dma_wait3A_136 = arith.constant 0 : i32
          %dma_wait3A_137 = tpu.memref_slice %arg4[%add3A_127, %dma_wait3A_136] : memref<425984x16xf32, #tpu.memory_space<hbm>> -> memref<128x16xf32, #tpu.memory_space<hbm>>
          %dma_wait3A_138 = arith.constant 0 : i32
          %dma_wait3A_139 = arith.constant 0 : i32
          %dma_wait3A_140 = tpu.memref_slice %arg7[%sub3A_70, %dma_wait3A_138, %dma_wait3A_139] : memref<2x128x16xf32, #tpu.memory_space<vmem>> -> memref<1x128x16xf32, #tpu.memory_space<vmem>>
          %dma_wait3A_141 = tpu.memref_squeeze %dma_wait3A_140 : memref<1x128x16xf32, #tpu.memory_space<vmem>> -> memref<128x16xf32, #tpu.memory_space<vmem>>
          tpu.wait_dma2 semaphore(%dma_wait3A_135 : memref<!tpu.dma_semaphore, #tpu.memory_space<semaphore_mem>>) src(%dma_wait3A_141 : memref<128x16xf32, #tpu.memory_space<vmem>>) dst(%dma_wait3A_137 : memref<128x16xf32, #tpu.memory_space<hbm>>)
        } else {
        }
        %add3A_109 = arith.constant 1 : i32
        %add3A_110 = arith.addi %scan3A_66, %add3A_109 : i32
        %dma_start3A_111 = arith.constant 0 : i32
        %dma_start3A_112 = arith.constant 0 : i32
        %dma_start3A_113 = tpu.memref_slice %arg7[%sub3A_70, %dma_start3A_111, %dma_start3A_112] : memref<2x128x16xf32, #tpu.memory_space<vmem>> -> memref<1x128x16xf32, #tpu.memory_space<vmem>>
        %dma_start3A_114 = tpu.memref_squeeze %dma_start3A_113 : memref<1x128x16xf32, #tpu.memory_space<vmem>> -> memref<128x16xf32, #tpu.memory_space<vmem>>
        %dma_start3A_115 = arith.constant 0 : i32
        %dma_start3A_116 = tpu.memref_slice %arg6[%add3A_110, %dma_start3A_115] : memref<104x128xi32, #tpu.memory_space<vmem>> -> memref<1x128xi32, #tpu.memory_space<vmem>>
        %dma_start3A_117 = tpu.memref_squeeze %dma_start3A_116 : memref<1x128xi32, #tpu.memory_space<vmem>> -> memref<128xi32, #tpu.memory_space<vmem>>
        %dma_start3A_118 = arith.constant 0 : i32
        %dma_start3A_119 = arith.constant 0 : i32
        %dma_start3A_120 = tpu.memref_slice %arg3[%dma_start3A_118, %dma_start3A_119] : memref<2600832x16xf32, #tpu.memory_space<hbm>> -> memref<2600832x16xf32, #tpu.memory_space<hbm>>
        %dma_start3A_121 = tpu.memref_slice %arg8[%sub3A_70] : memref<2x!tpu.dma_semaphore, #tpu.memory_space<semaphore_mem>> -> memref<1x!tpu.dma_semaphore, #tpu.memory_space<semaphore_mem>>
        %dma_start3A_122 = tpu.memref_squeeze %dma_start3A_121 : memref<1x!tpu.dma_semaphore, #tpu.memory_space<semaphore_mem>> -> memref<!tpu.dma_semaphore, #tpu.memory_space<semaphore_mem>>
        tpu.enqueue_indirect_dma source(%dma_start3A_120 : memref<2600832x16xf32, #tpu.memory_space<hbm>>) target(%dma_start3A_114 : memref<128x16xf32, #tpu.memory_space<vmem>>) offsets(%dma_start3A_117 : memref<128xi32, #tpu.memory_space<vmem>>) semaphore(%dma_start3A_122 : memref<!tpu.dma_semaphore, #tpu.memory_space<semaphore_mem>>)
      } else {
      }
      %dma_wait3A_75 = arith.constant 0 : i32
      %dma_wait3A_76 = arith.constant 0 : i32
      %dma_wait3A_77 = tpu.memref_slice %arg7[%rem3A_69, %dma_wait3A_75, %dma_wait3A_76] : memref<2x128x16xf32, #tpu.memory_space<vmem>> -> memref<1x128x16xf32, #tpu.memory_space<vmem>>
      %dma_wait3A_78 = tpu.memref_squeeze %dma_wait3A_77 : memref<1x128x16xf32, #tpu.memory_space<vmem>> -> memref<128x16xf32, #tpu.memory_space<vmem>>
      %dma_wait3A_79 = arith.constant 0 : i32
      %dma_wait3A_80 = tpu.memref_slice %arg6[%scan3A_66, %dma_wait3A_79] : memref<104x128xi32, #tpu.memory_space<vmem>> -> memref<1x128xi32, #tpu.memory_space<vmem>>
      %dma_wait3A_81 = tpu.memref_squeeze %dma_wait3A_80 : memref<1x128xi32, #tpu.memory_space<vmem>> -> memref<128xi32, #tpu.memory_space<vmem>>
      %dma_wait3A_82 = arith.constant 0 : i32
      %dma_wait3A_83 = arith.constant 0 : i32
      %dma_wait3A_84 = tpu.memref_slice %arg3[%dma_wait3A_82, %dma_wait3A_83] : memref<2600832x16xf32, #tpu.memory_space<hbm>> -> memref<2600832x16xf32, #tpu.memory_space<hbm>>
      %dma_wait3A_85 = tpu.memref_slice %arg8[%rem3A_69] : memref<2x!tpu.dma_semaphore, #tpu.memory_space<semaphore_mem>> -> memref<1x!tpu.dma_semaphore, #tpu.memory_space<semaphore_mem>>
      %dma_wait3A_86 = tpu.memref_squeeze %dma_wait3A_85 : memref<1x!tpu.dma_semaphore, #tpu.memory_space<semaphore_mem>> -> memref<!tpu.dma_semaphore, #tpu.memory_space<semaphore_mem>>
      tpu.wait_indirect_dma semaphore(%dma_wait3A_86 : memref<!tpu.dma_semaphore, #tpu.memory_space<semaphore_mem>>) src(%dma_wait3A_84 : memref<2600832x16xf32, #tpu.memory_space<hbm>>) dst(%dma_wait3A_78 : memref<128x16xf32, #tpu.memory_space<vmem>>)
      %mul3A_87 = arith.constant 128 : i32
      %mul3A_88 = arith.muli %scan3A_66, %mul3A_87 : i32
      %add3A_89 = arith.addi %mul3A_2, %mul3A_88 : i32
      %dma_start3A_90 = arith.constant 0 : i32
      %dma_start3A_91 = arith.constant 0 : i32
      %dma_start3A_92 = tpu.memref_slice %arg7[%rem3A_69, %dma_start3A_90, %dma_start3A_91] : memref<2x128x16xf32, #tpu.memory_space<vmem>> -> memref<1x128x16xf32, #tpu.memory_space<vmem>>
      %dma_start3A_93 = tpu.memref_squeeze %dma_start3A_92 : memref<1x128x16xf32, #tpu.memory_space<vmem>> -> memref<128x16xf32, #tpu.memory_space<vmem>>
      %dma_start3A_94 = arith.constant 0 : i32
      %dma_start3A_95 = tpu.memref_slice %arg4[%add3A_89, %dma_start3A_94] : memref<425984x16xf32, #tpu.memory_space<hbm>> -> memref<128x16xf32, #tpu.memory_space<hbm>>
      %dma_start3A_96 = tpu.memref_slice %arg9[%rem3A_69] : memref<2x!tpu.dma_semaphore, #tpu.memory_space<semaphore_mem>> -> memref<1x!tpu.dma_semaphore, #tpu.memory_space<semaphore_mem>>
      %dma_start3A_97 = tpu.memref_squeeze %dma_start3A_96 : memref<1x!tpu.dma_semaphore, #tpu.memory_space<semaphore_mem>> -> memref<!tpu.dma_semaphore, #tpu.memory_space<semaphore_mem>>
      %dma_start3A_98 = arith.constant 0 : i32
      %dma_start3A_99 = tpu.memref_slice %arg4[%add3A_89, %dma_start3A_98] : memref<425984x16xf32, #tpu.memory_space<hbm>> -> memref<128x16xf32, #tpu.memory_space<hbm>>
      %dma_start3A_100 = arith.constant 0 : i32
      %dma_start3A_101 = arith.constant 0 : i32
      %dma_start3A_102 = tpu.memref_slice %arg7[%rem3A_69, %dma_start3A_100, %dma_start3A_101] : memref<2x128x16xf32, #tpu.memory_space<vmem>> -> memref<1x128x16xf32, #tpu.memory_space<vmem>>
      %dma_start3A_103 = tpu.memref_squeeze %dma_start3A_102 : memref<1x128x16xf32, #tpu.memory_space<vmem>> -> memref<128x16xf32, #tpu.memory_space<vmem>>
      tpu.enqueue_dma source(%dma_start3A_103 : memref<128x16xf32, #tpu.memory_space<vmem>>) target(%dma_start3A_99 : memref<128x16xf32, #tpu.memory_space<hbm>>) target_semaphore(%dma_start3A_97 : memref<!tpu.dma_semaphore, #tpu.memory_space<semaphore_mem>>)
      %scan3A_104 = arith.constant 0 : i32
      scf.yield %scan3A_104 : i32
    }
    %scan3A_29 = arith.constant 104 : i32
    %rem3A = arith.constant 102 : i32
    %rem3A_30 = arith.constant 2 : i32
    %rem3A_31 = arith.remsi %rem3A, %rem3A_30 : i32
    %add3A_32 = arith.constant 13056 : i32
    %add3A_33 = arith.addi %mul3A_2, %add3A_32 : i32
    %dma_wait3A = arith.constant 0 : i32
    %dma_wait3A_34 = arith.constant 0 : i32
    %dma_wait3A_35 = tpu.memref_slice %arg7[%rem3A_31, %dma_wait3A, %dma_wait3A_34] : memref<2x128x16xf32, #tpu.memory_space<vmem>> -> memref<1x128x16xf32, #tpu.memory_space<vmem>>
    %dma_wait3A_36 = tpu.memref_squeeze %dma_wait3A_35 : memref<1x128x16xf32, #tpu.memory_space<vmem>> -> memref<128x16xf32, #tpu.memory_space<vmem>>
    %dma_wait3A_37 = arith.constant 0 : i32
    %dma_wait3A_38 = tpu.memref_slice %arg4[%add3A_33, %dma_wait3A_37] : memref<425984x16xf32, #tpu.memory_space<hbm>> -> memref<128x16xf32, #tpu.memory_space<hbm>>
    %dma_wait3A_39 = tpu.memref_slice %arg9[%rem3A_31] : memref<2x!tpu.dma_semaphore, #tpu.memory_space<semaphore_mem>> -> memref<1x!tpu.dma_semaphore, #tpu.memory_space<semaphore_mem>>
    %dma_wait3A_40 = tpu.memref_squeeze %dma_wait3A_39 : memref<1x!tpu.dma_semaphore, #tpu.memory_space<semaphore_mem>> -> memref<!tpu.dma_semaphore, #tpu.memory_space<semaphore_mem>>
    %dma_wait3A_41 = arith.constant 0 : i32
    %dma_wait3A_42 = tpu.memref_slice %arg4[%add3A_33, %dma_wait3A_41] : memref<425984x16xf32, #tpu.memory_space<hbm>> -> memref<128x16xf32, #tpu.memory_space<hbm>>
    %dma_wait3A_43 = arith.constant 0 : i32
    %dma_wait3A_44 = arith.constant 0 : i32
    %dma_wait3A_45 = tpu.memref_slice %arg7[%rem3A_31, %dma_wait3A_43, %dma_wait3A_44] : memref<2x128x16xf32, #tpu.memory_space<vmem>> -> memref<1x128x16xf32, #tpu.memory_space<vmem>>
    %dma_wait3A_46 = tpu.memref_squeeze %dma_wait3A_45 : memref<1x128x16xf32, #tpu.memory_space<vmem>> -> memref<128x16xf32, #tpu.memory_space<vmem>>
    tpu.wait_dma2 semaphore(%dma_wait3A_40 : memref<!tpu.dma_semaphore, #tpu.memory_space<semaphore_mem>>) src(%dma_wait3A_46 : memref<128x16xf32, #tpu.memory_space<vmem>>) dst(%dma_wait3A_42 : memref<128x16xf32, #tpu.memory_space<hbm>>)
    %rem3A_47 = arith.constant 103 : i32
    %rem3A_48 = arith.constant 2 : i32
    %rem3A_49 = arith.remsi %rem3A_47, %rem3A_48 : i32
    %add3A_50 = arith.constant 13184 : i32
    %add3A_51 = arith.addi %mul3A_2, %add3A_50 : i32
    %dma_wait3A_52 = arith.constant 0 : i32
    %dma_wait3A_53 = arith.constant 0 : i32
    %dma_wait3A_54 = tpu.memref_slice %arg7[%rem3A_49, %dma_wait3A_52, %dma_wait3A_53] : memref<2x128x16xf32, #tpu.memory_space<vmem>> -> memref<1x128x16xf32, #tpu.memory_space<vmem>>
    %dma_wait3A_55 = tpu.memref_squeeze %dma_wait3A_54 : memref<1x128x16xf32, #tpu.memory_space<vmem>> -> memref<128x16xf32, #tpu.memory_space<vmem>>
    %dma_wait3A_56 = arith.constant 0 : i32
    %dma_wait3A_57 = tpu.memref_slice %arg4[%add3A_51, %dma_wait3A_56] : memref<425984x16xf32, #tpu.memory_space<hbm>> -> memref<128x16xf32, #tpu.memory_space<hbm>>
    %dma_wait3A_58 = tpu.memref_slice %arg9[%rem3A_49] : memref<2x!tpu.dma_semaphore, #tpu.memory_space<semaphore_mem>> -> memref<1x!tpu.dma_semaphore, #tpu.memory_space<semaphore_mem>>
    %dma_wait3A_59 = tpu.memref_squeeze %dma_wait3A_58 : memref<1x!tpu.dma_semaphore, #tpu.memory_space<semaphore_mem>> -> memref<!tpu.dma_semaphore, #tpu.memory_space<semaphore_mem>>
    %dma_wait3A_60 = arith.constant 0 : i32
    %dma_wait3A_61 = tpu.memref_slice %arg4[%add3A_51, %dma_wait3A_60] : memref<425984x16xf32, #tpu.memory_space<hbm>> -> memref<128x16xf32, #tpu.memory_space<hbm>>
    %dma_wait3A_62 = arith.constant 0 : i32
    %dma_wait3A_63 = arith.constant 0 : i32
    %dma_wait3A_64 = tpu.memref_slice %arg7[%rem3A_49, %dma_wait3A_62, %dma_wait3A_63] : memref<2x128x16xf32, #tpu.memory_space<vmem>> -> memref<1x128x16xf32, #tpu.memory_space<vmem>>
    %dma_wait3A_65 = tpu.memref_squeeze %dma_wait3A_64 : memref<1x128x16xf32, #tpu.memory_space<vmem>> -> memref<128x16xf32, #tpu.memory_space<vmem>>
    tpu.wait_dma2 semaphore(%dma_wait3A_59 : memref<!tpu.dma_semaphore, #tpu.memory_space<semaphore_mem>>) src(%dma_wait3A_65 : memref<128x16xf32, #tpu.memory_space<vmem>>) dst(%dma_wait3A_61 : memref<128x16xf32, #tpu.memory_space<hbm>>)
    return
  }
}

</mosaic_0001>

<sc_bundles>
// kernel: kernel.4.cloned.1.call-start
scs
__scs_entry_jumppad:
0x0: {  	(pc) =	sbr.rel $0x88, $3  }
0x1: {  	(tag) =	ssettag $0x0;
	lr =	simm.s32 $0x1  }
0x2: {  	[smem:$0x3F9F] =	sst lr;
	_ =	strace $0xD0000000  }
0x3: {  	_ = 	snop  }
0x4: {  	_ = 	snop  }
0x5: {  	_ = 	snop  }
0x6: {  	_ = 	snop  }
0x7: {  	_ = 	snop  }
__scs_overlays_trampoline_lowered:
0x8: {  	[smem:$0x3FAE] =	sst s0  }
0x9: {  	[smem:$0x3FAF] =	sst s1  }
0xa: {  	[smem:$0x3FB0] =	sst s2  }
0xb: {  	[smem:$0x3FB1] =	sst s3  }
0xc: {  	[smem:$0x3FB2] =	sst s4  }
0xd: {  	[smem:$0x3FB3] =	sst s5  }
0xe: {  	[smem:$0x3FB4] =	sst s6  }
0xf: {  	[smem:$0x3FB5] =	sst s7  }
0x10: {  	[smem:$0x3FB6] =	sst s8  }
0x11: {  	[smem:$0x3FB7] =	sst s9;
	s0 =	simm.s32 @!p0 $0x0  }
0x12: {  	s1 =	sld [smem:$0x3F9D];
	s0 =	simm.s32 @p0 $0x1  }
0x13: {  	[smem:$0x3FB8] =	sst s0;
	s0 =	simm.s32 @!p1 $0x0  }
0x14: {  	s2 =	sld [smem:$0x3F9C];
	s0 =	simm.s32 @p1 $0x1  }
0x15: {  	[smem:$0x3FB9] =	sst s0;
	s0 =	simm.s32 @!p2 $0x0  }
0x16: {  	s3 =	sld [smem:$0x3FDB];
	s0 =	simm.s32 @p2 $0x1  }
0x17: {  	s4 =	simm.s32 $0x1BF5;
	[smem:$0x3FBB] =	sst s0  }
0x18: {  	s0 =	sld [smem:$0x3F9E];
	_ =	swait.ge [sflag:s4], $0x0  }
0x19: {  	s7 =	sld [smem:$0x3F9F]  }
0x1a: {  	s8 =	sadd.s32 $0xFFFFE003, lr  }
0x1b: {  	s9 =	sadd.s32 $0xFFFFFEF7, lr;
	s5 =	simm.s32 $0xFFFFFFFF;
	p2 =	slt.u32 s8, $0xFFFFF086  }
0x1c: {  	p1 =	slt.u32 s9, $0xF7A;
	s5 =	simm.s32 @!p2 $0x0  }
0x1d: {  	s5 =	simm.s32 @p1 $0x1;
	p0 =	seq.s32 s7, s2  }
0x1e: {  	s7 =	smul.u32 @!p0 $0xF7A, s2;
	p2 =	seq.s32 @!p0 s5, $0x0  }
0x1f: {  	s9 =	smul.u32 $0xF7A, s1;
	s8 =	simm.s32 @!p0 $0x1BF5;
	p2 =	por !p2, p0  }
0x20: {  	[sflag:s8] =	ssyncset.s32 @!p0 $0xFFFFF086;
	s6 =	sadd.s32 @!p0 s3, s7;
	s7 =	simm.s32 @!p0 $0x108  }
0x21: {  	s3 =	sadd.s32 s3, s9;
	s6 =	sadd.s32 @!p0 $0x88, s6;
	s7 =	simm.s32 @p2 $0x1082  }
0x22: {  	[simem:s7], [sflag:s8] =	dma.local @!p0 [hbm:s6], $0xF7A  }
0x23: {  	s9 =	sor.u32 $0xD0000000, s2;
	s6 =	simm.s32 $0x108;
	_ =	swait.ge @!p0 [sflag:s8], $0x0  }
0x24: {  	s3 =	sadd.s32 $0x88, s3;
	s6 =	simm.s32 @!p1 $0x1082;
	[sflag:s4] =	ssyncset.s32 $0xFFFFF086  }
0x25: {  	[simem:s6], [sflag:s4] =	dma.local [hbm:s3], $0xF7A  }
0x26: {  	[smem:$0x3F9F] =	sst s1;
	(tag) =	ssettag s2;
	_ =	strace s9  }
0x27: {  	s1 =	sld [smem:$0x3FAF]  }
0x28: {  	s2 =	sld [smem:$0x3FB0]  }
0x29: {  	s4 =	sld [smem:$0x3FB2]  }
0x2a: {  	p0 =	seq.s32 s5, $0x0;
	s5 =	sld [smem:$0x3FB3]  }
0x2b: {  	s6 =	sld [smem:$0x3FB4]  }
0x2c: {  	s7 =	sld [smem:$0x3FB5]  }
0x2d: {  	s3 =	simm.s32 $0x108;
	s8 =	sld [smem:$0x3FB6]  }
0x2e: {  	s3 =	simm.s32 @!p0 $0x1082;
	s9 =	sld [smem:$0x3FB7]  }
0x2f: {  	lr =	sadd.s32 s0, s3;
	s0 =	sld [smem:$0x3FAE]  }
0x30: {  	s3 =	sld [smem:$0x3FB1]  }
0x31: {  	[smem:$0x3FBA] =	sst s10  }
0x32: {  	s10 =	sld [smem:$0x3FB8];
	_ =	sdelay $0x3  }
0x33: {  	p0 =	seq.s32 s10, $0x1;
	s10 =	sld [smem:$0x3FBA];
	_ =	sdelay $0x3  }
0x34: {  	[smem:$0x3FBA] =	sst s10  }
0x35: {  	s10 =	sld [smem:$0x3FB9];
	_ =	sdelay $0x3  }
0x36: {  	p1 =	seq.s32 s10, $0x1;
	s10 =	sld [smem:$0x3FBA];
	_ =	sdelay $0x3  }
0x37: {  	[smem:$0x3FBA] =	sst s10  }
0x38: {  	s10 =	sld [smem:$0x3FBB]  }
0x39: {  	_ = 	snop;
	(pc) =	sbr.ind lr, $3  }
0x3a: {  	_ = 	snop  }
0x3b: {  	_ = 	snop  }
0x3c: {  	p2 =	seq.s32 s10, $0x1;
	s10 =	sld [smem:$0x3FBA]  }
0x3d: {  	_ =	shalt  }
0x3e: {  	_ =	shalt  }
0x3f: {  	_ =	shalt  }
0x40: {  	_ =	shalt  }
0x41: {  	_ =	shalt  }
0x42: {  	_ =	shalt  }
0x43: {  	_ =	shalt  }
0x44: {  	_ =	shalt  }
0x45: {  	_ =	shalt  }
0x46: {  	_ =	shalt  }
0x47: {  	_ =	shalt  }
0x48: {  	_ =	shalt  }
0x49: {  	_ =	shalt  }
0x4a: {  	_ =	shalt  }
0x4b: {  	_ =	shalt  }
0x4c: {  	_ =	shalt  }
0x4d: {  	_ =	shalt  }
0x4e: {  	_ =	shalt  }
0x4f: {  	_ =	shalt  }
0x50: {  	_ =	shalt  }
0x51: {  	_ =	shalt  }
0x52: {  	_ =	shalt  }
0x53: {  	_ =	shalt  }
0x54: {  	_ =	shalt  }
0x55: {  	_ =	shalt  }
0x56: {  	_ =	shalt  }
0x57: {  	_ =	shalt  }
0x58: {  	_ =	shalt  }
0x59: {  	_ =	shalt  }
0x5a: {  	_ =	shalt  }
0x5b: {  	_ =	shalt  }
0x5c: {  	_ =	shalt  }
0x5d: {  	_ =	shalt  }
0x5e: {  	_ =	shalt  }
0x5f: {  	_ =	shalt  }
0x60: {  	_ =	shalt  }
0x61: {  	_ =	shalt  }
0x62: {  	_ =	shalt  }
0x63: {  	_ =	shalt  }
0x64: {  	_ =	shalt  }
0x65: {  	_ =	shalt  }
0x66: {  	_ =	shalt  }
0x67: {  	_ =	shalt  }
0x68: {  	_ =	shalt  }
0x69: {  	_ =	shalt  }
0x6a: {  	_ =	shalt  }
0x6b: {  	_ =	shalt  }
0x6c: {  	_ =	shalt  }
0x6d: {  	_ =	shalt  }
0x6e: {  	_ =	shalt  }
0x6f: {  	_ =	shalt  }
0x70: {  	_ =	shalt  }
0x71: {  	_ =	shalt  }
0x72: {  	_ =	shalt  }
0x73: {  	_ =	shalt  }
0x74: {  	_ =	shalt  }
0x75: {  	_ =	shalt  }
0x76: {  	_ =	shalt  }
0x77: {  	_ =	shalt  }
0x78: {  	_ =	shalt  }
0x79: {  	_ =	shalt  }
0x7a: {  	_ =	shalt  }
0x7b: {  	_ =	shalt  }
0x7c: {  	_ =	shalt  }
0x7d: {  	_ =	shalt  }
0x7e: {  	_ =	shalt  }
0x7f: {  	_ =	shalt  }
0x80: {  	_ =	shalt  }
0x81: {  	_ =	shalt  }
0x82: {  	_ =	shalt  }
0x83: {  	_ =	shalt  }
0x84: {  	_ =	shalt  }
0x85: {  	_ =	shalt  }
0x86: {  	_ =	shalt  }
0x87: {  	_ =	shalt  }
.Lfunc_end0:
.L_simem_size_0:
called_computation_lowered:
.L_overlay_start_0:
0x88: {  	s2 =	sld [smem:$0x3FD9]  }
0x89: {  	s3 =	sld [smem:$0x3FFE];
	_ =	sdelay $0x1  }
0x8a: {  	s1 =	srdreg.scid  }
0x8b: {  	s0 =	sand.u32 $0x1, s1  }
0x8c: {  	s17 =	sshll.u32 s0, $0xA;
	s2 =	sadd.s32 s3, s2  }
0x8d: {  	s2 =	sadd.s32 s2, s17  }
0x8e: {  	[smem:$0x3FC6] =	sst s2  }
0x8f: {  	_ = 	snop  }
0x90: {  	s2 =	sld [smem:$0x3FC8]  }
0x91: {  	s18 =	sld [smem:$0x3FD0];
	(tm) =	ssettm $0x1  }
0x92: {  	s4 =	sld [smem:$0x3FFB];
	_ =	sdelay $0x3  }
0x93: {  	_ =	strace s4  }
0x94: {  	s4 =	sld [smem:$0x3FFC];
	_ =	sdelay $0x3  }
0x95: {  	_ =	strace s4  }
0x96: {  	s4 =	sld [smem:$0x3FFD];
	_ =	sdelay $0x3  }
0x97: {  	_ =	strace s4  }
0x98: {  	_ =	strace $0x8FFFFFFF  }
0x99: {  	s19 =	sld [smem:$0x3FDB];
	_ =	sdelay $0x1  }
0x9a: {  	s5 =	simm.s32 $_scs_section_size  }
0x9b: {  	s6 =	simm.s32 $_size__tile_overlayer_lowered;
	s7 =	simm.s32 $_tile_overlayer_lowered  }
0x9c: {  	s22 =	simm.s32 $0x1BFF;
	s21 =	sshll.u32 s7, $0x1;
	s4 =	sadd.s32 s5, s19  }
0x9d: {  	s8 =	simm.s32 $0x0;
	s20 =	sshll.u32 s6, $0x1;
	s6 =	sadd.s32 s21, s4  }
0x9e: {  	[timem:s8], [sflag:s22] =	dma.local [hbm:s6], s20  }
0x9f: {  	_ =	swait.ge [sflag:s22], s20  }
0xa0: {  	s5 =	ssub.s32 $0x0, s20;
	[sflag:s22] =	ssyncset.done $0x0  }
0xa1: {  	[sflag:s22] =	ssyncadd.s32 s5;
	_ =	sdelay $0x1  }
0xa2: {  	s23 =	simm.s32 $0x1B8B  }
0xa3: {  	_ =	swait.ge [sflag:s23], $0x1  }
0xa4: {  	[sflag:s23] =	ssyncset.done $0x0  }
0xa5: {  	s25 =	simm.s32 $0x1B8E;
	s24 =	sld [smem:$0x3FFE];
	[sflag:s23] =	ssyncadd.s32 $0xFFFFFFFF  }
0xa6: {  	s26 =	simm.s32 $execute0_lowered;
	[smem:$0x3FD2] =	sst s25  }
0xa7: {  	s6 =	sshll.u32 s26, $0x1;
	_ =	strace $0x80000046;
	[dreg:$0x1] =	wrdreg $0xFFFFFFFF  }
0xa8: {  	s28 =	simm.s32 $_size_execute0_lowered;
	s4 =	sadd.s32 s4, s6;
	[dreg:$0x0] =	wrdreg $0x0  }
0xa9: {  	s6 =	sshll.u32 s28, $0x1;
	[dreg:$0x2] =	wrdreg s4  }
0xaa: {  	[dreg:$0x3] =	wrdreg s6  }
0xab: {  	[dreg:$0x4] =	wrdreg $0xC0  }
0xac: {  	_ =	task [dreg:s8], $0x5FFFF  }
0xad: {  	[dreg:$0x1] =	wrdreg $0xFFFFFFFF  }
0xae: {  	[dreg:$0x0] =	wrdreg $0x60  }
0xaf: {  	[dreg:$0x2] =	wrdreg s2  }
0xb0: {  	[dreg:$0x3] =	wrdreg s18  }
0xb1: {  	[dreg:$0x4] =	wrdreg s24  }
0xb2: {  	[dreg:$0x5] =	wrdreg $0x9  }
0xb3: {  	_ =	task.clear_ibuf [dreg:s8], $0x6FFFF;
	_ =	strace $0x90000046  }
0xb4: {  	s29 =	simm.s32 $0x9;
	_ =	strace $0x80000048  }
0xb5: {  	_ =	swait.ge [sflag:s29], $0x1  }
0xb6: {  	[sflag:s29] =	ssyncadd.s32 $0xFFFFFFFF  }
0xb7: {  	_ =	strace $0x90000048  }
0xb8: {  	_ =	sfence  }
0xb9: {  	s30 =	sld [smem:$0x0];
	_ =	sdelay $0x2  }
0xba: {  	s31 =	sshll.u32 s1, $0xD;
	s1 =	sshrl.u32 s1, $0x2  }
0xbb: {  	s3 =	sand.u32 $0x4000, s31;
	s1 =	sadd.s32 s1, s30  }
0xbc: {  	s0 =	sor.u32 s3, s0;
	s1 =	sshll.u32 s1, $0x11  }
0xbd: {  	s0 =	sor.u32 s1, s0  }
0xbe: {  	s0 =	sadd.s32 $0x8F2B, s0  }
0xbf: {  	[sflag:s0] =	ssyncadd.remote.s32 $0x1  }
0xc0: {  	_ =	sfence.sel $0xFFFF  }
0xc1: {  	[dreg:$0x0] =	wrdreg $0xFFFFFFFF;
	(pc) =	sbr.abs _section_cstart, $3  }
0xc2: {  	[dreg:$0x1] =	wrdreg $0xFFFFFFFF  }
0xc3: {  	_ =	task.clear_ibuf [dreg:s8], $0x2FFFF;
	_ =	strace $0x9FFFFFFF  }
0xc4: {  	(tm) =	ssettm $0x7FFFFFFF  }
0xc5: {  	_ =	shalt  }
tec
execute0_lowered:
.L_overlay_start_1:
0x0: {  	(tag) =	ssettag $0x1  }
0x1: {  	s0 =	srdreg.scid;
	s30 =	stileid.u32  }
0x2: {  	s2 =	sand.u32 $0x1, s0;
	s11 =	sshll.u32 s30, $0x1  }
0x3: {  	s6 =	sor.u32 s2, s11;
	s5 =	ssub.s32 $0x2, s2  }
0x4: {  	s3 =	smul.u32 $0x6812B7, s6;
	s7 =	sshrl.u32 s5, $0x1  }
0x5: {  	p4 =	sgt.u32 s30, $0xC;
	s1 =	smul.u32 $0x27B, s6;
	s0 =	ssub.s32 s5, s7  }
0x6: {  	s12 =	sshrl.u32 s3, $0x17;
	s9 =	sadd.s32 $0x29F5, s3;
	s15 =	sadd.s32 $0x53EA, s3  }
0x7: {  	s7 =	sadd.s32 $0x1, s1;
	s22 =	sadd.s32 $0xD1C9, s3;
	s4 =	smul.u32 $0x30D, s12  }
0x8: {  	s31 =	sadd.s32 $0x14FA8, s3;
	s8 =	smul.u32 $0x187000, s12;
	s13 =	sshrl.u32 s9, $0x17  }
0x9: {  	s11 =	sshrl.u32 s15, $0x17;
	s12 =	sadd.s32 $0x7DDF, s3;
	s14 =	smul.u32 $0x30D, s13  }
0xa: {  	s9 =	sadd.s32 $0x2, s1;
	s15 =	sadd.s32 $0xA7D4, s3;
	s5 =	smul.u32 $0x187000, s13  }
0xb: {  	s10 =	smul.u32 $0x30D, s11;
	s12 =	sshrl.u32 s12, $0x17;
	s4 =	ssub.s32 s1, s4  }
0xc: {  	s17 =	smul.u32 $0x187000, s11;
	s20 =	sshrl.u32 s15, $0x17;
	s4 =	sand.u32 $0xFFFF, s4  }
0xd: {  	s15 =	sadd.s32 $0x4, s1;
	s21 =	smul.u32 $0x30D, s20;
	s4 =	sshll.u32 s4, $0xA  }
0xe: {  	s13 =	ssub.s32 s9, s10;
	s8 =	sadd.s32 s4, s8;
	s4 =	ssub.s32 s7, s14  }
0xf: {  	s16 =	sand.u32 $0xFFFF, s13;
	s14 =	smul.u32 $0x30D, s12;
	s4 =	sand.u32 $0xFFFF, s4  }
0x10: {  	s13 =	sadd.s32 $0x3, s1;
	s12 =	smul.u32 $0x187000, s12;
	s4 =	sshll.u32 s4, $0xA  }
0x11: {  	s18 =	ssub.s32 s13, s14;
	s10 =	sadd.s32 s4, s5;
	s4 =	sshll.u32 s16, $0xA  }
0x12: {  	s14 =	sand.u32 $0xFFFF, s18;
	s5 =	smul.u32 $0x187000, s20;
	s16 =	sshrl.u32 s22, $0x17  }
0x13: {  	s18 =	sadd.s32 $0xFBBE, s3;
	s11 =	sadd.s32 s4, s17;
	s19 =	sshll.u32 s14, $0xA  }
0x14: {  	s4 =	ssub.s32 s15, s21;
	s14 =	smul.u32 $0x30D, s16;
	s17 =	sadd.s32 $0x5, s1  }
0x15: {  	s18 =	sshrl.u32 s18, $0x17;
	s24 =	smul.u32 $0x187000, s16;
	s21 =	sadd.s32 $0x125B3, s3  }
0x16: {  	s3 =	sadd.s32 $0x1799D, s3;
	s10 =	sshrl.u32 s10, $0x3;
	s20 =	smul.u32 $0x30D, s18  }
0x17: {  	s12 =	sadd.s32 s19, s12;
	s4 =	sand.u32 $0xFFFF, s4;
	s18 =	smul.u32 $0x187000, s18  }
0x18: {  	s28 =	sshrl.u32 s21, $0x17;
	s21 =	sadd.s32 $0x7, s1;
	s3 =	sshrl.u32 s3, $0x17  }
0x19: {  	s11 =	sshrl.u32 s11, $0x3;
	s4 =	sshll.u32 s4, $0xA;
	s29 =	smul.u32 $0x30D, s28  }
0x1a: {  	s19 =	ssub.s32 s17, s14;
	s14 =	sadd.s32 s4, s5;
	s5 =	smul.u32 $0x187000, s28  }
0x1b: {  	s23 =	sand.u32 $0xFFFF, s19;
	s19 =	sadd.s32 $0x6, s1;
	s28 =	smul.u32 $0x30D, s3  }
0x1c: {  	s12 =	sshrl.u32 s12, $0x3;
	s3 =	smul.u32 $0x187000, s3;
	s25 =	ssub.s32 s19, s20  }
0x1d: {  	s4 =	sshll.u32 s23, $0xA;
	s23 =	sadd.s32 $0x8, s1;
	s20 =	sand.u32 $0xFFFF, s25  }
0x1e: {  	s16 =	sadd.s32 s4, s24;
	s4 =	ssub.s32 s21, s29;
	s25 =	sadd.s32 $0xA, s1  }
0x1f: {  	s26 =	sshll.u32 s20, $0xA;
	s20 =	sshrl.u32 s31, $0x17;
	s24 =	smul.u32 $0x29F5, s25  }
0x20: {  	s4 =	sand.u32 $0xFFFF, s4;
	s18 =	sadd.s32 s26, s18;
	s22 =	smul.u32 $0x30D, s20  }
0x21: {  	s4 =	sshll.u32 s4, $0xA;
	s20 =	smul.u32 $0x187000, s20;
	s26 =	sshrl.u32 s24, $0x17  }
0x22: {  	s29 =	sadd.s32 s4, s5;
	s24 =	sadd.s32 $0x9, s1;
	s22 =	ssub.s32 s23, s22  }
0x23: {  	s18 =	sshrl.u32 s18, $0x3;
	s5 =	sand.u32 $0xFFFF, s22;
	s22 =	smul.u32 $0x30D, s26  }
0x24: {  	s28 =	ssub.s32 s24, s28;
	s26 =	smul.u32 $0x187000, s26;
	s4 =	sshll.u32 s5, $0xA  }
0x25: {  	s5 =	ssub.s32 s25, s22;
	s22 =	sand.u32 $0xFFFF, s28;
	s20 =	sadd.s32 s4, s20  }
0x26: {  	s4 =	smul.u32 $0xFFFFFD85, s2;
	s28 =	sshll.u32 s6, $0x7;
	s5 =	sand.u32 $0xFFFF, s5  }
0x27: {  	s6 =	smul.u32 $0x186C00, s6;
	s31 =	sshll.u32 s22, $0xA;
	s5 =	sshll.u32 s5, $0xA  }
0x28: {  	s22 =	sadd.s32 s31, s3;
	s26 =	sadd.s32 s5, s26;
	s5 =	rddreg [dreg:$0x1]  }
0x29: {  	s31 =	smul.u32 $0x4F6, s30;
	s2 =	sadd.s32 s5, s28;
	s28 =	smin.u32 s1, $0x4CD7  }
0x2a: {  	s3 =	simm.s32 $0x0;
	s6 =	sshrl.u32 s6, $0x3;
	s5 =	sadd.s32 $0x27B, s28  }
0x2b: {  	[smem:$0x7FF] =	sst s3;
	s22 =	sshrl.u32 s22, $0x3;
	p0 =	sge.u32 s7, s5  }
0x2c: {  	s4 =	ssub.s32 s4, s31;
	p6 =	sge.u32 s21, s5;
	s7 =	simm.s32 @!p0 $0x0  }
0x2d: {  	s21 =	sshrl.u32 s8, $0x3;
	s7 =	simm.s32 @p0 $0x1;
	p0 =	sge.u32 s9, s5  }
0x2e: {  	p1 =	sge.u32 s24, s5;
	[smem:$0x7F8] =	sst s7;
	s7 =	simm.s32 @!p0 $0x0  }
0x2f: {  	s24 =	simm.s32 $0x0;
	s7 =	simm.s32 @p0 $0x1;
	p0 =	sge.u32 s13, s5  }
0x30: {  	p2 =	sge.u32 s25, s5;
	[smem:$0x7F9] =	sst s7;
	s9 =	simm.s32 @!p0 $0x0  }
0x31: {  	p3 =	sge.u32 s1, s5;
	s7 =	rddreg [dreg:$0x0];
	s9 =	simm.s32 @p0 $0x1  }
0x32: {  	p0 =	sge.u32 s15, s5;
	s15 =	rddreg [dreg:$0x2];
	s31 =	sadd.s32 s7, s21  }
0x33: {  	s11 =	sadd.s32 s7, s11;
	s12 =	sadd.s32 s7, s12;
	s21 =	sshrl.u32 s20, $0x3  }
0x34: {  	[smem:$0x7FA] =	sst s9;
	s9 =	simm.s32 @!p0 $0x0;
	s8 =	sadd.s32 $0xA00, s15  }
0x35: {  	s15 =	sshrl.u32 s14, $0x3;
	s9 =	simm.s32 @p0 $0x1;
	p0 =	sge.u32 s17, s5  }
0x36: {  	s17 =	sshrl.u32 s16, $0x3;
	s6 =	sadd.s32 s8, s6;
	[smem:$0x7FB] =	sst s9  }
0x37: {  	s13 =	simm.s32 @!p0 $0x0;
	s14 =	sadd.s32 s7, s17;
	s17 =	sadd.s32 s7, s21  }
0x38: {  	s21 =	sadd.s32 $0x30D00, s6;
	s13 =	simm.s32 @p0 $0x1;
	p0 =	sge.u32 s19, s5  }
0x39: {  	s19 =	sshrl.u32 s29, $0x3;
	[smem:$0x7FC] =	sst s13;
	s13 =	simm.s32 @!p0 $0x0  }
0x3a: {  	v0 =	vlaneseq.u32;
	s29 =	sshrl.u32 s26, $0x3;
	s16 =	sadd.s32 s7, s19;
	s13 =	simm.s32 @p0 $0x1  }
.Ltmp0:
0x3b: {  	v1 =	vmul.u32 $0x80, v0;
	v3 =	vor.u32 $0x100, v0;
	v5 =	vor.u32 $0x200, v0;
	s19 =	sadd.s32 s7, s29;
	[smem:$0x7FD] =	sst s13;
	(pc) =	sbr.rel .LBB2_1-.Ltmp0, $4  }
0x3c: {  	v7 =	vor.u32 $0x300, v0;
	v9 =	vor.u32 $0x400, v0;
	v11 =	vor.u32 $0x500, v0;
	s13 =	sadd.s32 s7, s10;
	_ =	strace $0x80000047;
	[dreg:$0x4] =	wrdreg s31  }
0x3d: {  	v13 =	vor.u32 $0x600, v0;
	v15 =	vor.u32 $0x700, v0;
	v2 =	vor.u32 $0x10, v1;
	p0 =	sge.u32 s23, s5;
	s23 =	simm.s32 $0x6000;
	[dreg:$0x5] =	wrdreg s13  }
0x3e: {  	v4 =	vor.u32 $0x20, v1;
	v6 =	vor.u32 $0x30, v1;
	v8 =	vor.u32 $0x40, v1;
	s13 =	sadd.s32 s7, s15;
	s15 =	sadd.s32 s7, s18;
	s31 =	sadd.s32 $0x26F, s28  }
0x3f: {  	v10 =	vor.u32 $0x50, v1;
	v12 =	vor.u32 $0x60, v1;
	v14 =	vor.u32 $0x70, v1;
	s18 =	sadd.s32 s7, s22;
	s22 =	smax.u32 s0, $0x1;
	s20 =	smax.u32 s1, s31  }
.LBB2_7:
0x40: {  	s6 =	smul.u32 $0xC, s25;
	_ =	sdelay $0x1  }
0x41: {  	s0 =	ssub.s32 s0, s6  }
0x42: {  	s0 =	sadd.s32 $0xD, s0  }
0x43: {  	_ =	swait.ge [sflag:s0], $0x800  }
0x44: {  	[sflag:s0] =	ssyncset.done $0x0  }
0x45: {  	[sflag:s0] =	ssyncadd.s32 $0xFFFFF800  }
.LBB2_8:
0x46: {  	s0 =	simm.s32 @!p4 $0x0;
	s6 =	simm.s32 @!p4 $0x6000  }
0x47: {  	[tilespmem:s6], [sflag:$0x19] =	stream.linear.gather @!p4 [hbm4b:s2+s0], $0x80, $0x38;
	[tilespmem:$0xE000] =	vst v63  }
0x48: {  	s9 =	sadd.s32 @!p4 $0x10, s2;
	s25 =	simm.s32 @!p4 $0x6400  }
0x49: {  	[tilespmem:s25], [sflag:$0x19] =	stream.linear.gather @!p4 [hbm4b:s9+s0], $0x80, $0x38;
	[tilespmem:$0xE000] =	vst v63  }
0x4a: {  	s26 =	simm.s32 @!p4 $0x6800;
	s9 =	sadd.s32 @!p4 $0x20, s2  }
0x4b: {  	[tilespmem:s26], [sflag:$0x19] =	stream.linear.gather @!p4 [hbm4b:s9+s0], $0x80, $0x38;
	[tilespmem:$0xE000] =	vst v63  }
0x4c: {  	s28 =	simm.s32 @!p4 $0x6C00;
	s9 =	sadd.s32 @!p4 $0x30, s2  }
0x4d: {  	[tilespmem:s28], [sflag:$0x19] =	stream.linear.gather @!p4 [hbm4b:s9+s0], $0x80, $0x38;
	[tilespmem:$0xE000] =	vst v63  }
0x4e: {  	s29 =	simm.s32 @!p4 $0x7000;
	s9 =	sadd.s32 @!p4 $0x40, s2  }
0x4f: {  	[tilespmem:s29], [sflag:$0x19] =	stream.linear.gather @!p4 [hbm4b:s9+s0], $0x80, $0x38;
	[tilespmem:$0xE000] =	vst v63  }
0x50: {  	s30 =	simm.s32 @!p4 $0x7400;
	s9 =	sadd.s32 @!p4 $0x50, s2  }
0x51: {  	[tilespmem:s30], [sflag:$0x19] =	stream.linear.gather @!p4 [hbm4b:s9+s0], $0x80, $0x38;
	[tilespmem:$0xE000] =	vst v63  }
0x52: {  	s31 =	simm.s32 @!p4 $0x7800;
	s9 =	sadd.s32 @!p4 $0x60, s2  }
0x53: {  	[tilespmem:s31], [sflag:$0x19] =	stream.linear.gather @!p4 [hbm4b:s9+s0], $0x80, $0x38;
	[tilespmem:$0xE000] =	vst v63  }
0x54: {  	s10 =	simm.s32 @!p4 $0x7C00;
	s9 =	sadd.s32 @!p4 $0x70, s2  }
0x55: {  	[tilespmem:s10], [sflag:$0x19] =	stream.linear.gather @!p4 [hbm4b:s9+s0], $0x80, $0x38;
	[tilespmem:$0xE000] =	vst v63  }
0x56: {  	s9 =	simm.s32 @!p4 $0x19  }
0x57: {  	_ =	swait.ge @!p4 [sflag:s9], $0x400  }
0x58: {  	[sflag:s9] =	ssyncset.done @!p4 $0x0  }
0x59: {  	[sflag:s9] =	ssyncadd.s32 @!p4 $0xFFFFFC00  }
0x5a: {  	[hbm4b:s21+s0] =	stream.linear.scatter @!p4 [tilespmem:s6], [sflag:$0x19], $0x80, $0x38;
	[tilespmem:$0xE000] =	vst v63  }
0x5b: {  	s6 =	sadd.s32 @!p4 $0x10, s21  }
0x5c: {  	[hbm4b:s6+s0] =	stream.linear.scatter @!p4 [tilespmem:s25], [sflag:$0x19], $0x80, $0x38;
	[tilespmem:$0xE000] =	vst v63  }
0x5d: {  	s6 =	sadd.s32 @!p4 $0x20, s21  }
0x5e: {  	[hbm4b:s6+s0] =	stream.linear.scatter @!p4 [tilespmem:s26], [sflag:$0x19], $0x80, $0x38;
	[tilespmem:$0xE000] =	vst v63  }
0x5f: {  	s6 =	sadd.s32 @!p4 $0x30, s21  }
0x60: {  	[hbm4b:s6+s0] =	stream.linear.scatter @!p4 [tilespmem:s28], [sflag:$0x19], $0x80, $0x38;
	[tilespmem:$0xE000] =	vst v63  }
0x61: {  	s6 =	sadd.s32 @!p4 $0x40, s21  }
0x62: {  	[hbm4b:s6+s0] =	stream.linear.scatter @!p4 [tilespmem:s29], [sflag:$0x19], $0x80, $0x38;
	[tilespmem:$0xE000] =	vst v63  }
0x63: {  	s24 =	sadd.s32 $0x1, s24;
	s6 =	sadd.s32 @!p4 $0x50, s21  }
0x64: {  	[hbm4b:s6+s0] =	stream.linear.scatter @!p4 [tilespmem:s30], [sflag:$0x19], $0x80, $0x38;
	[tilespmem:$0xE000] =	vst v63  }
0x65: {  	p5 =	sne.s32 s24, s22;
	s6 =	sadd.s32 @!p4 $0x60, s21  }
0x66: {  	[hbm4b:s6+s0] =	stream.linear.scatter @!p4 [tilespmem:s31], [sflag:$0x19], $0x80, $0x38;
	[tilespmem:$0xE000] =	vst v63  }
.Ltmp1:
0x67: {  	s6 =	sadd.s32 @!p4 $0x70, s21;
	(pc) =	sbr.rel @!p5 .LBB2_9-.Ltmp1, $4  }
0x68: {  	[hbm4b:s6+s0] =	stream.linear.scatter @!p4 [tilespmem:s10], [sflag:$0x19], $0x80, $0x38;
	[tilespmem:$0xE000] =	vst v63  }
0x69: {  	_ =	swait.ge @!p4 [sflag:s9], $0x400  }
0x6a: {  	[sflag:s9] =	ssyncset.done @!p4 $0x0  }
0x6b: {  	[sflag:s9] =	ssyncadd.s32 @!p4 $0xFFFFFC00  }
.LBB2_1:
0x6c: {  	s0 =	simm.s32 @!p3 $0x400  }
0x6d: {  	s6 =	simm.s32 @!p3 $0xC3800;
	s25 =	simm.s32 @!p3 $0x0;
	s9 =	rddreg [dreg:$0x4]  }
0x6e: {  	[tilespmem:s25], [sflag:$0x1] =	stream.strided.gather @!p3 [hbm4b:s9+s0], $0x800, s6, s0, $0x38;
	[tilespmem:$0xE000] =	vst v63  }
0x6f: {  	s25 =	sld [smem:$0x7F8];
	_ =	sdelay $0x1  }
0x70: {  	s26 =	sld [smem:$0x7F9]  }
0x71: {  	s9 =	rddreg [dreg:$0x5];
	p5 =	seq.s32 s25, $0x1  }
0x72: {  	s0 =	simm.s32 @!p5 $0x400;
	s6 =	simm.s32 @!p5 $0xC3800;
	s25 =	simm.s32 @!p5 $0x800  }
0x73: {  	[tilespmem:s25], [sflag:$0x2] =	stream.strided.gather @!p5 [hbm4b:s9+s0], $0x800, s6, s0, $0x38;
	[tilespmem:$0xE000] =	vst v63  }
0x74: {  	s28 =	sld [smem:$0x7FA];
	p5 =	seq.s32 s26, $0x1  }
0x75: {  	s0 =	simm.s32 @!p5 $0x400;
	s6 =	simm.s32 @!p5 $0xC3800;
	s25 =	simm.s32 @!p5 $0x1000  }
0x76: {  	[tilespmem:s25], [sflag:$0x3] =	stream.strided.gather @!p5 [hbm4b:s11+s0], $0x800, s6, s0, $0x38;
	[tilespmem:$0xE000] =	vst v63  }
0x77: {  	s29 =	sld [smem:$0x7FB];
	p5 =	seq.s32 s28, $0x1  }
0x78: {  	s0 =	simm.s32 @!p5 $0x400;
	s6 =	simm.s32 @!p5 $0xC3800;
	s25 =	simm.s32 @!p5 $0x1800  }
0x79: {  	[tilespmem:s25], [sflag:$0x4] =	stream.strided.gather @!p5 [hbm4b:s12+s0], $0x800, s6, s0, $0x38;
	[tilespmem:$0xE000] =	vst v63  }
0x7a: {  	s30 =	sld [smem:$0x7FC];
	p5 =	seq.s32 s29, $0x1  }
0x7b: {  	s0 =	simm.s32 @!p5 $0x400;
	s6 =	simm.s32 @!p5 $0xC3800;
	s25 =	simm.s32 @!p5 $0x2000  }
0x7c: {  	[tilespmem:s25], [sflag:$0x5] =	stream.strided.gather @!p5 [hbm4b:s13+s0], $0x800, s6, s0, $0x38;
	[tilespmem:$0xE000] =	vst v63  }
0x7d: {  	s31 =	sld [smem:$0x7FD];
	p5 =	seq.s32 s30, $0x1  }
0x7e: {  	s0 =	simm.s32 @!p5 $0x400;
	s6 =	simm.s32 @!p5 $0xC3800;
	s25 =	simm.s32 @!p5 $0x2800  }
0x7f: {  	[tilespmem:s25], [sflag:$0x6] =	stream.strided.gather @!p5 [hbm4b:s14+s0], $0x800, s6, s0, $0x38;
	[tilespmem:$0xE000] =	vst v63  }
0x80: {  	p5 =	seq.s32 s31, $0x1  }
0x81: {  	s0 =	simm.s32 @!p5 $0x400;
	s6 =	simm.s32 @!p5 $0xC3800;
	s25 =	simm.s32 @!p5 $0x3000  }
0x82: {  	[tilespmem:s25], [sflag:$0x7] =	stream.strided.gather @!p5 [hbm4b:s15+s0], $0x800, s6, s0, $0x38;
	[tilespmem:$0xE000] =	vst v63  }
0x83: {  	s0 =	simm.s32 @!p6 $0x400;
	s6 =	simm.s32 @!p6 $0xC3800;
	s25 =	simm.s32 @!p6 $0x3800  }
0x84: {  	[tilespmem:s25], [sflag:$0x8] =	stream.strided.gather @!p6 [hbm4b:s16+s0], $0x800, s6, s0, $0x38;
	[tilespmem:$0xE000] =	vst v63  }
0x85: {  	s0 =	simm.s32 @!p0 $0x400;
	s6 =	simm.s32 @!p0 $0xC3800;
	s25 =	simm.s32 @!p0 $0x4000  }
0x86: {  	[tilespmem:s25], [sflag:$0x9] =	stream.strided.gather @!p0 [hbm4b:s17+s0], $0x800, s6, s0, $0x38;
	[tilespmem:$0xE000] =	vst v63  }
0x87: {  	s0 =	simm.s32 @!p1 $0x400  }
.Ltmp2:
0x88: {  	s6 =	simm.s32 @!p1 $0xC3800;
	s25 =	simm.s32 @!p1 $0x4800;
	(pc) =	sbr.rel @p3 .LBB2_8-.Ltmp2, $4  }
0x89: {  	[tilespmem:s25], [sflag:$0xA] =	stream.strided.gather @!p1 [hbm4b:s18+s0], $0x800, s6, s0, $0x38;
	[tilespmem:$0xE000] =	vst v63  }
0x8a: {  	s0 =	simm.s32 @!p2 $0x400;
	s6 =	simm.s32 @!p2 $0xC3800;
	s25 =	simm.s32 @!p2 $0x5000  }
0x8b: {  	[tilespmem:s25], [sflag:$0xB] =	stream.strided.gather @!p2 [hbm4b:s19+s0], $0x800, s6, s0, $0x38;
	[tilespmem:$0xE000] =	vst v63  }
0x8c: {  	s25 =	smov.u32 s1  }
.LBB2_2:
0x8d: {  	s26 =	ssub.s32 s25, s1  }
0x8e: {  	s0 =	smulhi.u32 $0xAAAAAAAB, s26;
	_ =	sdelay $0x1  }
0x8f: {  	s0 =	sshrl.u32 s0, $0x3  }
0x90: {  	s0 =	smul.u32 $0xC, s0;
	_ =	sdelay $0x1  }
0x91: {  	s28 =	ssub.s32 s26, s0  }
0x92: {  	v16 =	vmov s28  }
0x93: {  	v17 =	vshll.u32 v16, $0xB;
	v16 =	vshll.u32 v16, $0x7  }
0x94: {  	s10 =	simm.s32 $0x0;
	v18 =	vand.u32 $0x4000, v17;
	v19 =	vand.u32 $0x380, v16  }
0x95: {  	v16 =	vor.u32 v19, v18;
	v17 =	vor.u32 v19, v17;
	v18 =	vadd.s32 s10, v0  }
0x96: {  	v19 =	vand.u32 $0xF, v18;
	v20 =	vor.u32 v2, v18;
	v21 =	vor.u32 v10, v18  }
0x97: {  	v23 =	vshll.u32 v18, $0x7;
	v25 =	vshll.u32 v18, $0x4;
	v28 =	vor.u32 v14, v18  }
0x98: {  	v22 =	vor.u32 v1, v19;
	v24 =	vor.u32 v4, v19;
	v26 =	vor.u32 v8, v19  }
0x99: {  	v27 =	vor.u32 v12, v19;
	v19 =	vshll.u32 v19, $0x4;
	v25 =	vand.u32 $0xF0, v25  }
0x9a: {  	v23 =	vand.u32 $0x400, v23;
	v29 =	vor.u32 v3, v25;
	v30 =	vor.u32 v5, v19  }
0x9b: {  	v31 =	vor.u32 v9, v19;
	v33 =	vor.u32 v7, v25;
	v34 =	vor.u32 v11, v25  }
0x9c: {  	v36 =	vor.u32 v13, v19;
	v25 =	vor.u32 v15, v25;
	v19 =	vor.u32 v0, v19  }
0x9d: {  	s6 =	sadd.s32 $0x1, s28;
	v32 =	vand.u32 $0x7F, v30;
	v35 =	vand.u32 $0x7F, v31;
	v37 =	vand.u32 $0x7F, v29  }
0x9e: {  	_ =	swait.ge [sflag:s6], $0x800;
	v38 =	vshll.u32 v33, $0x3;
	v39 =	vshll.u32 v36, $0x3;
	v30 =	vshll.u32 v30, $0x3  }
0x9f: {  	p5 =	slt.u32 s26, $0xC;
	[sflag:s6] =	ssyncset.done $0x0;
	v36 =	vand.u32 $0x7F, v36;
	v51 =	vand.u32 $0x7F, v25;
	v33 =	vand.u32 $0x7F, v33  }
0xa0: {  	s0 =	sadd.s32 @!p5 $0xD, s28;
	[sflag:s6] =	ssyncadd.s32 $0xFFFFF800;
	v25 =	vshll.u32 v25, $0x3;
	v29 =	vshll.u32 v29, $0x3;
	v31 =	vshll.u32 v31, $0x3  }
0xa1: {  	_ =	swait.ge @!p5 [sflag:s0], $0x800;
	v40 =	vshll.u32 v34, $0x3;
	v34 =	vand.u32 $0x7F, v34;
	v19 =	vand.u32 $0x7F, v19  }
0xa2: {  	[sflag:s0] =	ssyncset.done @!p5 $0x0;
	v39 =	vand.u32 $0x3400, v39;
	v38 =	vand.u32 $0x1C00, v38;
	v29 =	vand.u32 $0xC00, v29  }
0xa3: {  	s29 =	sshll.u32 s28, $0xB;
	[sflag:s0] =	ssyncadd.s32 @!p5 $0xFFFFF800;
	v30 =	vand.u32 $0x1400, v30;
	v31 =	vand.u32 $0x2400, v31;
	v36 =	vor.u32 v39, v36  }
0xa4: {  	v25 =	vand.u32 $0x3C00, v25;
	v31 =	vor.u32 v31, v35;
	v36 =	vor.u32 v16, v36;
	v27 =	vld.idx.msk [tilespmem:v27+s29+$0x0], $0xffff  }
0xa5: {  	v52 =	vand.u32 $0x2C00, v40;
	v30 =	vor.u32 v30, v32;
	v31 =	vor.u32 v16, v31;
	v26 =	vld.idx.msk [tilespmem:v26+s29+$0x0], $0xffff  }
0xa6: {  	v19 =	vor.u32 v19, v23;
	v32 =	vor.u32 v52, v34;
	v30 =	vor.u32 v16, v30;
	v24 =	vld.idx.msk [tilespmem:v24+s29+$0x0], $0xffff  }
0xa7: {  	v23 =	vor.u32 v6, v18;
	v18 =	vor.u32 v38, v33;
	v21 =	vld.idx.msk [tilespmem:v21+s29+$0x0], $0xffff;
	v32 =	vor.u32 v16, v32  }
0xa8: {  	s9 =	simm.s32 $0x1;
	v53 =	vld.idx.msk [tilespmem:v20+s29+$0x0], $0xffff;
	v19 =	vor.u32 v16, v19;
	v20 =	vor.u32 v29, v37;
	v25 =	vor.u32 v25, v51  }
0xa9: {  	v29 =	vor.u32 v16, v20;
	v54 =	vor.u32 v17, v25;
	v20 =	vadd.s32 s9, v0;
	[tilespmem:v36+s23+$0x0] =	vst.idx.msk $0xffff, v27  }
0xaa: {  	v22 =	vld.idx.msk [tilespmem:v22+s29+$0x0], $0xffff;
	v55 =	vor.u32 v16, v18;
	v18 =	vshll.u32 v20, $0x7;
	v27 =	vand.u32 $0xF, v20;
	[tilespmem:v31+s23+$0x0] =	vst.idx.msk $0xffff, v26  }
0xab: {  	v25 =	vand.u32 $0x400, v18;
	[tilespmem:v30+s23+$0x0] =	vst.idx.msk $0xffff, v24;
	v18 =	vor.u32 v8, v27;
	v26 =	vor.u32 v14, v27  }
0xac: {  	[tilespmem:v32+s23+$0x0] =	vst.idx.msk $0xffff, v21;
	v30 =	vor.u32 v1, v27;
	v24 =	vshll.u32 v27, $0x4;
	v20 =	vor.u32 v12, v27  }
0xad: {  	v56 =	vor.u32 v4, v27;
	v57 =	vor.u32 v10, v27;
	v58 =	vor.u32 v2, v27  }
0xae: {  	v31 =	vor.u32 v3, v24;
	v21 =	vor.u32 v0, v24;
	v34 =	vor.u32 v7, v24  }
0xaf: {  	v60 =	vld.idx.msk [tilespmem:v28+s29+$0x0], $0xffff;
	[tilespmem:v19+s23+$0x0] =	vst.idx.msk $0xffff, v22;
	v32 =	vor.u32 v13, v24;
	v59 =	vshll.u32 v31, $0x3;
	v19 =	vand.u32 $0x7F, v21  }
0xb0: {  	s10 =	smulhi.u32 $0x14FA6D7B, s25;
	v41 =	vld.idx.msk [tilespmem:v23+s29+$0x0], $0xffff;
	v21 =	vand.u32 $0x7F, v31;
	v31 =	vor.u32 v5, v24;
	v19 =	vor.u32 v19, v25  }
0xb1: {  	[tilespmem:v29+s23+$0x0] =	vst.idx.msk $0xffff, v53;
	v22 =	vand.u32 $0xC00, v59;
	v25 =	vand.u32 $0x7F, v31;
	v36 =	vshll.u32 v31, $0x3;
	v23 =	vld.idx.msk [tilespmem:v26+s29+$0x0], $0xffff  }
0xb2: {  	s30 =	sshrl.u32 s10, $0x6;
	v29 =	vor.u32 v16, v19;
	v21 =	vor.u32 v22, v21;
	v26 =	vor.u32 v15, v24;
	v30 =	vld.idx.msk [tilespmem:v30+s29+$0x0], $0xffff  }
0xb3: {  	s0 =	smul.u32 $0x30D, s30;
	v22 =	vor.u32 v6, v27;
	v27 =	vor.u32 v11, v24;
	v19 =	vld.idx.msk [tilespmem:v57+s29+$0x0], $0xffff;
	v61 =	vshll.u32 v26, $0x3  }
0xb4: {  	[tilespmem:v54+s23+$0x0] =	vst.idx.msk $0xffff, v60;
	v28 =	vor.u32 v16, v21;
	v21 =	vld.idx.msk [tilespmem:v56+s29+$0x0], $0xffff;
	v62 =	vand.u32 $0x7F, v26;
	v63 =	vand.u32 $0x3C00, v61  }
0xb5: {  	s6 =	simm.s32 $0x0;
	s31 =	ssub.s32 s25, s0;
	s0 =	simm.s32 $0x3;
	[tilespmem:v55+s23+$0x0] =	vst.idx.msk $0xffff, v41;
	v33 =	vld.idx.msk [tilespmem:v58+s29+$0x0], $0xffff;
	v31 =	vshll.u32 v27, $0x3;
	v26 =	vand.u32 $0x7F, v34;
	v35 =	vor.u32 v63, v62  }
.LBB2_3:
0xb6: {  	s9 =	sadd.s32 $0xFFFFFFFF, s0;
	s6 =	sadd.s32 $0x10, s6;
	v36 =	vand.u32 $0x1400, v36;
	v34 =	vshll.u32 v34, $0x3;
	v37 =	vand.u32 $0x7F, v32  }
0xb7: {  	v24 =	vor.u32 v9, v24;
	v38 =	vadd.s32 s9, v0;
	p5 =	slt.u32 s6, $0x70;
	[tilespmem:v29+s23+$0x0] =	vst.idx.msk $0xffff, v30;
	v29 =	vor.u32 v17, v35  }
0xb8: {  	v30 =	vand.u32 $0xF, v38;
	v35 =	vor.u32 v2, v38;
	v39 =	vor.u32 v10, v38  }
0xb9: {  	v41 =	vshll.u32 v38, $0x7;
	v40 =	vor.u32 v1, v30;
	v42 =	vor.u32 v4, v30  }
0xba: {  	v25 =	vor.u32 v36, v25;
	v43 =	vshll.u32 v38, $0x4;
	v44 =	vor.u32 v8, v30;
	[tilespmem:v28+s23+$0x0] =	vst.idx.msk $0xffff, v33  }
0xbb: {  	v32 =	vshll.u32 v32, $0x3;
	v28 =	vand.u32 $0x1C00, v34;
	v33 =	vshll.u32 v24, $0x3  }
0xbc: {  	v32 =	vand.u32 $0x3400, v32;
	v24 =	vand.u32 $0x7F, v24;
	v33 =	vand.u32 $0x2400, v33;
	[tilespmem:v29+s23+$0x0] =	vst.idx.msk $0xffff, v23  }
0xbd: {  	v23 =	vor.u32 v28, v26;
	v24 =	vor.u32 v33, v24;
	v26 =	vor.u32 v32, v37  }
0xbe: {  	v25 =	vor.u32 v16, v25;
	v23 =	vor.u32 v16, v23;
	v24 =	vor.u32 v16, v24;
	v20 =	vld.idx.msk [tilespmem:v20+s29+$0x0], $0xffff  }
0xbf: {  	v27 =	vand.u32 $0x7F, v27;
	v28 =	vand.u32 $0x2C00, v31;
	v26 =	vor.u32 v16, v26;
	v18 =	vld.idx.msk [tilespmem:v18+s29+$0x0], $0xffff  }
0xc0: {  	v29 =	vor.u32 v12, v30;
	v31 =	vor.u32 v14, v38;
	v27 =	vor.u32 v28, v27;
	v22 =	vld.idx.msk [tilespmem:v22+s29+$0x0], $0xffff  }
0xc1: {  	v28 =	vshll.u32 v30, $0x4;
	v30 =	vand.u32 $0xF0, v43;
	v27 =	vor.u32 v16, v27  }
0xc2: {  	v32 =	vor.u32 v3, v30;
	v33 =	vor.u32 v5, v28;
	v34 =	vor.u32 v9, v28  }
0xc3: {  	v37 =	vor.u32 v7, v30;
	v43 =	vor.u32 v11, v30;
	v36 =	vand.u32 $0x7F, v33;
	[tilespmem:v25+s23+$0x0] =	vst.idx.msk $0xffff, v21  }
0xc4: {  	v30 =	vor.u32 v15, v30;
	v21 =	vand.u32 $0x7F, v34;
	v25 =	vor.u32 v13, v28;
	[tilespmem:v26+s23+$0x0] =	vst.idx.msk $0xffff, v20  }
0xc5: {  	v20 =	vand.u32 $0x7F, v32;
	v26 =	vshll.u32 v37, $0x3;
	v45 =	vshll.u32 v25, $0x3;
	[tilespmem:v24+s23+$0x0] =	vst.idx.msk $0xffff, v18  }
0xc6: {  	v18 =	vshll.u32 v33, $0x3;
	v24 =	vand.u32 $0x7F, v25;
	v25 =	vand.u32 $0x3400, v45;
	[tilespmem:v27+s23+$0x0] =	vst.idx.msk $0xffff, v19  }
0xc7: {  	v19 =	vand.u32 $0x1C00, v26;
	v24 =	vor.u32 v25, v24;
	v25 =	vand.u32 $0x7F, v30;
	[tilespmem:v23+s23+$0x0] =	vst.idx.msk $0xffff, v22  }
0xc8: {  	v26 =	vshll.u32 v30, $0x3;
	v22 =	vand.u32 $0x7F, v37;
	v24 =	vor.u32 v16, v24;
	v23 =	vld.idx.msk [tilespmem:v29+s29+$0x0], $0xffff  }
0xc9: {  	v27 =	vshll.u32 v32, $0x3;
	v30 =	vshll.u32 v43, $0x3;
	v29 =	vshll.u32 v34, $0x3  }
0xca: {  	v18 =	vand.u32 $0x1400, v18;
	v27 =	vand.u32 $0xC00, v27;
	v29 =	vand.u32 $0x2400, v29;
	v32 =	vld.idx.msk [tilespmem:v35+s29+$0x0], $0xffff  }
0xcb: {  	v26 =	vand.u32 $0x3C00, v26;
	v21 =	vor.u32 v29, v21;
	v29 =	vand.u32 $0x7F, v43;
	v33 =	vld.idx.msk [tilespmem:v44+s29+$0x0], $0xffff  }
0xcc: {  	v18 =	vor.u32 v18, v36;
	v30 =	vand.u32 $0x2C00, v30;
	v21 =	vor.u32 v16, v21;
	v34 =	vld.idx.msk [tilespmem:v42+s29+$0x0], $0xffff  }
0xcd: {  	v28 =	vor.u32 v0, v28;
	v18 =	vor.u32 v16, v18;
	v29 =	vor.u32 v30, v29;
	v35 =	vld.idx.msk [tilespmem:v39+s29+$0x0], $0xffff  }
0xce: {  	v28 =	vand.u32 $0x7F, v28;
	v30 =	vand.u32 $0x400, v41;
	v29 =	vor.u32 v16, v29;
	[tilespmem:v24+s23+$0x0] =	vst.idx.msk $0xffff, v23  }
0xcf: {  	v19 =	vor.u32 v19, v22;
	v23 =	vor.u32 v28, v30;
	v28 =	vor.u32 v6, v38  }
0xd0: {  	v20 =	vor.u32 v27, v20;
	v24 =	vor.u32 v26, v25;
	v23 =	vor.u32 v16, v23;
	v22 =	vld.idx.msk [tilespmem:v40+s29+$0x0], $0xffff  }
0xd1: {  	v25 =	vor.u32 v16, v20;
	v20 =	vadd.s32 s0, v0;
	[tilespmem:v21+s23+$0x0] =	vst.idx.msk $0xffff, v33;
	v21 =	vor.u32 v17, v24  }
0xd2: {  	v26 =	vor.u32 v16, v19;
	v27 =	vand.u32 $0xF, v20;
	[tilespmem:v18+s23+$0x0] =	vst.idx.msk $0xffff, v34;
	v19 =	vld.idx.msk [tilespmem:v31+s29+$0x0], $0xffff;
	v18 =	vshll.u32 v20, $0x7  }
0xd3: {  	v30 =	vor.u32 v14, v27;
	[tilespmem:v29+s23+$0x0] =	vst.idx.msk $0xffff, v35;
	v29 =	vand.u32 $0x400, v18;
	v18 =	vor.u32 v8, v27  }
0xd4: {  	v24 =	vshll.u32 v27, $0x4;
	v31 =	vor.u32 v1, v27;
	v20 =	vor.u32 v12, v27  }
0xd5: {  	v36 =	vor.u32 v10, v27;
	v35 =	vor.u32 v4, v27;
	v33 =	vld.idx.msk [tilespmem:v28+s29+$0x0], $0xffff;
	v28 =	vor.u32 v3, v24  }
0xd6: {  	v37 =	vor.u32 v2, v27;
	[tilespmem:v23+s23+$0x0] =	vst.idx.msk $0xffff, v22;
	v22 =	vor.u32 v0, v24;
	v23 =	vshll.u32 v28, $0x3  }
0xd7: {  	v38 =	vor.u32 v5, v24;
	v28 =	vand.u32 $0x7F, v28;
	[tilespmem:v25+s23+$0x0] =	vst.idx.msk $0xffff, v32;
	v22 =	vand.u32 $0x7F, v22  }
0xd8: {  	v25 =	vand.u32 $0x7F, v38;
	[tilespmem:v21+s23+$0x0] =	vst.idx.msk $0xffff, v19;
	v19 =	vor.u32 v22, v29;
	v21 =	vand.u32 $0xC00, v23;
	v23 =	vld.idx.msk [tilespmem:v30+s29+$0x0], $0xffff  }
.Ltmp3:
0xd9: {  	v34 =	vor.u32 v7, v24;
	v30 =	vld.idx.msk [tilespmem:v31+s29+$0x0], $0xffff;
	v29 =	vor.u32 v16, v19;
	v31 =	vor.u32 v15, v24;
	(pc) =	sbr.rel @p5 .LBB2_3-.Ltmp3, $4  }
0xda: {  	v22 =	vor.u32 v6, v27;
	v21 =	vor.u32 v21, v28;
	v19 =	vld.idx.msk [tilespmem:v36+s29+$0x0], $0xffff;
	v36 =	vshll.u32 v31, $0x3  }
0xdb: {  	v32 =	vor.u32 v13, v24;
	v28 =	vor.u32 v16, v21;
	v21 =	vld.idx.msk [tilespmem:v35+s29+$0x0], $0xffff;
	v35 =	vand.u32 $0x7F, v31  }
0xdc: {  	v27 =	vor.u32 v11, v24;
	[tilespmem:v26+s23+$0x0] =	vst.idx.msk $0xffff, v33;
	v33 =	vld.idx.msk [tilespmem:v37+s29+$0x0], $0xffff;
	v26 =	vand.u32 $0x7F, v34;
	v37 =	vand.u32 $0x3C00, v36  }
0xdd: {  	s0 =	sadd.s32 $0x2, s0;
	v31 =	vshll.u32 v27, $0x3;
	v36 =	vshll.u32 v38, $0x3;
	v35 =	vor.u32 v37, v35  }
0xde: {  	v36 =	vand.u32 $0x1400, v36;
	v34 =	vshll.u32 v34, $0x3  }
0xdf: {  	v37 =	vand.u32 $0x7F, v32;
	v24 =	vor.u32 v9, v24;
	v17 =	vor.u32 v17, v35  }
0xe0: {  	v60 =	vshll.u32 v32, $0x3;
	v27 =	vand.u32 $0x7F, v27;
	v61 =	vand.u32 $0x2C00, v31  }
0xe1: {  	v25 =	vor.u32 v36, v25;
	v59 =	vshll.u32 v24, $0x3;
	v24 =	vand.u32 $0x7F, v24  }
0xe2: {  	v32 =	vand.u32 $0x3400, v60;
	v27 =	vor.u32 v61, v27;
	v25 =	vor.u32 v16, v25  }
0xe3: {  	[tilespmem:v29+s23+$0x0] =	vst.idx.msk $0xffff, v30;
	v35 =	vand.u32 $0x2400, v59;
	v32 =	vor.u32 v32, v37;
	v27 =	vor.u32 v16, v27  }
0xe4: {  	v20 =	vld.idx.msk [tilespmem:v20+s29+$0x0], $0xffff;
	v63 =	vand.u32 $0x1C00, v34;
	v24 =	vor.u32 v35, v24;
	v62 =	vor.u32 v16, v32  }
0xe5: {  	v18 =	vld.idx.msk [tilespmem:v18+s29+$0x0], $0xffff;
	v26 =	vor.u32 v63, v26;
	[tilespmem:v28+s23+$0x0] =	vst.idx.msk $0xffff, v33;
	v24 =	vor.u32 v16, v24  }
0xe6: {  	v16 =	vor.u32 v16, v26;
	[tilespmem:v17+s23+$0x0] =	vst.idx.msk $0xffff, v23;
	v17 =	vld.idx.msk [tilespmem:v22+s29+$0x0], $0xffff  }
0xe7: {  	s0 =	smul.u32 $0x30D80, s30;
	[tilespmem:v25+s23+$0x0] =	vst.idx.msk $0xffff, v21  }
0xe8: {  	s6 =	sshll.u32 s31, $0x8;
	s9 =	sshll.u32 s28, $0x7;
	[tilespmem:v27+s23+$0x0] =	vst.idx.msk $0xffff, v19  }
0xe9: {  	s9 =	sand.u32 $0x380, s9;
	s0 =	sadd.s32 s0, s6;
	s29 =	sand.u32 $0x4000, s29;
	[tilespmem:v62+s23+$0x0] =	vst.idx.msk $0xffff, v20  }
0xea: {  	s0 =	sand.u32 $0x1FFFFF80, s0;
	s6 =	sor.u32 s9, s29;
	[tilespmem:v24+s23+$0x0] =	vst.idx.msk $0xffff, v18  }
0xeb: {  	s0 =	sadd.s32 s8, s0;
	s9 =	sadd.s32 $0xD, s28;
	s30 =	sadd.s32 $0x6000, s6;
	[tilespmem:v16+s23+$0x0] =	vst.idx.msk $0xffff, v17  }
0xec: {  	[hbm4b:s0+s3] =	stream.linear.scatter [tilespmem:s30], [sflag:s9], $0x80, $0x38;
	[tilespmem:$0xE000] =	vst v63  }
0xed: {  	s10 =	sadd.s32 $0x10, s0;
	s31 =	sadd.s32 $0x6400, s6  }
0xee: {  	[hbm4b:s10+s3] =	stream.linear.scatter [tilespmem:s31], [sflag:s9], $0x80, $0x38;
	[tilespmem:$0xE000] =	vst v63  }
0xef: {  	s30 =	sadd.s32 $0x6800, s6;
	s31 =	sadd.s32 $0x20, s0  }
0xf0: {  	[hbm4b:s31+s3] =	stream.linear.scatter [tilespmem:s30], [sflag:s9], $0x80, $0x38;
	[tilespmem:$0xE000] =	vst v63  }
0xf1: {  	s10 =	sadd.s32 $0x6C00, s6;
	s30 =	sadd.s32 $0x30, s0  }
0xf2: {  	[hbm4b:s30+s3] =	stream.linear.scatter [tilespmem:s10], [sflag:s9], $0x80, $0x38;
	[tilespmem:$0xE000] =	vst v63  }
0xf3: {  	s31 =	sadd.s32 $0x7000, s6;
	s10 =	sadd.s32 $0x40, s0  }
0xf4: {  	[hbm4b:s10+s3] =	stream.linear.scatter [tilespmem:s31], [sflag:s9], $0x80, $0x38;
	[tilespmem:$0xE000] =	vst v63  }
0xf5: {  	s30 =	sadd.s32 $0x7400, s6;
	s31 =	sadd.s32 $0x50, s0  }
0xf6: {  	[hbm4b:s31+s3] =	stream.linear.scatter [tilespmem:s30], [sflag:s9], $0x80, $0x38;
	[tilespmem:$0xE000] =	vst v63  }
0xf7: {  	s10 =	sadd.s32 $0x7800, s6;
	s30 =	sadd.s32 $0x60, s0  }
0xf8: {  	[hbm4b:s30+s3] =	stream.linear.scatter [tilespmem:s10], [sflag:s9], $0x80, $0x38;
	[tilespmem:$0xE000] =	vst v63  }
0xf9: {  	s31 =	sadd.s32 $0x7C00, s6;
	s10 =	sadd.s32 $0x70, s0  }
0xfa: {  	[hbm4b:s10+s3] =	stream.linear.scatter [tilespmem:s31], [sflag:s9], $0x80, $0x38;
	[tilespmem:$0xE000] =	vst v63  }
0xfb: {  	s30 =	sor.u32 $0x8000, s6;
	s31 =	sadd.s32 $0x80, s0  }
0xfc: {  	[hbm4b:s31+s3] =	stream.linear.scatter [tilespmem:s30], [sflag:s9], $0x80, $0x38;
	[tilespmem:$0xE000] =	vst v63  }
0xfd: {  	s10 =	sor.u32 $0x8400, s6;
	s30 =	sadd.s32 $0x90, s0  }
0xfe: {  	[hbm4b:s30+s3] =	stream.linear.scatter [tilespmem:s10], [sflag:s9], $0x80, $0x38;
	[tilespmem:$0xE000] =	vst v63  }
0xff: {  	s31 =	sor.u32 $0x8800, s6;
	s10 =	sadd.s32 $0xA0, s0  }
0x100: {  	[hbm4b:s10+s3] =	stream.linear.scatter [tilespmem:s31], [sflag:s9], $0x80, $0x38;
	[tilespmem:$0xE000] =	vst v63  }
0x101: {  	s30 =	sor.u32 $0x8C00, s6;
	s31 =	sadd.s32 $0xB0, s0  }
0x102: {  	[hbm4b:s31+s3] =	stream.linear.scatter [tilespmem:s30], [sflag:s9], $0x80, $0x38;
	[tilespmem:$0xE000] =	vst v63  }
0x103: {  	s10 =	sor.u32 $0x9000, s6;
	s30 =	sadd.s32 $0xC0, s0  }
0x104: {  	[hbm4b:s30+s3] =	stream.linear.scatter [tilespmem:s10], [sflag:s9], $0x80, $0x38;
	[tilespmem:$0xE000] =	vst v63  }
0x105: {  	s31 =	sor.u32 $0x9400, s6;
	s10 =	sadd.s32 $0xD0, s0  }
0x106: {  	[hbm4b:s10+s3] =	stream.linear.scatter [tilespmem:s31], [sflag:s9], $0x80, $0x38;
	[tilespmem:$0xE000] =	vst v63  }
0x107: {  	s30 =	sor.u32 $0x9800, s6;
	s31 =	sadd.s32 $0xE0, s0  }
0x108: {  	[hbm4b:s31+s3] =	stream.linear.scatter [tilespmem:s30], [sflag:s9], $0x80, $0x38;
	[tilespmem:$0xE000] =	vst v63  }
0x109: {  	s6 =	sor.u32 $0x9C00, s6;
	s0 =	sadd.s32 $0xF0, s0  }
0x10a: {  	[hbm4b:s0+s3] =	stream.linear.scatter [tilespmem:s6], [sflag:s9], $0x80, $0x38;
	[tilespmem:$0xE000] =	vst v63  }
0x10b: {  	s0 =	sadd.s32 $0xB, s25  }
0x10c: {  	p5 =	sge.u32 s0, s5  }
0x10d: {  	s6 =	smulhi.u32 @!p5 $0x14FA6D7B, s0  }
0x10e: {  	s9 =	sadd.s32 @!p5 $0xB, s26  }
0x10f: {  	s26 =	smulhi.u32 @!p5 $0xAAAAAAAB, s9;
	s6 =	sshrl.u32 @!p5 s6, $0x6  }
0x110: {  	s28 =	smul.u32 @!p5 $0x30D, s6;
	_ =	sdelay $0x1  }
0x111: {  	s6 =	smul.u32 @!p5 $0x187000, s6;
	s26 =	sshrl.u32 @!p5 s26, $0x3;
	s0 =	ssub.s32 @!p5 s0, s28  }
0x112: {  	s26 =	smul.u32 @!p5 $0xC, s26;
	s0 =	sshll.u32 @!p5 s0, $0xA  }
0x113: {  	s25 =	sadd.s32 $0x1, s25;
	s28 =	simm.s32 @!p5 $0xC3800;
	s0 =	sadd.s32 @!p5 s0, s6  }
0x114: {  	s6 =	ssub.s32 @!p5 s9, s26;
	s26 =	simm.s32 @!p5 $0x400;
	s0 =	sshrl.u32 @!p5 s0, $0x3  }
0x115: {  	s9 =	sshll.u32 @!p5 s6, $0xB;
	s6 =	sadd.s32 @!p5 $0x1, s6;
	s0 =	sadd.s32 @!p5 s7, s0  }
0x116: {  	[tilespmem:s9], [sflag:s6] =	stream.strided.gather @!p5 [hbm4b:s0+s26], $0x800, s28, s26, $0x38;
	[tilespmem:$0xE000] =	vst v63  }
0x117: {  	p5 =	slt.u32 s25, s5  }
.Ltmp4:
0x118: {  	_ = 	snop;
	(pc) =	sbr.rel @p5 .LBB2_2-.Ltmp4, $1  }
0x119: {  	_ =	sdelay $0x3  }
0x11a: {  	s0 =	sadd.s32 s20, s4  }
0x11b: {  	s6 =	sshra.s32 s0, $0x1F  }
0x11c: {  	s25 =	smul.u32 $0x2AAAAAAB, s6;
	s6 =	sadd.s32 $0x1, s20  }
0x11d: {  	s9 =	smulhi.u32 $0x2AAAAAAB, s0;
	p5 =	slt.u32 s6, s5  }
.Ltmp5:
0x11e: {  	_ = 	snop;
	(pc) =	sbr.rel @!p5 .LBB2_7-.Ltmp5, $4  }
0x11f: {  	_ = 	snop  }
0x120: {  	s9 =	sadd.s32 s25, s9  }
0x121: {  	s25 =	sshrl.u32 s9, $0x1F;
	s9 =	sshrl.u32 s9, $0x1  }
0x122: {  	s25 =	sadd.s32 s25, s9  }
.LBB2_6:
0x123: {  	s9 =	sadd.s32 s6, s4;
	s25 =	smul.u32 $0xC, s25  }
0x124: {  	s6 =	sadd.s32 $0x1, s6;
	s26 =	smulhi.u32 $0x2AAAAAAB, s9;
	s28 =	sshra.s32 s9, $0x1F  }
0x125: {  	p5 =	slt.u32 s6, s5;
	s28 =	smul.u32 $0x2AAAAAAB, s28  }
.Ltmp6:
0x126: {  	s0 =	ssub.s32 s0, s25;
	(pc) =	sbr.rel @p5 .LBB2_6-.Ltmp6, $4  }
0x127: {  	s29 =	sadd.s32 $0xD, s0;
	s0 =	smov.u32 s9  }
0x128: {  	s9 =	sadd.s32 s28, s26;
	_ =	swait.ge [sflag:s29], $0x800  }
0x129: {  	s25 =	sshrl.u32 s9, $0x1F;
	s9 =	sshrl.u32 s9, $0x1;
	[sflag:s29] =	ssyncset.done $0x0  }
0x12a: {  	s25 =	sadd.s32 s25, s9;
	[sflag:s29] =	ssyncadd.s32 $0xFFFFF800  }
.Ltmp7:
0x12b: {  	_ = 	snop;
	(pc) =	sbr.rel .LBB2_7-.Ltmp7, $1  }
0x12c: {  	_ =	sdelay $0x3  }
.LBB2_9:
0x12d: {  	_ =	sfence.sel $0x180000  }
0x12e: {  	[bflag:$0x0] =	sbarrier.arrive $0xFFFF  }
0x12f: {  	_ =	strace $0x90000047  }
0x130: {  	s0 =	stileid.u32;
	[bflag:$0x2] =	sbarrier.arrive $0xFFFF  }
0x131: {  	p0 =	sne.s32 s0, $0x0;
	s0 =	rddreg [dreg:$0x3]  }
0x132: {  	s0 =	sadd.s32 @!p0 $0x100000, s0  }
0x133: {  	[sflag:s0] =	ssyncadd.tile.s32 @!p0 $0x1;
	_ =	shalt  }
.Lfunc_end2:
_tile_overlayer_lowered:
.L_overlay_start_2:
0x134: {  	(tag) =	ssettag $0x2  }
0x135: {  	s0 =	rddreg [dreg:$0x0];
	s2 =	stileid.u32  }
0x136: {  	s1 =	rddreg [dreg:$0x1];
	p0 =	sne.s32 s2, $0x0  }
0x137: {  	s3 =	rddreg [dreg:$0x2];
	[bflag:$0x3] =	sbarrier.arrive $0xFFFF;
	s2 =	simm.s32 @!p0 $0x1C19  }
0x138: {  	[timem:s3], [sflag:s2] =	dma.local @!p0 [hbm:s0], s1  }
0x139: {  	s0 =	simm.s32 @!p0 $0x19  }
0x13a: {  	_ =	swait.ge @!p0 [sflag:s0], s1  }
0x13b: {  	s1 =	ssub.s32 @!p0 $0x0, s1;
	[sflag:s0] =	ssyncset.done @!p0 $0x0  }
0x13c: {  	[sflag:s0] =	ssyncadd.s32 @!p0 s1  }
0x13d: {  	[bflag:$0x3] =	sbarrier.arrive $0xFFFF  }
0x13e: {  	_ =	shalt  }

// kernel: kernel.7.cloned.1.call-start
scs
__scs_entry_jumppad:
0x0: {  	(pc) =	sbr.rel $0x88, $3  }
0x1: {  	(tag) =	ssettag $0x0;
	lr =	simm.s32 $0x1  }
0x2: {  	[smem:$0x3F9F] =	sst lr;
	_ =	strace $0xD0000000  }
0x3: {  	_ = 	snop  }
0x4: {  	_ = 	snop  }
0x5: {  	_ = 	snop  }
0x6: {  	_ = 	snop  }
0x7: {  	_ = 	snop  }
__scs_overlays_trampoline_lowered:
0x8: {  	[smem:$0x3FAE] =	sst s0  }
0x9: {  	[smem:$0x3FAF] =	sst s1  }
0xa: {  	[smem:$0x3FB0] =	sst s2  }
0xb: {  	[smem:$0x3FB1] =	sst s3  }
0xc: {  	[smem:$0x3FB2] =	sst s4  }
0xd: {  	[smem:$0x3FB3] =	sst s5  }
0xe: {  	[smem:$0x3FB4] =	sst s6  }
0xf: {  	[smem:$0x3FB5] =	sst s7  }
0x10: {  	[smem:$0x3FB6] =	sst s8  }
0x11: {  	[smem:$0x3FB7] =	sst s9;
	s0 =	simm.s32 @!p0 $0x0  }
0x12: {  	s1 =	sld [smem:$0x3F9D];
	s0 =	simm.s32 @p0 $0x1  }
0x13: {  	[smem:$0x3FB8] =	sst s0;
	s0 =	simm.s32 @!p1 $0x0  }
0x14: {  	s2 =	sld [smem:$0x3F9C];
	s0 =	simm.s32 @p1 $0x1  }
0x15: {  	[smem:$0x3FB9] =	sst s0;
	s0 =	simm.s32 @!p2 $0x0  }
0x16: {  	s3 =	sld [smem:$0x3FDB];
	s0 =	simm.s32 @p2 $0x1  }
0x17: {  	s4 =	simm.s32 $0x1BF5;
	[smem:$0x3FBB] =	sst s0  }
0x18: {  	s0 =	sld [smem:$0x3F9E];
	_ =	swait.ge [sflag:s4], $0x0  }
0x19: {  	s7 =	sld [smem:$0x3F9F]  }
0x1a: {  	s8 =	sadd.s32 $0xFFFFE003, lr  }
0x1b: {  	s9 =	sadd.s32 $0xFFFFFEF7, lr;
	s5 =	simm.s32 $0xFFFFFFFF;
	p2 =	slt.u32 s8, $0xFFFFF086  }
0x1c: {  	p1 =	slt.u32 s9, $0xF7A;
	s5 =	simm.s32 @!p2 $0x0  }
0x1d: {  	s5 =	simm.s32 @p1 $0x1;
	p0 =	seq.s32 s7, s2  }
0x1e: {  	s7 =	smul.u32 @!p0 $0xF7A, s2;
	p2 =	seq.s32 @!p0 s5, $0x0  }
0x1f: {  	s9 =	smul.u32 $0xF7A, s1;
	s8 =	simm.s32 @!p0 $0x1BF5;
	p2 =	por !p2, p0  }
0x20: {  	[sflag:s8] =	ssyncset.s32 @!p0 $0xFFFFF086;
	s6 =	sadd.s32 @!p0 s3, s7;
	s7 =	simm.s32 @!p0 $0x108  }
0x21: {  	s3 =	sadd.s32 s3, s9;
	s6 =	sadd.s32 @!p0 $0x88, s6;
	s7 =	simm.s32 @p2 $0x1082  }
0x22: {  	[simem:s7], [sflag:s8] =	dma.local @!p0 [hbm:s6], $0xF7A  }
0x23: {  	s9 =	sor.u32 $0xD0000000, s2;
	s6 =	simm.s32 $0x108;
	_ =	swait.ge @!p0 [sflag:s8], $0x0  }
0x24: {  	s3 =	sadd.s32 $0x88, s3;
	s6 =	simm.s32 @!p1 $0x1082;
	[sflag:s4] =	ssyncset.s32 $0xFFFFF086  }
0x25: {  	[simem:s6], [sflag:s4] =	dma.local [hbm:s3], $0xF7A  }
0x26: {  	[smem:$0x3F9F] =	sst s1;
	(tag) =	ssettag s2;
	_ =	strace s9  }
0x27: {  	s1 =	sld [smem:$0x3FAF]  }
0x28: {  	s2 =	sld [smem:$0x3FB0]  }
0x29: {  	s4 =	sld [smem:$0x3FB2]  }
0x2a: {  	p0 =	seq.s32 s5, $0x0;
	s5 =	sld [smem:$0x3FB3]  }
0x2b: {  	s6 =	sld [smem:$0x3FB4]  }
0x2c: {  	s7 =	sld [smem:$0x3FB5]  }
0x2d: {  	s3 =	simm.s32 $0x108;
	s8 =	sld [smem:$0x3FB6]  }
0x2e: {  	s3 =	simm.s32 @!p0 $0x1082;
	s9 =	sld [smem:$0x3FB7]  }
0x2f: {  	lr =	sadd.s32 s0, s3;
	s0 =	sld [smem:$0x3FAE]  }
0x30: {  	s3 =	sld [smem:$0x3FB1]  }
0x31: {  	[smem:$0x3FBA] =	sst s10  }
0x32: {  	s10 =	sld [smem:$0x3FB8];
	_ =	sdelay $0x3  }
0x33: {  	p0 =	seq.s32 s10, $0x1;
	s10 =	sld [smem:$0x3FBA];
	_ =	sdelay $0x3  }
0x34: {  	[smem:$0x3FBA] =	sst s10  }
0x35: {  	s10 =	sld [smem:$0x3FB9];
	_ =	sdelay $0x3  }
0x36: {  	p1 =	seq.s32 s10, $0x1;
	s10 =	sld [smem:$0x3FBA];
	_ =	sdelay $0x3  }
0x37: {  	[smem:$0x3FBA] =	sst s10  }
0x38: {  	s10 =	sld [smem:$0x3FBB]  }
0x39: {  	_ = 	snop;
	(pc) =	sbr.ind lr, $3  }
0x3a: {  	_ = 	snop  }
0x3b: {  	_ = 	snop  }
0x3c: {  	p2 =	seq.s32 s10, $0x1;
	s10 =	sld [smem:$0x3FBA]  }
0x3d: {  	_ =	shalt  }
0x3e: {  	_ =	shalt  }
0x3f: {  	_ =	shalt  }
0x40: {  	_ =	shalt  }
0x41: {  	_ =	shalt  }
0x42: {  	_ =	shalt  }
0x43: {  	_ =	shalt  }
0x44: {  	_ =	shalt  }
0x45: {  	_ =	shalt  }
0x46: {  	_ =	shalt  }
0x47: {  	_ =	shalt  }
0x48: {  	_ =	shalt  }
0x49: {  	_ =	shalt  }
0x4a: {  	_ =	shalt  }
0x4b: {  	_ =	shalt  }
0x4c: {  	_ =	shalt  }
0x4d: {  	_ =	shalt  }
0x4e: {  	_ =	shalt  }
0x4f: {  	_ =	shalt  }
0x50: {  	_ =	shalt  }
0x51: {  	_ =	shalt  }
0x52: {  	_ =	shalt  }
0x53: {  	_ =	shalt  }
0x54: {  	_ =	shalt  }
0x55: {  	_ =	shalt  }
0x56: {  	_ =	shalt  }
0x57: {  	_ =	shalt  }
0x58: {  	_ =	shalt  }
0x59: {  	_ =	shalt  }
0x5a: {  	_ =	shalt  }
0x5b: {  	_ =	shalt  }
0x5c: {  	_ =	shalt  }
0x5d: {  	_ =	shalt  }
0x5e: {  	_ =	shalt  }
0x5f: {  	_ =	shalt  }
0x60: {  	_ =	shalt  }
0x61: {  	_ =	shalt  }
0x62: {  	_ =	shalt  }
0x63: {  	_ =	shalt  }
0x64: {  	_ =	shalt  }
0x65: {  	_ =	shalt  }
0x66: {  	_ =	shalt  }
0x67: {  	_ =	shalt  }
0x68: {  	_ =	shalt  }
0x69: {  	_ =	shalt  }
0x6a: {  	_ =	shalt  }
0x6b: {  	_ =	shalt  }
0x6c: {  	_ =	shalt  }
0x6d: {  	_ =	shalt  }
0x6e: {  	_ =	shalt  }
0x6f: {  	_ =	shalt  }
0x70: {  	_ =	shalt  }
0x71: {  	_ =	shalt  }
0x72: {  	_ =	shalt  }
0x73: {  	_ =	shalt  }
0x74: {  	_ =	shalt  }
0x75: {  	_ =	shalt  }
0x76: {  	_ =	shalt  }
0x77: {  	_ =	shalt  }
0x78: {  	_ =	shalt  }
0x79: {  	_ =	shalt  }
0x7a: {  	_ =	shalt  }
0x7b: {  	_ =	shalt  }
0x7c: {  	_ =	shalt  }
0x7d: {  	_ =	shalt  }
0x7e: {  	_ =	shalt  }
0x7f: {  	_ =	shalt  }
0x80: {  	_ =	shalt  }
0x81: {  	_ =	shalt  }
0x82: {  	_ =	shalt  }
0x83: {  	_ =	shalt  }
0x84: {  	_ =	shalt  }
0x85: {  	_ =	shalt  }
0x86: {  	_ =	shalt  }
0x87: {  	_ =	shalt  }
.Lfunc_end0:
.L_simem_size_0:
called_computation.1_lowered:
.L_overlay_start_0:
0x88: {  	s2 =	sld [smem:$0x3FD9]  }
0x89: {  	s3 =	sld [smem:$0x3FFE];
	_ =	sdelay $0x1  }
0x8a: {  	s1 =	srdreg.scid  }
0x8b: {  	s0 =	sand.u32 $0x1, s1  }
0x8c: {  	s17 =	sshll.u32 s0, $0xA;
	s2 =	sadd.s32 s3, s2  }
0x8d: {  	s2 =	sadd.s32 s2, s17  }
0x8e: {  	[smem:$0x3FC6] =	sst s2  }
0x8f: {  	_ = 	snop  }
0x90: {  	s2 =	sld [smem:$0x3FD0];
	(tm) =	ssettm $0x1  }
0x91: {  	s18 =	sld [smem:$0x3FFB];
	_ =	sdelay $0x3  }
0x92: {  	_ =	strace s18  }
0x93: {  	s3 =	sld [smem:$0x3FFC];
	_ =	sdelay $0x3  }
0x94: {  	_ =	strace s3  }
0x95: {  	s3 =	sld [smem:$0x3FFD];
	_ =	sdelay $0x3  }
0x96: {  	_ =	strace s3  }
0x97: {  	_ =	strace $0x8FFFFFFF  }
0x98: {  	s19 =	sld [smem:$0x3FDB];
	_ =	sdelay $0x1  }
0x99: {  	s4 =	simm.s32 $_scs_section_size  }
0x9a: {  	s5 =	simm.s32 $_size__tile_overlayer_lowered;
	s6 =	simm.s32 $_tile_overlayer_lowered  }
0x9b: {  	s22 =	simm.s32 $0x1BFF;
	s21 =	sshll.u32 s6, $0x1;
	s3 =	sadd.s32 s4, s19  }
0x9c: {  	s7 =	simm.s32 $0x0;
	s20 =	sshll.u32 s5, $0x1;
	s5 =	sadd.s32 s21, s3  }
0x9d: {  	[timem:s7], [sflag:s22] =	dma.local [hbm:s5], s20  }
0x9e: {  	_ =	swait.ge [sflag:s22], s20  }
0x9f: {  	s4 =	ssub.s32 $0x0, s20;
	[sflag:s22] =	ssyncset.done $0x0  }
0xa0: {  	[sflag:s22] =	ssyncadd.s32 s4;
	_ =	sdelay $0x1  }
0xa1: {  	s23 =	simm.s32 $0x1B8B  }
0xa2: {  	_ =	swait.ge [sflag:s23], $0x1  }
0xa3: {  	[sflag:s23] =	ssyncset.done $0x0  }
0xa4: {  	s25 =	simm.s32 $0x1B8E;
	s24 =	sld [smem:$0x3FFE];
	[sflag:s23] =	ssyncadd.s32 $0xFFFFFFFF  }
0xa5: {  	s26 =	simm.s32 $execute0_lowered;
	[smem:$0x3FD2] =	sst s25  }
0xa6: {  	s5 =	sshll.u32 s26, $0x1;
	_ =	strace $0x80000049;
	[dreg:$0x1] =	wrdreg $0xFFFFFFFF  }
0xa7: {  	s28 =	simm.s32 $_size_execute0_lowered;
	s3 =	sadd.s32 s3, s5;
	[dreg:$0x0] =	wrdreg $0x0  }
0xa8: {  	s5 =	sshll.u32 s28, $0x1;
	[dreg:$0x2] =	wrdreg s3  }
0xa9: {  	[dreg:$0x3] =	wrdreg s5  }
0xaa: {  	[dreg:$0x4] =	wrdreg $0xC0  }
0xab: {  	_ =	task [dreg:s7], $0x5FFFF  }
0xac: {  	[dreg:$0x1] =	wrdreg $0xFFFFFFFF  }
0xad: {  	[dreg:$0x0] =	wrdreg $0x60  }
0xae: {  	[dreg:$0x2] =	wrdreg s24  }
0xaf: {  	[dreg:$0x3] =	wrdreg s2  }
0xb0: {  	[dreg:$0x4] =	wrdreg $0x9  }
0xb1: {  	_ =	task.clear_ibuf [dreg:s7], $0x5FFFF;
	_ =	strace $0x90000049  }
0xb2: {  	s29 =	simm.s32 $0x9;
	_ =	strace $0x8000004B  }
0xb3: {  	_ =	swait.ge [sflag:s29], $0x1  }
0xb4: {  	[sflag:s29] =	ssyncadd.s32 $0xFFFFFFFF  }
0xb5: {  	_ =	strace $0x9000004B  }
0xb6: {  	_ =	sfence  }
0xb7: {  	s30 =	sld [smem:$0x0];
	_ =	sdelay $0x2  }
0xb8: {  	s31 =	sshll.u32 s1, $0xD;
	s1 =	sshrl.u32 s1, $0x2  }
0xb9: {  	s3 =	sand.u32 $0x4000, s31;
	s1 =	sadd.s32 s1, s30  }
0xba: {  	s0 =	sor.u32 s3, s0;
	s1 =	sshll.u32 s1, $0x11  }
0xbb: {  	s0 =	sor.u32 s1, s0  }
0xbc: {  	s0 =	sadd.s32 $0x8F2B, s0  }
0xbd: {  	[sflag:s0] =	ssyncadd.remote.s32 $0x1  }
0xbe: {  	_ =	sfence.sel $0xFFFF  }
0xbf: {  	[dreg:$0x0] =	wrdreg $0xFFFFFFFF;
	(pc) =	sbr.abs _section_cstart, $3  }
0xc0: {  	[dreg:$0x1] =	wrdreg $0xFFFFFFFF  }
0xc1: {  	_ =	task.clear_ibuf [dreg:s7], $0x2FFFF;
	_ =	strace $0x9FFFFFFF  }
0xc2: {  	(tm) =	ssettm $0x7FFFFFFF  }
0xc3: {  	_ =	shalt  }
tec
execute0_lowered:
.L_overlay_start_1:
0x0: {  	(tag) =	ssettag $0x1  }
0x1: {  	s1 =	srdreg.scid;
	s4 =	rddreg [dreg:$0x0]  }
0x2: {  	s0 =	stileid.u32;
	s6 =	rddreg [dreg:$0x1];
	s2 =	simm.s32 $0x0  }
0x3: {  	s10 =	simm.s32 $0x6800;
	s11 =	simm.s32 $0x3;
	s12 =	simm.s32 $0x4  }
0x4: {  	s3 =	sand.u32 $0x1, s1;
	s29 =	sshll.u32 s0, $0x1;
	s7 =	smul.u32 $0x68000, s0  }
0x5: {  	s13 =	simm.s32 $0x0;
	s1 =	sor.u32 s3, s29;
	s8 =	smul.u32 $0x34000, s3  }
0x6: {  	[smem:$0x7FF] =	sst s2;
	s9 =	ssub.s32 $0x2, s3;
	s5 =	smul.u32 $0x680, s1  }
.Ltmp0:
0x7: {  	s3 =	sadd.s32 $0xA00, s4;
	s1 =	rddreg [dreg:$0x2];
	(pc) =	sbr.rel .LBB2_1-.Ltmp0, $4  }
0x8: {  	_ =	strace $0x8000004A;
	s30 =	sshrl.u32 s9, $0x1;
	s7 =	sadd.s32 s8, s7  }
0x9: {  	s31 =	ssub.s32 s9, s30;
	s8 =	simm.s32 $0x80;
	s5 =	sadd.s32 s5, s4  }
0xa: {  	s9 =	simm.s32 $0x3400;
	s7 =	sshrl.u32 s7, $0x3;
	s4 =	sadd.s32 $0x4F6A00, s5  }
0xb: {  	v0 =	vlaneseq.u32;
	s5 =	smax.u32 s31, $0x1;
	s6 =	sadd.s32 s7, s6;
	s7 =	simm.s32 $0x5  }
.LBB2_9:
0xc: {  	s13 =	sadd.s32 $0x1, s13  }
0xd: {  	_ =	swait.ge [sflag:s11], $0x800;
	p0 =	sne.s32 s13, s5  }
.Ltmp1:
0xe: {  	[sflag:s11] =	ssyncset.done $0x0;
	(pc) =	sbr.rel @!p0 .LBB2_10-.Ltmp1, $4  }
0xf: {  	[sflag:s11] =	ssyncadd.s32 $0xFFFFF800  }
0x10: {  	_ =	swait.ge [sflag:s12], $0x800  }
0x11: {  	[sflag:s12] =	ssyncset.done $0x0  }
0x12: {  	[sflag:s12] =	ssyncadd.s32 $0xFFFFF800  }
.LBB2_1:
0x13: {  	v1 =	vor.u32 s2, v0  }
0x14: {  	v2 =	vmulhi.u32 $0x4EC4EC4F, v1  }
0x15: {  	[tilespmem:s2], [sflag:$0x5] =	stream.linear.gather [hbm4b:s4+s2], $0x3400, $0x38;
	[tilespmem:$0x7800] =	vst v63  }
0x16: {  	_ =	swait.ge [sflag:s7], $0x3400;
	v2 =	vshrl.u32 v2, $0x3  }
0x17: {  	[sflag:s7] =	ssyncset.done $0x0;
	v2 =	vmul.u32 $0x1A, v2  }
0x18: {  	s16 =	simm.s32 $0x0;
	[sflag:s7] =	ssyncadd.s32 $0xFFFFCC00  }
0x19: {  	v3 =	vsub.s32 v1, v2;
	v2 =	vld [tilespmem:s16+$0x0];
	_ =	sdelay $0x1  }
0x1a: {  	s14 =	simm.s32 $0x40;
	s15 =	simm.s32 $0x10  }
0x1b: {  	s18 =	sand.u32 $0xFE00, s2;
	s17 =	simm.s32 $0x0;
	v1 =	vor.u32 s15, v0;
	s16 =	simm.s32 $0x80;
	v3 =	vmul.u32 $0x186C0, v3  }
.LBB2_2:
0x1c: {  	p0 =	sne.s32 s16, $0xCFC0;
	v4 =	vmulhi.u32 $0x4EC4EC4F, v1;
	s17 =	sand.u32 $0x70, s17;
	s18 =	sshrl.u32 s18, $0x2  }
0x1d: {  	v2 =	vadd.s32 v3, v2;
	s18 =	sor.u32 s17, s18;
	s17 =	smov.u32 s15  }
.Ltmp2:
0x1e: {  	s19 =	sshra.s32 s14, $0x2;
	v3 =	vshrl.u32 v4, $0x3;
	[tilespmem:s18+$0x3400] =	vst v2;
	(pc) =	sbr.rel @p0 .LBB2_2-.Ltmp2, $3  }
0x1f: {  	v3 =	vmul.u32 $0x1A, v3;
	v2 =	vld [tilespmem:s19+$0x0];
	_ =	sdelay $0x1  }
0x20: {  	s15 =	sadd.s32 $0x10, s15;
	v3 =	vsub.s32 v1, v3  }
0x21: {  	s18 =	sand.u32 $0xFE00, s14;
	s14 =	smov.u32 s16;
	s16 =	sadd.s32 $0x40, s16;
	v1 =	vor.u32 s15, v0;
	v3 =	vmul.u32 $0x186C0, v3  }
0x22: {  	v4 =	vmulhi.u32 $0x4EC4EC4F, v1;
	s16 =	sand.u32 $0x70, s17;
	s29 =	sshrl.u32 s18, $0x2  }
0x23: {  	v2 =	vadd.s32 v3, v2;
	s16 =	sor.u32 s16, s29  }
0x24: {  	s30 =	sshra.s32 s14, $0x2;
	v3 =	vshrl.u32 v4, $0x3;
	[tilespmem:s16+$0x3400] =	vst v2  }
0x25: {  	v2 =	vmul.u32 $0x1A, v3;
	v3 =	vld [tilespmem:s30+$0x0];
	_ =	sdelay $0x1  }
0x26: {  	v1 =	vsub.s32 v1, v2  }
.Ltmp3:
0x27: {  	s31 =	sand.u32 $0xFE00, s14;
	v1 =	vmul.u32 $0x186C0, v1;
	(pc) =	sbr.rel .LBB2_4-.Ltmp3, $4  }
0x28: {  	s15 =	sand.u32 $0x70, s15;
	s14 =	sshrl.u32 s31, $0x2  }
0x29: {  	s14 =	sor.u32 s15, s14;
	v1 =	vadd.s32 v1, v3  }
0x2a: {  	s15 =	simm.s32 $0x3480;
	s16 =	smov.u32 s6;
	[tilespmem:s14+$0x3400] =	vst v1;
	s14 =	simm.s32 $0x0  }
0x2b: {  	[tilespmem:s10], [sflag:$0x1] =	stream.indirect.gather [hbm4b:s3+s8], $0x10, s9, s8, $0xb8;
	[tilespmem:$0x7800] =	vst v63  }
.LBB2_7:
0x2c: {  	s19 =	sshll.u32 s18, $0xB  }
0x2d: {  	s31 =	sadd.s32 $0x1, s18;
	s19 =	sadd.s32 $0x6800, s19  }
0x2e: {  	[tilespmem:s19], [sflag:s31] =	stream.indirect.gather [hbm4b:s3+s8], $0x10, s15, s8, $0xb8;
	[tilespmem:$0x7800] =	vst v63  }
.LBB2_8:
0x2f: {  	s14 =	sadd.s32 $0x1, s14  }
0x30: {  	s18 =	sadd.s32 $0x1, s17;
	p0 =	sne.s32 s14, $0x68  }
.Ltmp4:
0x31: {  	_ =	swait.ge [sflag:s18], $0x800;
	(pc) =	sbr.rel @!p0 .LBB2_9-.Ltmp4, $4  }
0x32: {  	s19 =	sshll.u32 s17, $0xB;
	[sflag:s18] =	ssyncset.done $0x0  }
0x33: {  	s30 =	sadd.s32 $0x3, s17;
	s31 =	sadd.s32 $0x6800, s19;
	[sflag:s18] =	ssyncadd.s32 $0xFFFFF800  }
0x34: {  	[hbm4b:s16+s2] =	stream.linear.scatter [tilespmem:s31], [sflag:s30], $0x800, $0x38;
	[tilespmem:$0x7800] =	vst v63  }
0x35: {  	s15 =	sadd.s32 $0x80, s15;
	s16 =	sadd.s32 $0x100, s16  }
.LBB2_4:
0x36: {  	p0 =	seq.s32 s14, $0x0  }
.Ltmp5:
0x37: {  	_ = 	snop;
	(pc) =	sbr.rel @p0 .LBB2_7-.Ltmp5, $3  }
0x38: {  	_ =	sdelay $0x1  }
0x39: {  	s17 =	sand.u32 $0x1, s14  }
0x3a: {  	s18 =	sxor.u32 $0x1, s17  }
0x3b: {  	p0 =	seq.s32 s14, $0x67  }
.Ltmp6:
0x3c: {  	_ = 	snop;
	(pc) =	sbr.rel @p0 .LBB2_8-.Ltmp6, $1  }
0x3d: {  	_ =	sdelay $0x3  }
.Ltmp7:
0x3e: {  	(pc) =	sbr.rel .LBB2_7-.Ltmp7, $4  }
0x3f: {  	s19 =	sadd.s32 $0x3, s18  }
0x40: {  	_ =	swait.ge [sflag:s19], $0x800  }
0x41: {  	[sflag:s19] =	ssyncset.done $0x0  }
0x42: {  	[sflag:s19] =	ssyncadd.s32 $0xFFFFF800  }
.LBB2_10:
0x43: {  	_ =	sfence.sel $0x180000  }
0x44: {  	[bflag:$0x0] =	sbarrier.arrive $0xFFFF  }
0x45: {  	p0 =	sne.s32 s0, $0x0;
	_ =	strace $0x9000004A  }
0x46: {  	s0 =	sadd.s32 @!p0 $0x100000, s1;
	[bflag:$0x2] =	sbarrier.arrive $0xFFFF  }
0x47: {  	[sflag:s0] =	ssyncadd.tile.s32 @!p0 $0x1;
	_ =	shalt  }
.Lfunc_end2:
_tile_overlayer_lowered:
.L_overlay_start_2:
0x48: {  	(tag) =	ssettag $0x2  }
0x49: {  	s0 =	rddreg [dreg:$0x0];
	s2 =	stileid.u32  }
0x4a: {  	s1 =	rddreg [dreg:$0x1];
	p0 =	sne.s32 s2, $0x0  }
0x4b: {  	s3 =	rddreg [dreg:$0x2];
	[bflag:$0x3] =	sbarrier.arrive $0xFFFF;
	s2 =	simm.s32 @!p0 $0x1C05  }
0x4c: {  	[timem:s3], [sflag:s2] =	dma.local @!p0 [hbm:s0], s1  }
0x4d: {  	s0 =	simm.s32 @!p0 $0x5  }
0x4e: {  	_ =	swait.ge @!p0 [sflag:s0], s1  }
0x4f: {  	s1 =	ssub.s32 @!p0 $0x0, s1;
	[sflag:s0] =	ssyncset.done @!p0 $0x0  }
0x50: {  	[sflag:s0] =	ssyncadd.s32 @!p0 s1  }
0x51: {  	[bflag:$0x3] =	sbarrier.arrive $0xFFFF  }
0x52: {  	_ =	shalt  }

</sc_bundles>
